<compile_context>
chip_gen: v7x
topology: tpu7x:2x2x1
jax: 0.10.2.dev20260603
libtpu: 0.0.44.dev20260713+nightly
codegen_flags: <defaults>
</compile_context>

<pallas_src>
import functools

import jax
import jax.numpy as jnp
from jax import lax
from jax.experimental import pallas as pl
from jax.experimental.pallas import tpu as pltpu
from jax.experimental.pallas import tpu_sc as plsc

N_NODES = 10000
N_PAD = 10240
N_EDGES = 320000
D = 128
HALF = D // 2

NC = 2
NS = 16
E_PER_T = N_EDGES // NS
CHUNK = 80
N_CHUNKS = E_PER_T // CHUNK
K_BLK = 5
N_BLOCKS = N_CHUNKS // K_BLK
CNT_SPLIT = N_BLOCKS // 2
ROWS_PER_TILE = N_PAD // NS
N_ZSTRIPES = ROWS_PER_TILE // CHUNK
CNT_W = 16


def _sc_body(h2_hbm, src_hbm, dst_hbm, ones_hbm,
             acc_out, cnt_out,
             src_v, dst_v, rows_v, ones_v, zcnt_v, acc_sh, cnt_sh,
             sem_g, sem_s, sem_s2, sem_c, sem_i):
    c = lax.axis_index("c")
    s = lax.axis_index("s")
    r0 = s * ROWS_PER_TILE

    z16 = jnp.zeros((16,), jnp.float32)

    def zbuf(i, carry):
        for j in range(HALF // 16):
            rows_v[0, 0, i, pl.ds(j * 16, 16)] = z16
        zcnt_v[i, :] = z16
        return carry

    lax.fori_loop(0, CHUNK, zbuf, 0)

    blk0 = s * N_BLOCKS
    pltpu.async_copy(src_hbm.at[blk0], src_v.at[0], sem_g)
    pltpu.async_copy(dst_hbm.at[blk0], dst_v.at[0], sem_g)
    pltpu.async_copy(ones_hbm, ones_v, sem_g)

    def zstripe(k, carry):
        pltpu.async_copy(rows_v.at[0, 0],
                         acc_sh.at[pl.ds(r0 + k * CHUNK, CHUNK)], sem_s)
        pltpu.async_copy(zcnt_v,
                         cnt_sh.at[pl.ds(r0 + k * CHUNK, CHUNK)], sem_s2)
        return carry

    lax.fori_loop(0, N_ZSTRIPES, zstripe, 0)
    pltpu.async_copy(src_hbm.at[blk0 + 1], src_v.at[1], sem_i)
    pltpu.async_copy(dst_hbm.at[blk0 + 1], dst_v.at[1], sem_i)

    def zdrain(k, carry):
        pltpu.make_async_copy(rows_v.at[0, 0],
                              acc_sh.at[pl.ds(r0, CHUNK)], sem_s).wait()
        pltpu.make_async_copy(zcnt_v,
                              cnt_sh.at[pl.ds(r0, CHUNK)], sem_s2).wait()
        return carry

    lax.fori_loop(0, N_ZSTRIPES, zdrain, 0)
    pltpu.make_async_copy(src_hbm.at[blk0], src_v.at[0], sem_g).wait()
    pltpu.make_async_copy(dst_hbm.at[blk0], dst_v.at[0], sem_g).wait()
    pltpu.make_async_copy(ones_hbm, ones_v, sem_g).wait()
    plsc.subcore_barrier()

    def fire_gathers(rset, iset):
        for b in range(K_BLK):
            pltpu.async_copy(h2_hbm.at[src_v.at[iset, b]],
                             rows_v.at[rset, b], sem_g)

    def xform_idx(iset):
        for k in range(K_BLK):
            for j in range(CHUNK // 16):
                sl = pl.ds(j * 16, 16)
                src_v[iset, k, sl] = src_v[iset, k, sl] * 2 + c

    xform_idx(0)
    fire_gathers(0, 0)

    def block(o, carry):
        r = lax.rem(o, 2)
        i3 = lax.rem(o, 3)
        for b in range(K_BLK):
            pltpu.make_async_copy(h2_hbm.at[src_v.at[i3, b]],
                                  rows_v.at[r, b], sem_g).wait()
        @pl.when(r == 0)
        def _():
            for b in range(K_BLK):
                pltpu.async_copy(rows_v.at[r, b], acc_sh.at[dst_v.at[i3, b]],
                                 sem_s, add=True)

        @pl.when(r == 1)
        def _():
            for b in range(K_BLK):
                pltpu.async_copy(rows_v.at[r, b], acc_sh.at[dst_v.at[i3, b]],
                                 sem_s2, add=True)

        @pl.when(jnp.logical_xor(o < CNT_SPLIT, c == 1))
        def _():
            oc = [pltpu.async_copy(ones_v, cnt_sh.at[dst_v.at[i3, b]],
                                   sem_c, add=True)
                  for b in range(K_BLK)]
            for d in oc:
                d.wait()

        @pl.when(jnp.logical_and(o >= 1, r == 1))
        def _():
            for b in range(K_BLK):
                pltpu.make_async_copy(rows_v.at[0, b],
                                      acc_sh.at[dst_v.at[i3, b]],
                                      sem_s).wait()

        @pl.when(jnp.logical_and(o >= 1, r == 0))
        def _():
            for b in range(K_BLK):
                pltpu.make_async_copy(rows_v.at[1, b],
                                      acc_sh.at[dst_v.at[i3, b]],
                                      sem_s2).wait()

        @pl.when(o + 1 < N_BLOCKS)
        def _():
            i3n = lax.rem(o + 1, 3)
            pltpu.make_async_copy(src_hbm.at[blk0 + o + 1],
                                  src_v.at[i3n], sem_i).wait()
            pltpu.make_async_copy(dst_hbm.at[blk0 + o + 1],
                                  dst_v.at[i3n], sem_i).wait()
            xform_idx(i3n)

        @pl.when(o + 2 < N_BLOCKS)
        def _():
            i3nn = lax.rem(o + 2, 3)
            pltpu.async_copy(src_hbm.at[blk0 + o + 2], src_v.at[i3nn], sem_i)
            pltpu.async_copy(dst_hbm.at[blk0 + o + 2], dst_v.at[i3nn], sem_i)

        @pl.when(o + 1 < N_BLOCKS)
        def _():
            fire_gathers(1 - r, lax.rem(o + 1, 3))
        return carry

    lax.fori_loop(0, N_BLOCKS, block, 0)

    _last_r = (N_BLOCKS - 1) % 2
    _last_sem = sem_s2 if _last_r == 1 else sem_s
    for b in range(K_BLK):
        pltpu.make_async_copy(rows_v.at[_last_r, b],
                              acc_sh.at[dst_v.at[0, b]], _last_sem).wait()
    plsc.subcore_barrier()

    pltpu.sync_copy(acc_sh.at[pl.ds(r0, ROWS_PER_TILE)],
                    acc_out.at[pl.ds(r0, ROWS_PER_TILE),
                               pl.ds(c * HALF, HALF)])
    pltpu.sync_copy(cnt_sh.at[pl.ds(r0, ROWS_PER_TILE)],
                    cnt_out.at[pl.ds(r0, ROWS_PER_TILE),
                               pl.ds(c * CNT_W, CNT_W)])


_sc_gather_scatter = functools.partial(
    pl.kernel,
    out_type=(
        jax.ShapeDtypeStruct((N_PAD, D), jnp.float32),
        jax.ShapeDtypeStruct((N_PAD, 2 * CNT_W), jnp.float32),
    ),
    mesh=plsc.VectorSubcoreMesh(core_axis_name="c", subcore_axis_name="s"),
    compiler_params=pltpu.CompilerParams(use_tc_tiling_on_sc=False),
    scratch_types=[
        pltpu.VMEM((3, K_BLK, CHUNK), jnp.int32),
        pltpu.VMEM((3, K_BLK, CHUNK), jnp.int32),
        pltpu.VMEM((2, K_BLK, CHUNK, HALF), jnp.float32),
        pltpu.VMEM((CHUNK, CNT_W), jnp.float32),
        pltpu.VMEM((CHUNK, CNT_W), jnp.float32),
        pltpu.VMEM_SHARED((N_PAD, HALF), jnp.float32),
        pltpu.VMEM_SHARED((N_PAD, CNT_W), jnp.float32),
        pltpu.SemaphoreType.DMA,
        pltpu.SemaphoreType.DMA,
        pltpu.SemaphoreType.DMA,
        pltpu.SemaphoreType.DMA,
        pltpu.SemaphoreType.DMA,
    ],
)(_sc_body)


def _dense_body(acc_ref, cnt_ref, h_ref, wn_ref, ws_ref, b_ref,
                gamma_ref, beta_ref, out_ref):
    summed = acc_ref[:N_NODES, :]
    count = cnt_ref[:N_NODES, 0:1] + cnt_ref[:N_NODES, CNT_W:CNT_W + 1]
    count = jnp.maximum(count, 1.0)
    mean_agg = summed / count
    out = (jnp.dot(mean_agg, wn_ref[...], preferred_element_type=jnp.float32)
           + jnp.dot(h_ref[...], ws_ref[...], preferred_element_type=jnp.float32)
           + b_ref[...])
    out = jnp.maximum(out, 0.0)
    mu = jnp.mean(out, axis=0, keepdims=True)
    var = jnp.mean((out - mu) ** 2, axis=0, keepdims=True)
    out = (out - mu) * lax.rsqrt(var + 1e-5)
    out_ref[...] = out * gamma_ref[...] + beta_ref[...]


_dense = pl.pallas_call(
    _dense_body,
    out_shape=jax.ShapeDtypeStruct((N_NODES, D), jnp.float32),
)


def kernel(feature, edge_index, W_neigh, W_self, b, gamma, beta):
    src = edge_index[0].astype(jnp.int32).reshape(NS * N_BLOCKS, K_BLK, CHUNK)
    dst = edge_index[1].astype(jnp.int32).reshape(NS * N_BLOCKS, K_BLK, CHUNK)
    h2 = feature.reshape(2 * N_NODES, HALF)
    ones = jnp.ones((CHUNK, CNT_W), jnp.float32)
    acc, cnt = _sc_gather_scatter(h2, src, dst, ones)
    return _dense(acc, cnt, feature, W_neigh.T, W_self.T,
                  b.reshape(1, D), gamma.reshape(1, D), beta.reshape(1, D))

# --- scband reference (transcript-rebuilt; emitter-appended) ---
"""Pipeline reference for scband-graph-sage-layer-47201690583087 (READ-ONLY COPY).

The authoritative reference and input builder live on the scoring server;
editing this copy changes nothing except your own understanding.
"""

import jax, jax.numpy as jnp
import numpy as np

N_NODES = 10000
N_EDGES = 320000
D_IN = 128
D_OUT = 128


def setup_inputs(seed: int = 0) -> dict:
    key = jax.random.key(seed)
    k1, k2, k3, k4, k5 = jax.random.split(key, 5)
    feature = jax.random.normal(k1, (N_NODES, D_IN), dtype=jnp.float32)
    edge_index = jax.random.randint(k2, (2, N_EDGES), 0, N_NODES, dtype=jnp.int64)
    # SAGEConv parameters: lin_l (applied to aggregated neighbors), lin_r (applied to root), bias
    scale = 1.0 / np.sqrt(D_IN)
    W_neigh = jax.random.uniform(k3, (D_OUT, D_IN), minval=-scale, maxval=scale, dtype=jnp.float32)
    W_self = jax.random.uniform(k4, (D_OUT, D_IN), minval=-scale, maxval=scale, dtype=jnp.float32)
    b = jax.random.uniform(k5, (D_OUT,), minval=-scale, maxval=scale, dtype=jnp.float32)
    # BatchNorm1d parameters (affine)
    gamma = jnp.ones((D_OUT,), dtype=jnp.float32)
    beta = jnp.zeros((D_OUT,), dtype=jnp.float32)
    return {"feature": feature, "edge_index": edge_index, "W_neigh": W_neigh, "W_self": W_self, "b": b, "gamma": gamma, "beta": beta}


def reference(feature, edge_index, W_neigh, W_self, b, gamma, beta):
    # Dropout p=0.0 -> identity
    h = feature
    src = edge_index[0]
    dst = edge_index[1]
    # SAGEConv with mean aggregation: gather from src, scatter-mean to dst
    msg = jnp.take(h, src, axis=0)  # [E, D_IN] gather
    summed = jax.ops.segment_sum(msg, dst, num_segments=N_NODES)  # scatter-add
    count = jax.ops.segment_sum(jnp.ones((N_EDGES,), dtype=jnp.float32), dst, num_segments=N_NODES)
    count = jnp.clip(count, 1.0, None)
    mean_agg = summed / count[:, None]
    out = mean_agg @ W_neigh.T + h @ W_self.T + b
    # activation = relu
    out = jax.nn.relu(out)
    # BatchNorm1d (training mode: batch statistics, biased variance)
    mu = jnp.mean(out, axis=0)
    var = jnp.mean((out - mu) ** 2, axis=0)
    out = (out - mu) / jnp.sqrt(var + 1e-5)
    out = out * gamma + beta
    # residual=False (default)
    return out

if __name__ == "__main__":
    import jax
    _d = setup_inputs()
    print(jax.jit(kernel)(*tuple(_d.values())))

</pallas_src>

<mosaic_0001>
#map = affine_map<(d0, d1) -> (0, 0)>
#map1 = affine_map<(d0, d1) -> (0, 0, 0)>
module attributes {stable_mosaic.version = 14 : i64} {
  func.func @_sc_body(%arg0: i32, %arg1: i32, %arg2: memref<20000x64xf32, #tpu.memory_space<hbm>>, %arg3: memref<800x5x80xi32, #tpu.memory_space<hbm>>, %arg4: memref<800x5x80xi32, #tpu.memory_space<hbm>>, %arg5: memref<80x16xf32, #tpu.memory_space<hbm>>, %arg6: memref<10240x128xf32, #tpu.memory_space<hbm>>, %arg7: memref<10240x32xf32, #tpu.memory_space<hbm>>, %arg8: memref<3x5x80xi32, #tpu.memory_space<vmem>>, %arg9: memref<3x5x80xi32, #tpu.memory_space<vmem>>, %arg10: memref<2x5x80x64xf32, #tpu.memory_space<vmem>>, %arg11: memref<80x16xf32, #tpu.memory_space<vmem>>, %arg12: memref<80x16xf32, #tpu.memory_space<vmem>>, %arg13: memref<10240x64xf32, #tpu.memory_space<vmem_shared>>, %arg14: memref<10240x16xf32, #tpu.memory_space<vmem_shared>>, %arg15: memref<!tpu.dma_semaphore, #tpu.memory_space<semaphore_mem>>, %arg16: memref<!tpu.dma_semaphore, #tpu.memory_space<semaphore_mem>>, %arg17: memref<!tpu.dma_semaphore, #tpu.memory_space<semaphore_mem>>, %arg18: memref<!tpu.dma_semaphore, #tpu.memory_space<semaphore_mem>>, %arg19: memref<!tpu.dma_semaphore, #tpu.memory_space<semaphore_mem>>) attributes {dimension_semantics = [#tpu.dimension_semantics<core_parallel>, #tpu.dimension_semantics<subcore_parallel>], iteration_bounds = array<i64: 2, 16>, scalar_prefetch = 0 : i64, scratch_operands = 12 : i64, tpu.core_type = #tpu.core_type<sc_vector_subcore>, window_params = [{transform_indices = #map}, {transform_indices = #map1}, {transform_indices = #map1}, {transform_indices = #map}, {transform_indices = #map}, {transform_indices = #map}]} {
    %mul3A = arith.constant 640 : i32
    %mul3A_0 = arith.muli %arg1, %mul3A : i32
    %broadcast_in_dim3A = arith.constant 0.000000e+00 : f32
    %broadcast_in_dim3A_1 = vector.broadcast %broadcast_in_dim3A : f32 to vector<16xf32>
    %scan3A = arith.constant 0 : i32
    %scan3A_2 = arith.constant 0 : i32
    %scan3A_3 = arith.constant 80 : i32
    %scan3A_4 = arith.addi %scan3A_2, %scan3A_3 : i32
    %scan3A_5 = arith.constant 1 : i32
    scf.for %scan3A_773 = %scan3A_2 to %scan3A_4 step %scan3A_5  : i32 {
      %swap3A_774 = arith.constant 0 : i32
      %swap3A_775 = arith.constant 0 : i32
      %swap3A_776 = arith.index_cast %swap3A_774 : i32 to index
      %swap3A_777 = arith.index_cast %swap3A_775 : i32 to index
      %swap3A_778 = arith.index_cast %scan3A_773 : i32 to index
      %swap3A_779 = arith.constant 0 : index
      %swap3A_780 = tpu.vector_load %arg10[%swap3A_776, %swap3A_777, %swap3A_778, %swap3A_779] {strides = array<i32>} : memref<2x5x80x64xf32, #tpu.memory_space<vmem>>, vector<1x1x1x16xf32>,
      %swap3A_781 = vector.shape_cast %swap3A_780 : vector<1x1x1x16xf32> to vector<16xf32>
      %swap3A_782 = vector.shape_cast %broadcast_in_dim3A_1 : vector<16xf32> to vector<1x1x1x16xf32>
      tpu.vector_store %arg10[%swap3A_776, %swap3A_777, %swap3A_778, %swap3A_779], %swap3A_782 {strides = array<i32>} : memref<2x5x80x64xf32, #tpu.memory_space<vmem>>, vector<1x1x1x16xf32>,
      %swap3A_783 = arith.constant 0 : i32
      %swap3A_784 = arith.constant 0 : i32
      %swap3A_785 = arith.index_cast %swap3A_783 : i32 to index
      %swap3A_786 = arith.index_cast %swap3A_784 : i32 to index
      %swap3A_787 = arith.index_cast %scan3A_773 : i32 to index
      %swap3A_788 = arith.constant 16 : index
      %swap3A_789 = tpu.vector_load %arg10[%swap3A_785, %swap3A_786, %swap3A_787, %swap3A_788] {strides = array<i32>} : memref<2x5x80x64xf32, #tpu.memory_space<vmem>>, vector<1x1x1x16xf32>,
      %swap3A_790 = vector.shape_cast %swap3A_789 : vector<1x1x1x16xf32> to vector<16xf32>
      %swap3A_791 = vector.shape_cast %broadcast_in_dim3A_1 : vector<16xf32> to vector<1x1x1x16xf32>
      tpu.vector_store %arg10[%swap3A_785, %swap3A_786, %swap3A_787, %swap3A_788], %swap3A_791 {strides = array<i32>} : memref<2x5x80x64xf32, #tpu.memory_space<vmem>>, vector<1x1x1x16xf32>,
      %swap3A_792 = arith.constant 0 : i32
      %swap3A_793 = arith.constant 0 : i32
      %swap3A_794 = arith.index_cast %swap3A_792 : i32 to index
      %swap3A_795 = arith.index_cast %swap3A_793 : i32 to index
      %swap3A_796 = arith.index_cast %scan3A_773 : i32 to index
      %swap3A_797 = arith.constant 32 : index
      %swap3A_798 = tpu.vector_load %arg10[%swap3A_794, %swap3A_795, %swap3A_796, %swap3A_797] {strides = array<i32>} : memref<2x5x80x64xf32, #tpu.memory_space<vmem>>, vector<1x1x1x16xf32>,
      %swap3A_799 = vector.shape_cast %swap3A_798 : vector<1x1x1x16xf32> to vector<16xf32>
      %swap3A_800 = vector.shape_cast %broadcast_in_dim3A_1 : vector<16xf32> to vector<1x1x1x16xf32>
      tpu.vector_store %arg10[%swap3A_794, %swap3A_795, %swap3A_796, %swap3A_797], %swap3A_800 {strides = array<i32>} : memref<2x5x80x64xf32, #tpu.memory_space<vmem>>, vector<1x1x1x16xf32>,
      %swap3A_801 = arith.constant 0 : i32
      %swap3A_802 = arith.constant 0 : i32
      %swap3A_803 = arith.index_cast %swap3A_801 : i32 to index
      %swap3A_804 = arith.index_cast %swap3A_802 : i32 to index
      %swap3A_805 = arith.index_cast %scan3A_773 : i32 to index
      %swap3A_806 = arith.constant 48 : index
      %swap3A_807 = tpu.vector_load %arg10[%swap3A_803, %swap3A_804, %swap3A_805, %swap3A_806] {strides = array<i32>} : memref<2x5x80x64xf32, #tpu.memory_space<vmem>>, vector<1x1x1x16xf32>,
      %swap3A_808 = vector.shape_cast %swap3A_807 : vector<1x1x1x16xf32> to vector<16xf32>
      %swap3A_809 = vector.shape_cast %broadcast_in_dim3A_1 : vector<16xf32> to vector<1x1x1x16xf32>
      tpu.vector_store %arg10[%swap3A_803, %swap3A_804, %swap3A_805, %swap3A_806], %swap3A_809 {strides = array<i32>} : memref<2x5x80x64xf32, #tpu.memory_space<vmem>>, vector<1x1x1x16xf32>,
      %swap3A_810 = arith.index_cast %scan3A_773 : i32 to index
      %swap3A_811 = arith.constant 0 : index
      %swap3A_812 = tpu.vector_load %arg12[%swap3A_810, %swap3A_811] {strides = array<i32>} : memref<80x16xf32, #tpu.memory_space<vmem>>, vector<1x16xf32>,
      %swap3A_813 = vector.shape_cast %swap3A_812 : vector<1x16xf32> to vector<16xf32>
      %swap3A_814 = vector.shape_cast %broadcast_in_dim3A_1 : vector<16xf32> to vector<1x16xf32>
      tpu.vector_store %arg12[%swap3A_810, %swap3A_811], %swap3A_814 {strides = array<i32>} : memref<80x16xf32, #tpu.memory_space<vmem>>, vector<1x16xf32>,
    }
    %scan3A_6 = arith.constant 80 : i32
    %mul3A_7 = arith.constant 50 : i32
    %mul3A_8 = arith.muli %arg1, %mul3A_7 : i32
    %dma_start3A = arith.constant 0 : i32
    %dma_start3A_9 = arith.constant 0 : i32
    %dma_start3A_10 = arith.constant 0 : i32
    %dma_start3A_11 = tpu.memref_slice %arg8[%dma_start3A, %dma_start3A_9, %dma_start3A_10] : memref<3x5x80xi32, #tpu.memory_space<vmem>> -> memref<1x5x80xi32, #tpu.memory_space<vmem>>
    %dma_start3A_12 = tpu.memref_squeeze %dma_start3A_11 : memref<1x5x80xi32, #tpu.memory_space<vmem>> -> memref<5x80xi32, #tpu.memory_space<vmem>>
    %dma_start3A_13 = arith.constant 0 : i32
    %dma_start3A_14 = arith.constant 0 : i32
    %dma_start3A_15 = tpu.memref_slice %arg3[%mul3A_8, %dma_start3A_13, %dma_start3A_14] : memref<800x5x80xi32, #tpu.memory_space<hbm>> -> memref<1x5x80xi32, #tpu.memory_space<hbm>>
    %dma_start3A_16 = tpu.memref_squeeze %dma_start3A_15 : memref<1x5x80xi32, #tpu.memory_space<hbm>> -> memref<5x80xi32, #tpu.memory_space<hbm>>
    %dma_start3A_17 = arith.constant 0 : i32
    %dma_start3A_18 = arith.constant 0 : i32
    %dma_start3A_19 = tpu.memref_slice %arg8[%dma_start3A, %dma_start3A_17, %dma_start3A_18] : memref<3x5x80xi32, #tpu.memory_space<vmem>> -> memref<1x5x80xi32, #tpu.memory_space<vmem>>
    %dma_start3A_20 = tpu.memref_squeeze %dma_start3A_19 : memref<1x5x80xi32, #tpu.memory_space<vmem>> -> memref<5x80xi32, #tpu.memory_space<vmem>>
    %dma_start3A_21 = arith.constant 0 : i32
    %dma_start3A_22 = arith.constant 0 : i32
    %dma_start3A_23 = tpu.memref_slice %arg3[%mul3A_8, %dma_start3A_21, %dma_start3A_22] : memref<800x5x80xi32, #tpu.memory_space<hbm>> -> memref<1x5x80xi32, #tpu.memory_space<hbm>>
    %dma_start3A_24 = tpu.memref_squeeze %dma_start3A_23 : memref<1x5x80xi32, #tpu.memory_space<hbm>> -> memref<5x80xi32, #tpu.memory_space<hbm>>
    tpu.enqueue_dma source(%dma_start3A_24 : memref<5x80xi32, #tpu.memory_space<hbm>>) target(%dma_start3A_20 : memref<5x80xi32, #tpu.memory_space<vmem>>) target_semaphore(%arg15 : memref<!tpu.dma_semaphore, #tpu.memory_space<semaphore_mem>>)
    %dma_start3A_25 = arith.constant 0 : i32
    %dma_start3A_26 = arith.constant 0 : i32
    %dma_start3A_27 = arith.constant 0 : i32
    %dma_start3A_28 = tpu.memref_slice %arg9[%dma_start3A_25, %dma_start3A_26, %dma_start3A_27] : memref<3x5x80xi32, #tpu.memory_space<vmem>> -> memref<1x5x80xi32, #tpu.memory_space<vmem>>
    %dma_start3A_29 = tpu.memref_squeeze %dma_start3A_28 : memref<1x5x80xi32, #tpu.memory_space<vmem>> -> memref<5x80xi32, #tpu.memory_space<vmem>>
    %dma_start3A_30 = arith.constant 0 : i32
    %dma_start3A_31 = arith.constant 0 : i32
    %dma_start3A_32 = tpu.memref_slice %arg4[%mul3A_8, %dma_start3A_30, %dma_start3A_31] : memref<800x5x80xi32, #tpu.memory_space<hbm>> -> memref<1x5x80xi32, #tpu.memory_space<hbm>>
    %dma_start3A_33 = tpu.memref_squeeze %dma_start3A_32 : memref<1x5x80xi32, #tpu.memory_space<hbm>> -> memref<5x80xi32, #tpu.memory_space<hbm>>
    %dma_start3A_34 = arith.constant 0 : i32
    %dma_start3A_35 = arith.constant 0 : i32
    %dma_start3A_36 = tpu.memref_slice %arg9[%dma_start3A_25, %dma_start3A_34, %dma_start3A_35] : memref<3x5x80xi32, #tpu.memory_space<vmem>> -> memref<1x5x80xi32, #tpu.memory_space<vmem>>
    %dma_start3A_37 = tpu.memref_squeeze %dma_start3A_36 : memref<1x5x80xi32, #tpu.memory_space<vmem>> -> memref<5x80xi32, #tpu.memory_space<vmem>>
    %dma_start3A_38 = arith.constant 0 : i32
    %dma_start3A_39 = arith.constant 0 : i32
    %dma_start3A_40 = tpu.memref_slice %arg4[%mul3A_8, %dma_start3A_38, %dma_start3A_39] : memref<800x5x80xi32, #tpu.memory_space<hbm>> -> memref<1x5x80xi32, #tpu.memory_space<hbm>>
    %dma_start3A_41 = tpu.memref_squeeze %dma_start3A_40 : memref<1x5x80xi32, #tpu.memory_space<hbm>> -> memref<5x80xi32, #tpu.memory_space<hbm>>
    tpu.enqueue_dma source(%dma_start3A_41 : memref<5x80xi32, #tpu.memory_space<hbm>>) target(%dma_start3A_37 : memref<5x80xi32, #tpu.memory_space<vmem>>) target_semaphore(%arg15 : memref<!tpu.dma_semaphore, #tpu.memory_space<semaphore_mem>>)
    tpu.enqueue_dma source(%arg5 : memref<80x16xf32, #tpu.memory_space<hbm>>) target(%arg11 : memref<80x16xf32, #tpu.memory_space<vmem>>) target_semaphore(%arg15 : memref<!tpu.dma_semaphore, #tpu.memory_space<semaphore_mem>>)
    %scan3A_42 = arith.constant 0 : i32
    %scan3A_43 = arith.constant 0 : i32
    %scan3A_44 = arith.constant 8 : i32
    %scan3A_45 = arith.addi %scan3A_43, %scan3A_44 : i32
    %scan3A_46 = arith.constant 1 : i32
    scf.for %scan3A_773 = %scan3A_43 to %scan3A_45 step %scan3A_46  : i32 {
      %mul3A_774 = arith.constant 80 : i32
      %mul3A_775 = arith.muli %scan3A_773, %mul3A_774 : i32
      %add3A_776 = arith.addi %mul3A_0, %mul3A_775 : i32
      %dma_start3A_777 = arith.constant 0 : i32
      %dma_start3A_778 = arith.constant 0 : i32
      %dma_start3A_779 = arith.constant 0 : i32
      %dma_start3A_780 = arith.constant 0 : i32
      %dma_start3A_781 = tpu.memref_slice %arg10[%dma_start3A_777, %dma_start3A_778, %dma_start3A_779, %dma_start3A_780] : memref<2x5x80x64xf32, #tpu.memory_space<vmem>> -> memref<1x1x80x64xf32, #tpu.memory_space<vmem>>
      %dma_start3A_782 = tpu.memref_squeeze %dma_start3A_781 : memref<1x1x80x64xf32, #tpu.memory_space<vmem>> -> memref<80x64xf32, #tpu.memory_space<vmem>>
      %dma_start3A_783 = arith.constant 0 : i32
      %dma_start3A_784 = tpu.memref_slice %arg13[%add3A_776, %dma_start3A_783] : memref<10240x64xf32, #tpu.memory_space<vmem_shared>> -> memref<80x64xf32, #tpu.memory_space<vmem_shared>>
      %dma_start3A_785 = arith.constant 0 : i32
      %dma_start3A_786 = tpu.memref_slice %arg13[%add3A_776, %dma_start3A_785] : memref<10240x64xf32, #tpu.memory_space<vmem_shared>> -> memref<80x64xf32, #tpu.memory_space<vmem_shared>>
      %dma_start3A_787 = arith.constant 0 : i32
      %dma_start3A_788 = arith.constant 0 : i32
      %dma_start3A_789 = tpu.memref_slice %arg10[%dma_start3A_777, %dma_start3A_778, %dma_start3A_787, %dma_start3A_788] : memref<2x5x80x64xf32, #tpu.memory_space<vmem>> -> memref<1x1x80x64xf32, #tpu.memory_space<vmem>>
      %dma_start3A_790 = tpu.memref_squeeze %dma_start3A_789 : memref<1x1x80x64xf32, #tpu.memory_space<vmem>> -> memref<80x64xf32, #tpu.memory_space<vmem>>
      tpu.enqueue_dma source(%dma_start3A_790 : memref<80x64xf32, #tpu.memory_space<vmem>>) target(%dma_start3A_786 : memref<80x64xf32, #tpu.memory_space<vmem_shared>>) target_semaphore(%arg16 : memref<!tpu.dma_semaphore, #tpu.memory_space<semaphore_mem>>)
      %mul3A_791 = arith.constant 80 : i32
      %mul3A_792 = arith.muli %scan3A_773, %mul3A_791 : i32
      %add3A_793 = arith.addi %mul3A_0, %mul3A_792 : i32
      %dma_start3A_794 = arith.constant 0 : i32
      %dma_start3A_795 = tpu.memref_slice %arg14[%add3A_793, %dma_start3A_794] : memref<10240x16xf32, #tpu.memory_space<vmem_shared>> -> memref<80x16xf32, #tpu.memory_space<vmem_shared>>
      %dma_start3A_796 = arith.constant 0 : i32
      %dma_start3A_797 = tpu.memref_slice %arg14[%add3A_793, %dma_start3A_796] : memref<10240x16xf32, #tpu.memory_space<vmem_shared>> -> memref<80x16xf32, #tpu.memory_space<vmem_shared>>
      tpu.enqueue_dma source(%arg12 : memref<80x16xf32, #tpu.memory_space<vmem>>) target(%dma_start3A_797 : memref<80x16xf32, #tpu.memory_space<vmem_shared>>) target_semaphore(%arg17 : memref<!tpu.dma_semaphore, #tpu.memory_space<semaphore_mem>>)
    }
    %scan3A_47 = arith.constant 8 : i32
    %add3A = arith.constant 1 : i32
    %add3A_48 = arith.addi %mul3A_8, %add3A : i32
    %dma_start3A_49 = arith.constant 1 : i32
    %dma_start3A_50 = arith.constant 0 : i32
    %dma_start3A_51 = arith.constant 0 : i32
    %dma_start3A_52 = tpu.memref_slice %arg8[%dma_start3A_49, %dma_start3A_50, %dma_start3A_51] : memref<3x5x80xi32, #tpu.memory_space<vmem>> -> memref<1x5x80xi32, #tpu.memory_space<vmem>>
    %dma_start3A_53 = tpu.memref_squeeze %dma_start3A_52 : memref<1x5x80xi32, #tpu.memory_space<vmem>> -> memref<5x80xi32, #tpu.memory_space<vmem>>
    %dma_start3A_54 = arith.constant 0 : i32
    %dma_start3A_55 = arith.constant 0 : i32
    %dma_start3A_56 = tpu.memref_slice %arg3[%add3A_48, %dma_start3A_54, %dma_start3A_55] : memref<800x5x80xi32, #tpu.memory_space<hbm>> -> memref<1x5x80xi32, #tpu.memory_space<hbm>>
    %dma_start3A_57 = tpu.memref_squeeze %dma_start3A_56 : memref<1x5x80xi32, #tpu.memory_space<hbm>> -> memref<5x80xi32, #tpu.memory_space<hbm>>
    %dma_start3A_58 = arith.constant 0 : i32
    %dma_start3A_59 = arith.constant 0 : i32
    %dma_start3A_60 = tpu.memref_slice %arg8[%dma_start3A_49, %dma_start3A_58, %dma_start3A_59] : memref<3x5x80xi32, #tpu.memory_space<vmem>> -> memref<1x5x80xi32, #tpu.memory_space<vmem>>
    %dma_start3A_61 = tpu.memref_squeeze %dma_start3A_60 : memref<1x5x80xi32, #tpu.memory_space<vmem>> -> memref<5x80xi32, #tpu.memory_space<vmem>>
    %dma_start3A_62 = arith.constant 0 : i32
    %dma_start3A_63 = arith.constant 0 : i32
    %dma_start3A_64 = tpu.memref_slice %arg3[%add3A_48, %dma_start3A_62, %dma_start3A_63] : memref<800x5x80xi32, #tpu.memory_space<hbm>> -> memref<1x5x80xi32, #tpu.memory_space<hbm>>
    %dma_start3A_65 = tpu.memref_squeeze %dma_start3A_64 : memref<1x5x80xi32, #tpu.memory_space<hbm>> -> memref<5x80xi32, #tpu.memory_space<hbm>>
    tpu.enqueue_dma source(%dma_start3A_65 : memref<5x80xi32, #tpu.memory_space<hbm>>) target(%dma_start3A_61 : memref<5x80xi32, #tpu.memory_space<vmem>>) target_semaphore(%arg19 : memref<!tpu.dma_semaphore, #tpu.memory_space<semaphore_mem>>)
    %add3A_66 = arith.constant 1 : i32
    %add3A_67 = arith.addi %mul3A_8, %add3A_66 : i32
    %dma_start3A_68 = arith.constant 1 : i32
    %dma_start3A_69 = arith.constant 0 : i32
    %dma_start3A_70 = arith.constant 0 : i32
    %dma_start3A_71 = tpu.memref_slice %arg9[%dma_start3A_68, %dma_start3A_69, %dma_start3A_70] : memref<3x5x80xi32, #tpu.memory_space<vmem>> -> memref<1x5x80xi32, #tpu.memory_space<vmem>>
    %dma_start3A_72 = tpu.memref_squeeze %dma_start3A_71 : memref<1x5x80xi32, #tpu.memory_space<vmem>> -> memref<5x80xi32, #tpu.memory_space<vmem>>
    %dma_start3A_73 = arith.constant 0 : i32
    %dma_start3A_74 = arith.constant 0 : i32
    %dma_start3A_75 = tpu.memref_slice %arg4[%add3A_67, %dma_start3A_73, %dma_start3A_74] : memref<800x5x80xi32, #tpu.memory_space<hbm>> -> memref<1x5x80xi32, #tpu.memory_space<hbm>>
    %dma_start3A_76 = tpu.memref_squeeze %dma_start3A_75 : memref<1x5x80xi32, #tpu.memory_space<hbm>> -> memref<5x80xi32, #tpu.memory_space<hbm>>
    %dma_start3A_77 = arith.constant 0 : i32
    %dma_start3A_78 = arith.constant 0 : i32
    %dma_start3A_79 = tpu.memref_slice %arg9[%dma_start3A_68, %dma_start3A_77, %dma_start3A_78] : memref<3x5x80xi32, #tpu.memory_space<vmem>> -> memref<1x5x80xi32, #tpu.memory_space<vmem>>
    %dma_start3A_80 = tpu.memref_squeeze %dma_start3A_79 : memref<1x5x80xi32, #tpu.memory_space<vmem>> -> memref<5x80xi32, #tpu.memory_space<vmem>>
    %dma_start3A_81 = arith.constant 0 : i32
    %dma_start3A_82 = arith.constant 0 : i32
    %dma_start3A_83 = tpu.memref_slice %arg4[%add3A_67, %dma_start3A_81, %dma_start3A_82] : memref<800x5x80xi32, #tpu.memory_space<hbm>> -> memref<1x5x80xi32, #tpu.memory_space<hbm>>
    %dma_start3A_84 = tpu.memref_squeeze %dma_start3A_83 : memref<1x5x80xi32, #tpu.memory_space<hbm>> -> memref<5x80xi32, #tpu.memory_space<hbm>>
    tpu.enqueue_dma source(%dma_start3A_84 : memref<5x80xi32, #tpu.memory_space<hbm>>) target(%dma_start3A_80 : memref<5x80xi32, #tpu.memory_space<vmem>>) target_semaphore(%arg19 : memref<!tpu.dma_semaphore, #tpu.memory_space<semaphore_mem>>)
    %scan3A_85 = arith.constant 0 : i32
    %scan3A_86 = arith.constant 0 : i32
    %scan3A_87 = arith.constant 8 : i32
    %scan3A_88 = arith.addi %scan3A_86, %scan3A_87 : i32
    %scan3A_89 = arith.constant 1 : i32
    scf.for %scan3A_773 = %scan3A_86 to %scan3A_88 step %scan3A_89  : i32 {
      %dma_wait3A_774 = arith.constant 0 : i32
      %dma_wait3A_775 = arith.constant 0 : i32
      %dma_wait3A_776 = arith.constant 0 : i32
      %dma_wait3A_777 = arith.constant 0 : i32
      %dma_wait3A_778 = tpu.memref_slice %arg10[%dma_wait3A_774, %dma_wait3A_775, %dma_wait3A_776, %dma_wait3A_777] : memref<2x5x80x64xf32, #tpu.memory_space<vmem>> -> memref<1x1x80x64xf32, #tpu.memory_space<vmem>>
      %dma_wait3A_779 = tpu.memref_squeeze %dma_wait3A_778 : memref<1x1x80x64xf32, #tpu.memory_space<vmem>> -> memref<80x64xf32, #tpu.memory_space<vmem>>
      %dma_wait3A_780 = arith.constant 0 : i32
      %dma_wait3A_781 = tpu.memref_slice %arg13[%mul3A_0, %dma_wait3A_780] : memref<10240x64xf32, #tpu.memory_space<vmem_shared>> -> memref<80x64xf32, #tpu.memory_space<vmem_shared>>
      %dma_wait3A_782 = arith.constant 0 : i32
      %dma_wait3A_783 = tpu.memref_slice %arg13[%mul3A_0, %dma_wait3A_782] : memref<10240x64xf32, #tpu.memory_space<vmem_shared>> -> memref<80x64xf32, #tpu.memory_space<vmem_shared>>
      %dma_wait3A_784 = arith.constant 0 : i32
      %dma_wait3A_785 = arith.constant 0 : i32
      %dma_wait3A_786 = tpu.memref_slice %arg10[%dma_wait3A_774, %dma_wait3A_775, %dma_wait3A_784, %dma_wait3A_785] : memref<2x5x80x64xf32, #tpu.memory_space<vmem>> -> memref<1x1x80x64xf32, #tpu.memory_space<vmem>>
      %dma_wait3A_787 = tpu.memref_squeeze %dma_wait3A_786 : memref<1x1x80x64xf32, #tpu.memory_space<vmem>> -> memref<80x64xf32, #tpu.memory_space<vmem>>
      tpu.wait_dma2 semaphore(%arg16 : memref<!tpu.dma_semaphore, #tpu.memory_space<semaphore_mem>>) src(%dma_wait3A_787 : memref<80x64xf32, #tpu.memory_space<vmem>>) dst(%dma_wait3A_783 : memref<80x64xf32, #tpu.memory_space<vmem_shared>>)
      %dma_wait3A_788 = arith.constant 0 : i32
      %dma_wait3A_789 = tpu.memref_slice %arg14[%mul3A_0, %dma_wait3A_788] : memref<10240x16xf32, #tpu.memory_space<vmem_shared>> -> memref<80x16xf32, #tpu.memory_space<vmem_shared>>
      %dma_wait3A_790 = arith.constant 0 : i32
      %dma_wait3A_791 = tpu.memref_slice %arg14[%mul3A_0, %dma_wait3A_790] : memref<10240x16xf32, #tpu.memory_space<vmem_shared>> -> memref<80x16xf32, #tpu.memory_space<vmem_shared>>
      tpu.wait_dma2 semaphore(%arg17 : memref<!tpu.dma_semaphore, #tpu.memory_space<semaphore_mem>>) src(%arg12 : memref<80x16xf32, #tpu.memory_space<vmem>>) dst(%dma_wait3A_791 : memref<80x16xf32, #tpu.memory_space<vmem_shared>>)
    }
    %scan3A_90 = arith.constant 8 : i32
    %dma_wait3A = arith.constant 0 : i32
    %dma_wait3A_91 = arith.constant 0 : i32
    %dma_wait3A_92 = arith.constant 0 : i32
    %dma_wait3A_93 = tpu.memref_slice %arg8[%dma_wait3A, %dma_wait3A_91, %dma_wait3A_92] : memref<3x5x80xi32, #tpu.memory_space<vmem>> -> memref<1x5x80xi32, #tpu.memory_space<vmem>>
    %dma_wait3A_94 = tpu.memref_squeeze %dma_wait3A_93 : memref<1x5x80xi32, #tpu.memory_space<vmem>> -> memref<5x80xi32, #tpu.memory_space<vmem>>
    %dma_wait3A_95 = arith.constant 0 : i32
    %dma_wait3A_96 = arith.constant 0 : i32
    %dma_wait3A_97 = tpu.memref_slice %arg3[%mul3A_8, %dma_wait3A_95, %dma_wait3A_96] : memref<800x5x80xi32, #tpu.memory_space<hbm>> -> memref<1x5x80xi32, #tpu.memory_space<hbm>>
    %dma_wait3A_98 = tpu.memref_squeeze %dma_wait3A_97 : memref<1x5x80xi32, #tpu.memory_space<hbm>> -> memref<5x80xi32, #tpu.memory_space<hbm>>
    %dma_wait3A_99 = arith.constant 0 : i32
    %dma_wait3A_100 = arith.constant 0 : i32
    %dma_wait3A_101 = tpu.memref_slice %arg8[%dma_wait3A, %dma_wait3A_99, %dma_wait3A_100] : memref<3x5x80xi32, #tpu.memory_space<vmem>> -> memref<1x5x80xi32, #tpu.memory_space<vmem>>
    %dma_wait3A_102 = tpu.memref_squeeze %dma_wait3A_101 : memref<1x5x80xi32, #tpu.memory_space<vmem>> -> memref<5x80xi32, #tpu.memory_space<vmem>>
    %dma_wait3A_103 = arith.constant 0 : i32
    %dma_wait3A_104 = arith.constant 0 : i32
    %dma_wait3A_105 = tpu.memref_slice %arg3[%mul3A_8, %dma_wait3A_103, %dma_wait3A_104] : memref<800x5x80xi32, #tpu.memory_space<hbm>> -> memref<1x5x80xi32, #tpu.memory_space<hbm>>
    %dma_wait3A_106 = tpu.memref_squeeze %dma_wait3A_105 : memref<1x5x80xi32, #tpu.memory_space<hbm>> -> memref<5x80xi32, #tpu.memory_space<hbm>>
    tpu.wait_dma2 semaphore(%arg15 : memref<!tpu.dma_semaphore, #tpu.memory_space<semaphore_mem>>) src(%dma_wait3A_106 : memref<5x80xi32, #tpu.memory_space<hbm>>) dst(%dma_wait3A_102 : memref<5x80xi32, #tpu.memory_space<vmem>>)
    %dma_wait3A_107 = arith.constant 0 : i32
    %dma_wait3A_108 = arith.constant 0 : i32
    %dma_wait3A_109 = arith.constant 0 : i32
    %dma_wait3A_110 = tpu.memref_slice %arg9[%dma_wait3A_107, %dma_wait3A_108, %dma_wait3A_109] : memref<3x5x80xi32, #tpu.memory_space<vmem>> -> memref<1x5x80xi32, #tpu.memory_space<vmem>>
    %dma_wait3A_111 = tpu.memref_squeeze %dma_wait3A_110 : memref<1x5x80xi32, #tpu.memory_space<vmem>> -> memref<5x80xi32, #tpu.memory_space<vmem>>
    %dma_wait3A_112 = arith.constant 0 : i32
    %dma_wait3A_113 = arith.constant 0 : i32
    %dma_wait3A_114 = tpu.memref_slice %arg4[%mul3A_8, %dma_wait3A_112, %dma_wait3A_113] : memref<800x5x80xi32, #tpu.memory_space<hbm>> -> memref<1x5x80xi32, #tpu.memory_space<hbm>>
    %dma_wait3A_115 = tpu.memref_squeeze %dma_wait3A_114 : memref<1x5x80xi32, #tpu.memory_space<hbm>> -> memref<5x80xi32, #tpu.memory_space<hbm>>
    %dma_wait3A_116 = arith.constant 0 : i32
    %dma_wait3A_117 = arith.constant 0 : i32
    %dma_wait3A_118 = tpu.memref_slice %arg9[%dma_wait3A_107, %dma_wait3A_116, %dma_wait3A_117] : memref<3x5x80xi32, #tpu.memory_space<vmem>> -> memref<1x5x80xi32, #tpu.memory_space<vmem>>
    %dma_wait3A_119 = tpu.memref_squeeze %dma_wait3A_118 : memref<1x5x80xi32, #tpu.memory_space<vmem>> -> memref<5x80xi32, #tpu.memory_space<vmem>>
    %dma_wait3A_120 = arith.constant 0 : i32
    %dma_wait3A_121 = arith.constant 0 : i32
    %dma_wait3A_122 = tpu.memref_slice %arg4[%mul3A_8, %dma_wait3A_120, %dma_wait3A_121] : memref<800x5x80xi32, #tpu.memory_space<hbm>> -> memref<1x5x80xi32, #tpu.memory_space<hbm>>
    %dma_wait3A_123 = tpu.memref_squeeze %dma_wait3A_122 : memref<1x5x80xi32, #tpu.memory_space<hbm>> -> memref<5x80xi32, #tpu.memory_space<hbm>>
    tpu.wait_dma2 semaphore(%arg15 : memref<!tpu.dma_semaphore, #tpu.memory_space<semaphore_mem>>) src(%dma_wait3A_123 : memref<5x80xi32, #tpu.memory_space<hbm>>) dst(%dma_wait3A_119 : memref<5x80xi32, #tpu.memory_space<vmem>>)
    tpu.wait_dma2 semaphore(%arg15 : memref<!tpu.dma_semaphore, #tpu.memory_space<semaphore_mem>>) src(%arg5 : memref<80x16xf32, #tpu.memory_space<hbm>>) dst(%arg11 : memref<80x16xf32, #tpu.memory_space<vmem>>)
    %barrier3A = arith.constant 0 : index
    tpu.barrier barrier_id(%barrier3A)
    %get3A = arith.constant 0 : i32
    %get3A_124 = arith.constant 0 : i32
    %get3A_125 = arith.index_cast %get3A : i32 to index
    %get3A_126 = arith.index_cast %get3A_124 : i32 to index
    %get3A_127 = arith.constant 0 : index
    %get3A_128 = tpu.vector_load %arg8[%get3A_125, %get3A_126, %get3A_127] {strides = array<i32>} : memref<3x5x80xi32, #tpu.memory_space<vmem>>, vector<1x1x16xi32>,
    %get3A_129 = vector.shape_cast %get3A_128 : vector<1x1x16xi32> to vector<16xi32>
    %mul3A_130 = arith.constant 2 : i32
    %mul3A_131 = vector.broadcast %mul3A_130 : i32 to vector<16xi32>
    %mul3A_132 = arith.muli %get3A_129, %mul3A_131 : vector<16xi32>
    %add3A_133 = vector.broadcast %arg0 : i32 to vector<16xi32>
    %add3A_134 = arith.addi %mul3A_132, %add3A_133 : vector<16xi32>
    %swap3A = arith.constant 0 : i32
    %swap3A_135 = arith.constant 0 : i32
    %swap3A_136 = arith.index_cast %swap3A : i32 to index
    %swap3A_137 = arith.index_cast %swap3A_135 : i32 to index
    %swap3A_138 = arith.constant 0 : index
    %swap3A_139 = tpu.vector_load %arg8[%swap3A_136, %swap3A_137, %swap3A_138] {strides = array<i32>} : memref<3x5x80xi32, #tpu.memory_space<vmem>>, vector<1x1x16xi32>,
    %swap3A_140 = vector.shape_cast %swap3A_139 : vector<1x1x16xi32> to vector<16xi32>
    %swap3A_141 = vector.shape_cast %add3A_134 : vector<16xi32> to vector<1x1x16xi32>
    tpu.vector_store %arg8[%swap3A_136, %swap3A_137, %swap3A_138], %swap3A_141 {strides = array<i32>} : memref<3x5x80xi32, #tpu.memory_space<vmem>>, vector<1x1x16xi32>,
    %get3A_142 = arith.constant 0 : i32
    %get3A_143 = arith.constant 0 : i32
    %get3A_144 = arith.index_cast %get3A_142 : i32 to index
    %get3A_145 = arith.index_cast %get3A_143 : i32 to index
    %get3A_146 = arith.constant 16 : index
    %get3A_147 = tpu.vector_load %arg8[%get3A_144, %get3A_145, %get3A_146] {strides = array<i32>} : memref<3x5x80xi32, #tpu.memory_space<vmem>>, vector<1x1x16xi32>,
    %get3A_148 = vector.shape_cast %get3A_147 : vector<1x1x16xi32> to vector<16xi32>
    %mul3A_149 = arith.constant 2 : i32
    %mul3A_150 = vector.broadcast %mul3A_149 : i32 to vector<16xi32>
    %mul3A_151 = arith.muli %get3A_148, %mul3A_150 : vector<16xi32>
    %add3A_152 = vector.broadcast %arg0 : i32 to vector<16xi32>
    %add3A_153 = arith.addi %mul3A_151, %add3A_152 : vector<16xi32>
    %swap3A_154 = arith.constant 0 : i32
    %swap3A_155 = arith.constant 0 : i32
    %swap3A_156 = arith.index_cast %swap3A_154 : i32 to index
    %swap3A_157 = arith.index_cast %swap3A_155 : i32 to index
    %swap3A_158 = arith.constant 16 : index
    %swap3A_159 = tpu.vector_load %arg8[%swap3A_156, %swap3A_157, %swap3A_158] {strides = array<i32>} : memref<3x5x80xi32, #tpu.memory_space<vmem>>, vector<1x1x16xi32>,
    %swap3A_160 = vector.shape_cast %swap3A_159 : vector<1x1x16xi32> to vector<16xi32>
    %swap3A_161 = vector.shape_cast %add3A_153 : vector<16xi32> to vector<1x1x16xi32>
    tpu.vector_store %arg8[%swap3A_156, %swap3A_157, %swap3A_158], %swap3A_161 {strides = array<i32>} : memref<3x5x80xi32, #tpu.memory_space<vmem>>, vector<1x1x16xi32>,
    %get3A_162 = arith.constant 0 : i32
    %get3A_163 = arith.constant 0 : i32
    %get3A_164 = arith.index_cast %get3A_162 : i32 to index
    %get3A_165 = arith.index_cast %get3A_163 : i32 to index
    %get3A_166 = arith.constant 32 : index
    %get3A_167 = tpu.vector_load %arg8[%get3A_164, %get3A_165, %get3A_166] {strides = array<i32>} : memref<3x5x80xi32, #tpu.memory_space<vmem>>, vector<1x1x16xi32>,
    %get3A_168 = vector.shape_cast %get3A_167 : vector<1x1x16xi32> to vector<16xi32>
    %mul3A_169 = arith.constant 2 : i32
    %mul3A_170 = vector.broadcast %mul3A_169 : i32 to vector<16xi32>
    %mul3A_171 = arith.muli %get3A_168, %mul3A_170 : vector<16xi32>
    %add3A_172 = vector.broadcast %arg0 : i32 to vector<16xi32>
    %add3A_173 = arith.addi %mul3A_171, %add3A_172 : vector<16xi32>
    %swap3A_174 = arith.constant 0 : i32
    %swap3A_175 = arith.constant 0 : i32
    %swap3A_176 = arith.index_cast %swap3A_174 : i32 to index
    %swap3A_177 = arith.index_cast %swap3A_175 : i32 to index
    %swap3A_178 = arith.constant 32 : index
    %swap3A_179 = tpu.vector_load %arg8[%swap3A_176, %swap3A_177, %swap3A_178] {strides = array<i32>} : memref<3x5x80xi32, #tpu.memory_space<vmem>>, vector<1x1x16xi32>,
    %swap3A_180 = vector.shape_cast %swap3A_179 : vector<1x1x16xi32> to vector<16xi32>
    %swap3A_181 = vector.shape_cast %add3A_173 : vector<16xi32> to vector<1x1x16xi32>
    tpu.vector_store %arg8[%swap3A_176, %swap3A_177, %swap3A_178], %swap3A_181 {strides = array<i32>} : memref<3x5x80xi32, #tpu.memory_space<vmem>>, vector<1x1x16xi32>,
    %get3A_182 = arith.constant 0 : i32
    %get3A_183 = arith.constant 0 : i32
    %get3A_184 = arith.index_cast %get3A_182 : i32 to index
    %get3A_185 = arith.index_cast %get3A_183 : i32 to index
    %get3A_186 = arith.constant 48 : index
    %get3A_187 = tpu.vector_load %arg8[%get3A_184, %get3A_185, %get3A_186] {strides = array<i32>} : memref<3x5x80xi32, #tpu.memory_space<vmem>>, vector<1x1x16xi32>,
    %get3A_188 = vector.shape_cast %get3A_187 : vector<1x1x16xi32> to vector<16xi32>
    %mul3A_189 = arith.constant 2 : i32
    %mul3A_190 = vector.broadcast %mul3A_189 : i32 to vector<16xi32>
    %mul3A_191 = arith.muli %get3A_188, %mul3A_190 : vector<16xi32>
    %add3A_192 = vector.broadcast %arg0 : i32 to vector<16xi32>
    %add3A_193 = arith.addi %mul3A_191, %add3A_192 : vector<16xi32>
    %swap3A_194 = arith.constant 0 : i32
    %swap3A_195 = arith.constant 0 : i32
    %swap3A_196 = arith.index_cast %swap3A_194 : i32 to index
    %swap3A_197 = arith.index_cast %swap3A_195 : i32 to index
    %swap3A_198 = arith.constant 48 : index
    %swap3A_199 = tpu.vector_load %arg8[%swap3A_196, %swap3A_197, %swap3A_198] {strides = array<i32>} : memref<3x5x80xi32, #tpu.memory_space<vmem>>, vector<1x1x16xi32>,
    %swap3A_200 = vector.shape_cast %swap3A_199 : vector<1x1x16xi32> to vector<16xi32>
    %swap3A_201 = vector.shape_cast %add3A_193 : vector<16xi32> to vector<1x1x16xi32>
    tpu.vector_store %arg8[%swap3A_196, %swap3A_197, %swap3A_198], %swap3A_201 {strides = array<i32>} : memref<3x5x80xi32, #tpu.memory_space<vmem>>, vector<1x1x16xi32>,
    %get3A_202 = arith.constant 0 : i32
    %get3A_203 = arith.constant 0 : i32
    %get3A_204 = arith.index_cast %get3A_202 : i32 to index
    %get3A_205 = arith.index_cast %get3A_203 : i32 to index
    %get3A_206 = arith.constant 64 : index
    %get3A_207 = tpu.vector_load %arg8[%get3A_204, %get3A_205, %get3A_206] {strides = array<i32>} : memref<3x5x80xi32, #tpu.memory_space<vmem>>, vector<1x1x16xi32>,
    %get3A_208 = vector.shape_cast %get3A_207 : vector<1x1x16xi32> to vector<16xi32>
    %mul3A_209 = arith.constant 2 : i32
    %mul3A_210 = vector.broadcast %mul3A_209 : i32 to vector<16xi32>
    %mul3A_211 = arith.muli %get3A_208, %mul3A_210 : vector<16xi32>
    %add3A_212 = vector.broadcast %arg0 : i32 to vector<16xi32>
    %add3A_213 = arith.addi %mul3A_211, %add3A_212 : vector<16xi32>
    %swap3A_214 = arith.constant 0 : i32
    %swap3A_215 = arith.constant 0 : i32
    %swap3A_216 = arith.index_cast %swap3A_214 : i32 to index
    %swap3A_217 = arith.index_cast %swap3A_215 : i32 to index
    %swap3A_218 = arith.constant 64 : index
    %swap3A_219 = tpu.vector_load %arg8[%swap3A_216, %swap3A_217, %swap3A_218] {strides = array<i32>} : memref<3x5x80xi32, #tpu.memory_space<vmem>>, vector<1x1x16xi32>,
    %swap3A_220 = vector.shape_cast %swap3A_219 : vector<1x1x16xi32> to vector<16xi32>
    %swap3A_221 = vector.shape_cast %add3A_213 : vector<16xi32> to vector<1x1x16xi32>
    tpu.vector_store %arg8[%swap3A_216, %swap3A_217, %swap3A_218], %swap3A_221 {strides = array<i32>} : memref<3x5x80xi32, #tpu.memory_space<vmem>>, vector<1x1x16xi32>,
    %get3A_222 = arith.constant 0 : i32
    %get3A_223 = arith.constant 1 : i32
    %get3A_224 = arith.index_cast %get3A_222 : i32 to index
    %get3A_225 = arith.index_cast %get3A_223 : i32 to index
    %get3A_226 = arith.constant 0 : index
    %get3A_227 = tpu.vector_load %arg8[%get3A_224, %get3A_225, %get3A_226] {strides = array<i32>} : memref<3x5x80xi32, #tpu.memory_space<vmem>>, vector<1x1x16xi32>,
    %get3A_228 = vector.shape_cast %get3A_227 : vector<1x1x16xi32> to vector<16xi32>
    %mul3A_229 = arith.constant 2 : i32
    %mul3A_230 = vector.broadcast %mul3A_229 : i32 to vector<16xi32>
    %mul3A_231 = arith.muli %get3A_228, %mul3A_230 : vector<16xi32>
    %add3A_232 = vector.broadcast %arg0 : i32 to vector<16xi32>
    %add3A_233 = arith.addi %mul3A_231, %add3A_232 : vector<16xi32>
    %swap3A_234 = arith.constant 0 : i32
    %swap3A_235 = arith.constant 1 : i32
    %swap3A_236 = arith.index_cast %swap3A_234 : i32 to index
    %swap3A_237 = arith.index_cast %swap3A_235 : i32 to index
    %swap3A_238 = arith.constant 0 : index
    %swap3A_239 = tpu.vector_load %arg8[%swap3A_236, %swap3A_237, %swap3A_238] {strides = array<i32>} : memref<3x5x80xi32, #tpu.memory_space<vmem>>, vector<1x1x16xi32>,
    %swap3A_240 = vector.shape_cast %swap3A_239 : vector<1x1x16xi32> to vector<16xi32>
    %swap3A_241 = vector.shape_cast %add3A_233 : vector<16xi32> to vector<1x1x16xi32>
    tpu.vector_store %arg8[%swap3A_236, %swap3A_237, %swap3A_238], %swap3A_241 {strides = array<i32>} : memref<3x5x80xi32, #tpu.memory_space<vmem>>, vector<1x1x16xi32>,
    %get3A_242 = arith.constant 0 : i32
    %get3A_243 = arith.constant 1 : i32
    %get3A_244 = arith.index_cast %get3A_242 : i32 to index
    %get3A_245 = arith.index_cast %get3A_243 : i32 to index
    %get3A_246 = arith.constant 16 : index
    %get3A_247 = tpu.vector_load %arg8[%get3A_244, %get3A_245, %get3A_246] {strides = array<i32>} : memref<3x5x80xi32, #tpu.memory_space<vmem>>, vector<1x1x16xi32>,
    %get3A_248 = vector.shape_cast %get3A_247 : vector<1x1x16xi32> to vector<16xi32>
    %mul3A_249 = arith.constant 2 : i32
    %mul3A_250 = vector.broadcast %mul3A_249 : i32 to vector<16xi32>
    %mul3A_251 = arith.muli %get3A_248, %mul3A_250 : vector<16xi32>
    %add3A_252 = vector.broadcast %arg0 : i32 to vector<16xi32>
    %add3A_253 = arith.addi %mul3A_251, %add3A_252 : vector<16xi32>
    %swap3A_254 = arith.constant 0 : i32
    %swap3A_255 = arith.constant 1 : i32
    %swap3A_256 = arith.index_cast %swap3A_254 : i32 to index
    %swap3A_257 = arith.index_cast %swap3A_255 : i32 to index
    %swap3A_258 = arith.constant 16 : index
    %swap3A_259 = tpu.vector_load %arg8[%swap3A_256, %swap3A_257, %swap3A_258] {strides = array<i32>} : memref<3x5x80xi32, #tpu.memory_space<vmem>>, vector<1x1x16xi32>,
    %swap3A_260 = vector.shape_cast %swap3A_259 : vector<1x1x16xi32> to vector<16xi32>
    %swap3A_261 = vector.shape_cast %add3A_253 : vector<16xi32> to vector<1x1x16xi32>
    tpu.vector_store %arg8[%swap3A_256, %swap3A_257, %swap3A_258], %swap3A_261 {strides = array<i32>} : memref<3x5x80xi32, #tpu.memory_space<vmem>>, vector<1x1x16xi32>,
    %get3A_262 = arith.constant 0 : i32
    %get3A_263 = arith.constant 1 : i32
    %get3A_264 = arith.index_cast %get3A_262 : i32 to index
    %get3A_265 = arith.index_cast %get3A_263 : i32 to index
    %get3A_266 = arith.constant 32 : index
    %get3A_267 = tpu.vector_load %arg8[%get3A_264, %get3A_265, %get3A_266] {strides = array<i32>} : memref<3x5x80xi32, #tpu.memory_space<vmem>>, vector<1x1x16xi32>,
    %get3A_268 = vector.shape_cast %get3A_267 : vector<1x1x16xi32> to vector<16xi32>
    %mul3A_269 = arith.constant 2 : i32
    %mul3A_270 = vector.broadcast %mul3A_269 : i32 to vector<16xi32>
    %mul3A_271 = arith.muli %get3A_268, %mul3A_270 : vector<16xi32>
    %add3A_272 = vector.broadcast %arg0 : i32 to vector<16xi32>
    %add3A_273 = arith.addi %mul3A_271, %add3A_272 : vector<16xi32>
    %swap3A_274 = arith.constant 0 : i32
    %swap3A_275 = arith.constant 1 : i32
    %swap3A_276 = arith.index_cast %swap3A_274 : i32 to index
    %swap3A_277 = arith.index_cast %swap3A_275 : i32 to index
    %swap3A_278 = arith.constant 32 : index
    %swap3A_279 = tpu.vector_load %arg8[%swap3A_276, %swap3A_277, %swap3A_278] {strides = array<i32>} : memref<3x5x80xi32, #tpu.memory_space<vmem>>, vector<1x1x16xi32>,
    %swap3A_280 = vector.shape_cast %swap3A_279 : vector<1x1x16xi32> to vector<16xi32>
    %swap3A_281 = vector.shape_cast %add3A_273 : vector<16xi32> to vector<1x1x16xi32>
    tpu.vector_store %arg8[%swap3A_276, %swap3A_277, %swap3A_278], %swap3A_281 {strides = array<i32>} : memref<3x5x80xi32, #tpu.memory_space<vmem>>, vector<1x1x16xi32>,
    %get3A_282 = arith.constant 0 : i32
    %get3A_283 = arith.constant 1 : i32
    %get3A_284 = arith.index_cast %get3A_282 : i32 to index
    %get3A_285 = arith.index_cast %get3A_283 : i32 to index
    %get3A_286 = arith.constant 48 : index
    %get3A_287 = tpu.vector_load %arg8[%get3A_284, %get3A_285, %get3A_286] {strides = array<i32>} : memref<3x5x80xi32, #tpu.memory_space<vmem>>, vector<1x1x16xi32>,
    %get3A_288 = vector.shape_cast %get3A_287 : vector<1x1x16xi32> to vector<16xi32>
    %mul3A_289 = arith.constant 2 : i32
    %mul3A_290 = vector.broadcast %mul3A_289 : i32 to vector<16xi32>
    %mul3A_291 = arith.muli %get3A_288, %mul3A_290 : vector<16xi32>
    %add3A_292 = vector.broadcast %arg0 : i32 to vector<16xi32>
    %add3A_293 = arith.addi %mul3A_291, %add3A_292 : vector<16xi32>
    %swap3A_294 = arith.constant 0 : i32
    %swap3A_295 = arith.constant 1 : i32
    %swap3A_296 = arith.index_cast %swap3A_294 : i32 to index
    %swap3A_297 = arith.index_cast %swap3A_295 : i32 to index
    %swap3A_298 = arith.constant 48 : index
    %swap3A_299 = tpu.vector_load %arg8[%swap3A_296, %swap3A_297, %swap3A_298] {strides = array<i32>} : memref<3x5x80xi32, #tpu.memory_space<vmem>>, vector<1x1x16xi32>,
    %swap3A_300 = vector.shape_cast %swap3A_299 : vector<1x1x16xi32> to vector<16xi32>
    %swap3A_301 = vector.shape_cast %add3A_293 : vector<16xi32> to vector<1x1x16xi32>
    tpu.vector_store %arg8[%swap3A_296, %swap3A_297, %swap3A_298], %swap3A_301 {strides = array<i32>} : memref<3x5x80xi32, #tpu.memory_space<vmem>>, vector<1x1x16xi32>,
    %get3A_302 = arith.constant 0 : i32
    %get3A_303 = arith.constant 1 : i32
    %get3A_304 = arith.index_cast %get3A_302 : i32 to index
    %get3A_305 = arith.index_cast %get3A_303 : i32 to index
    %get3A_306 = arith.constant 64 : index
    %get3A_307 = tpu.vector_load %arg8[%get3A_304, %get3A_305, %get3A_306] {strides = array<i32>} : memref<3x5x80xi32, #tpu.memory_space<vmem>>, vector<1x1x16xi32>,
    %get3A_308 = vector.shape_cast %get3A_307 : vector<1x1x16xi32> to vector<16xi32>
    %mul3A_309 = arith.constant 2 : i32
    %mul3A_310 = vector.broadcast %mul3A_309 : i32 to vector<16xi32>
    %mul3A_311 = arith.muli %get3A_308, %mul3A_310 : vector<16xi32>
    %add3A_312 = vector.broadcast %arg0 : i32 to vector<16xi32>
    %add3A_313 = arith.addi %mul3A_311, %add3A_312 : vector<16xi32>
    %swap3A_314 = arith.constant 0 : i32
    %swap3A_315 = arith.constant 1 : i32
    %swap3A_316 = arith.index_cast %swap3A_314 : i32 to index
    %swap3A_317 = arith.index_cast %swap3A_315 : i32 to index
    %swap3A_318 = arith.constant 64 : index
    %swap3A_319 = tpu.vector_load %arg8[%swap3A_316, %swap3A_317, %swap3A_318] {strides = array<i32>} : memref<3x5x80xi32, #tpu.memory_space<vmem>>, vector<1x1x16xi32>,
    %swap3A_320 = vector.shape_cast %swap3A_319 : vector<1x1x16xi32> to vector<16xi32>
    %swap3A_321 = vector.shape_cast %add3A_313 : vector<16xi32> to vector<1x1x16xi32>
    tpu.vector_store %arg8[%swap3A_316, %swap3A_317, %swap3A_318], %swap3A_321 {strides = array<i32>} : memref<3x5x80xi32, #tpu.memory_space<vmem>>, vector<1x1x16xi32>,
    %get3A_322 = arith.constant 0 : i32
    %get3A_323 = arith.constant 2 : i32
    %get3A_324 = arith.index_cast %get3A_322 : i32 to index
    %get3A_325 = arith.index_cast %get3A_323 : i32 to index
    %get3A_326 = arith.constant 0 : index
    %get3A_327 = tpu.vector_load %arg8[%get3A_324, %get3A_325, %get3A_326] {strides = array<i32>} : memref<3x5x80xi32, #tpu.memory_space<vmem>>, vector<1x1x16xi32>,
    %get3A_328 = vector.shape_cast %get3A_327 : vector<1x1x16xi32> to vector<16xi32>
    %mul3A_329 = arith.constant 2 : i32
    %mul3A_330 = vector.broadcast %mul3A_329 : i32 to vector<16xi32>
    %mul3A_331 = arith.muli %get3A_328, %mul3A_330 : vector<16xi32>
    %add3A_332 = vector.broadcast %arg0 : i32 to vector<16xi32>
    %add3A_333 = arith.addi %mul3A_331, %add3A_332 : vector<16xi32>
    %swap3A_334 = arith.constant 0 : i32
    %swap3A_335 = arith.constant 2 : i32
    %swap3A_336 = arith.index_cast %swap3A_334 : i32 to index
    %swap3A_337 = arith.index_cast %swap3A_335 : i32 to index
    %swap3A_338 = arith.constant 0 : index
    %swap3A_339 = tpu.vector_load %arg8[%swap3A_336, %swap3A_337, %swap3A_338] {strides = array<i32>} : memref<3x5x80xi32, #tpu.memory_space<vmem>>, vector<1x1x16xi32>,
    %swap3A_340 = vector.shape_cast %swap3A_339 : vector<1x1x16xi32> to vector<16xi32>
    %swap3A_341 = vector.shape_cast %add3A_333 : vector<16xi32> to vector<1x1x16xi32>
    tpu.vector_store %arg8[%swap3A_336, %swap3A_337, %swap3A_338], %swap3A_341 {strides = array<i32>} : memref<3x5x80xi32, #tpu.memory_space<vmem>>, vector<1x1x16xi32>,
    %get3A_342 = arith.constant 0 : i32
    %get3A_343 = arith.constant 2 : i32
    %get3A_344 = arith.index_cast %get3A_342 : i32 to index
    %get3A_345 = arith.index_cast %get3A_343 : i32 to index
    %get3A_346 = arith.constant 16 : index
    %get3A_347 = tpu.vector_load %arg8[%get3A_344, %get3A_345, %get3A_346] {strides = array<i32>} : memref<3x5x80xi32, #tpu.memory_space<vmem>>, vector<1x1x16xi32>,
    %get3A_348 = vector.shape_cast %get3A_347 : vector<1x1x16xi32> to vector<16xi32>
    %mul3A_349 = arith.constant 2 : i32
    %mul3A_350 = vector.broadcast %mul3A_349 : i32 to vector<16xi32>
    %mul3A_351 = arith.muli %get3A_348, %mul3A_350 : vector<16xi32>
    %add3A_352 = vector.broadcast %arg0 : i32 to vector<16xi32>
    %add3A_353 = arith.addi %mul3A_351, %add3A_352 : vector<16xi32>
    %swap3A_354 = arith.constant 0 : i32
    %swap3A_355 = arith.constant 2 : i32
    %swap3A_356 = arith.index_cast %swap3A_354 : i32 to index
    %swap3A_357 = arith.index_cast %swap3A_355 : i32 to index
    %swap3A_358 = arith.constant 16 : index
    %swap3A_359 = tpu.vector_load %arg8[%swap3A_356, %swap3A_357, %swap3A_358] {strides = array<i32>} : memref<3x5x80xi32, #tpu.memory_space<vmem>>, vector<1x1x16xi32>,
    %swap3A_360 = vector.shape_cast %swap3A_359 : vector<1x1x16xi32> to vector<16xi32>
    %swap3A_361 = vector.shape_cast %add3A_353 : vector<16xi32> to vector<1x1x16xi32>
    tpu.vector_store %arg8[%swap3A_356, %swap3A_357, %swap3A_358], %swap3A_361 {strides = array<i32>} : memref<3x5x80xi32, #tpu.memory_space<vmem>>, vector<1x1x16xi32>,
    %get3A_362 = arith.constant 0 : i32
    %get3A_363 = arith.constant 2 : i32
    %get3A_364 = arith.index_cast %get3A_362 : i32 to index
    %get3A_365 = arith.index_cast %get3A_363 : i32 to index
    %get3A_366 = arith.constant 32 : index
    %get3A_367 = tpu.vector_load %arg8[%get3A_364, %get3A_365, %get3A_366] {strides = array<i32>} : memref<3x5x80xi32, #tpu.memory_space<vmem>>, vector<1x1x16xi32>,
    %get3A_368 = vector.shape_cast %get3A_367 : vector<1x1x16xi32> to vector<16xi32>
    %mul3A_369 = arith.constant 2 : i32
    %mul3A_370 = vector.broadcast %mul3A_369 : i32 to vector<16xi32>
    %mul3A_371 = arith.muli %get3A_368, %mul3A_370 : vector<16xi32>
    %add3A_372 = vector.broadcast %arg0 : i32 to vector<16xi32>
    %add3A_373 = arith.addi %mul3A_371, %add3A_372 : vector<16xi32>
    %swap3A_374 = arith.constant 0 : i32
    %swap3A_375 = arith.constant 2 : i32
    %swap3A_376 = arith.index_cast %swap3A_374 : i32 to index
    %swap3A_377 = arith.index_cast %swap3A_375 : i32 to index
    %swap3A_378 = arith.constant 32 : index
    %swap3A_379 = tpu.vector_load %arg8[%swap3A_376, %swap3A_377, %swap3A_378] {strides = array<i32>} : memref<3x5x80xi32, #tpu.memory_space<vmem>>, vector<1x1x16xi32>,
    %swap3A_380 = vector.shape_cast %swap3A_379 : vector<1x1x16xi32> to vector<16xi32>
    %swap3A_381 = vector.shape_cast %add3A_373 : vector<16xi32> to vector<1x1x16xi32>
    tpu.vector_store %arg8[%swap3A_376, %swap3A_377, %swap3A_378], %swap3A_381 {strides = array<i32>} : memref<3x5x80xi32, #tpu.memory_space<vmem>>, vector<1x1x16xi32>,
    %get3A_382 = arith.constant 0 : i32
    %get3A_383 = arith.constant 2 : i32
    %get3A_384 = arith.index_cast %get3A_382 : i32 to index
    %get3A_385 = arith.index_cast %get3A_383 : i32 to index
    %get3A_386 = arith.constant 48 : index
    %get3A_387 = tpu.vector_load %arg8[%get3A_384, %get3A_385, %get3A_386] {strides = array<i32>} : memref<3x5x80xi32, #tpu.memory_space<vmem>>, vector<1x1x16xi32>,
    %get3A_388 = vector.shape_cast %get3A_387 : vector<1x1x16xi32> to vector<16xi32>
    %mul3A_389 = arith.constant 2 : i32
    %mul3A_390 = vector.broadcast %mul3A_389 : i32 to vector<16xi32>
    %mul3A_391 = arith.muli %get3A_388, %mul3A_390 : vector<16xi32>
    %add3A_392 = vector.broadcast %arg0 : i32 to vector<16xi32>
    %add3A_393 = arith.addi %mul3A_391, %add3A_392 : vector<16xi32>
    %swap3A_394 = arith.constant 0 : i32
    %swap3A_395 = arith.constant 2 : i32
    %swap3A_396 = arith.index_cast %swap3A_394 : i32 to index
    %swap3A_397 = arith.index_cast %swap3A_395 : i32 to index
    %swap3A_398 = arith.constant 48 : index
    %swap3A_399 = tpu.vector_load %arg8[%swap3A_396, %swap3A_397, %swap3A_398] {strides = array<i32>} : memref<3x5x80xi32, #tpu.memory_space<vmem>>, vector<1x1x16xi32>,
    %swap3A_400 = vector.shape_cast %swap3A_399 : vector<1x1x16xi32> to vector<16xi32>
    %swap3A_401 = vector.shape_cast %add3A_393 : vector<16xi32> to vector<1x1x16xi32>
    tpu.vector_store %arg8[%swap3A_396, %swap3A_397, %swap3A_398], %swap3A_401 {strides = array<i32>} : memref<3x5x80xi32, #tpu.memory_space<vmem>>, vector<1x1x16xi32>,
    %get3A_402 = arith.constant 0 : i32
    %get3A_403 = arith.constant 2 : i32
    %get3A_404 = arith.index_cast %get3A_402 : i32 to index
    %get3A_405 = arith.index_cast %get3A_403 : i32 to index
    %get3A_406 = arith.constant 64 : index
    %get3A_407 = tpu.vector_load %arg8[%get3A_404, %get3A_405, %get3A_406] {strides = array<i32>} : memref<3x5x80xi32, #tpu.memory_space<vmem>>, vector<1x1x16xi32>,
    %get3A_408 = vector.shape_cast %get3A_407 : vector<1x1x16xi32> to vector<16xi32>
    %mul3A_409 = arith.constant 2 : i32
    %mul3A_410 = vector.broadcast %mul3A_409 : i32 to vector<16xi32>
    %mul3A_411 = arith.muli %get3A_408, %mul3A_410 : vector<16xi32>
    %add3A_412 = vector.broadcast %arg0 : i32 to vector<16xi32>
    %add3A_413 = arith.addi %mul3A_411, %add3A_412 : vector<16xi32>
    %swap3A_414 = arith.constant 0 : i32
    %swap3A_415 = arith.constant 2 : i32
    %swap3A_416 = arith.index_cast %swap3A_414 : i32 to index
    %swap3A_417 = arith.index_cast %swap3A_415 : i32 to index
    %swap3A_418 = arith.constant 64 : index
    %swap3A_419 = tpu.vector_load %arg8[%swap3A_416, %swap3A_417, %swap3A_418] {strides = array<i32>} : memref<3x5x80xi32, #tpu.memory_space<vmem>>, vector<1x1x16xi32>,
    %swap3A_420 = vector.shape_cast %swap3A_419 : vector<1x1x16xi32> to vector<16xi32>
    %swap3A_421 = vector.shape_cast %add3A_413 : vector<16xi32> to vector<1x1x16xi32>
    tpu.vector_store %arg8[%swap3A_416, %swap3A_417, %swap3A_418], %swap3A_421 {strides = array<i32>} : memref<3x5x80xi32, #tpu.memory_space<vmem>>, vector<1x1x16xi32>,
    %get3A_422 = arith.constant 0 : i32
    %get3A_423 = arith.constant 3 : i32
    %get3A_424 = arith.index_cast %get3A_422 : i32 to index
    %get3A_425 = arith.index_cast %get3A_423 : i32 to index
    %get3A_426 = arith.constant 0 : index
    %get3A_427 = tpu.vector_load %arg8[%get3A_424, %get3A_425, %get3A_426] {strides = array<i32>} : memref<3x5x80xi32, #tpu.memory_space<vmem>>, vector<1x1x16xi32>,
    %get3A_428 = vector.shape_cast %get3A_427 : vector<1x1x16xi32> to vector<16xi32>
    %mul3A_429 = arith.constant 2 : i32
    %mul3A_430 = vector.broadcast %mul3A_429 : i32 to vector<16xi32>
    %mul3A_431 = arith.muli %get3A_428, %mul3A_430 : vector<16xi32>
    %add3A_432 = vector.broadcast %arg0 : i32 to vector<16xi32>
    %add3A_433 = arith.addi %mul3A_431, %add3A_432 : vector<16xi32>
    %swap3A_434 = arith.constant 0 : i32
    %swap3A_435 = arith.constant 3 : i32
    %swap3A_436 = arith.index_cast %swap3A_434 : i32 to index
    %swap3A_437 = arith.index_cast %swap3A_435 : i32 to index
    %swap3A_438 = arith.constant 0 : index
    %swap3A_439 = tpu.vector_load %arg8[%swap3A_436, %swap3A_437, %swap3A_438] {strides = array<i32>} : memref<3x5x80xi32, #tpu.memory_space<vmem>>, vector<1x1x16xi32>,
    %swap3A_440 = vector.shape_cast %swap3A_439 : vector<1x1x16xi32> to vector<16xi32>
    %swap3A_441 = vector.shape_cast %add3A_433 : vector<16xi32> to vector<1x1x16xi32>
    tpu.vector_store %arg8[%swap3A_436, %swap3A_437, %swap3A_438], %swap3A_441 {strides = array<i32>} : memref<3x5x80xi32, #tpu.memory_space<vmem>>, vector<1x1x16xi32>,
    %get3A_442 = arith.constant 0 : i32
    %get3A_443 = arith.constant 3 : i32
    %get3A_444 = arith.index_cast %get3A_442 : i32 to index
    %get3A_445 = arith.index_cast %get3A_443 : i32 to index
    %get3A_446 = arith.constant 16 : index
    %get3A_447 = tpu.vector_load %arg8[%get3A_444, %get3A_445, %get3A_446] {strides = array<i32>} : memref<3x5x80xi32, #tpu.memory_space<vmem>>, vector<1x1x16xi32>,
    %get3A_448 = vector.shape_cast %get3A_447 : vector<1x1x16xi32> to vector<16xi32>
    %mul3A_449 = arith.constant 2 : i32
    %mul3A_450 = vector.broadcast %mul3A_449 : i32 to vector<16xi32>
    %mul3A_451 = arith.muli %get3A_448, %mul3A_450 : vector<16xi32>
    %add3A_452 = vector.broadcast %arg0 : i32 to vector<16xi32>
    %add3A_453 = arith.addi %mul3A_451, %add3A_452 : vector<16xi32>
    %swap3A_454 = arith.constant 0 : i32
    %swap3A_455 = arith.constant 3 : i32
    %swap3A_456 = arith.index_cast %swap3A_454 : i32 to index
    %swap3A_457 = arith.index_cast %swap3A_455 : i32 to index
    %swap3A_458 = arith.constant 16 : index
    %swap3A_459 = tpu.vector_load %arg8[%swap3A_456, %swap3A_457, %swap3A_458] {strides = array<i32>} : memref<3x5x80xi32, #tpu.memory_space<vmem>>, vector<1x1x16xi32>,
    %swap3A_460 = vector.shape_cast %swap3A_459 : vector<1x1x16xi32> to vector<16xi32>
    %swap3A_461 = vector.shape_cast %add3A_453 : vector<16xi32> to vector<1x1x16xi32>
    tpu.vector_store %arg8[%swap3A_456, %swap3A_457, %swap3A_458], %swap3A_461 {strides = array<i32>} : memref<3x5x80xi32, #tpu.memory_space<vmem>>, vector<1x1x16xi32>,
    %get3A_462 = arith.constant 0 : i32
    %get3A_463 = arith.constant 3 : i32
    %get3A_464 = arith.index_cast %get3A_462 : i32 to index
    %get3A_465 = arith.index_cast %get3A_463 : i32 to index
    %get3A_466 = arith.constant 32 : index
    %get3A_467 = tpu.vector_load %arg8[%get3A_464, %get3A_465, %get3A_466] {strides = array<i32>} : memref<3x5x80xi32, #tpu.memory_space<vmem>>, vector<1x1x16xi32>,
    %get3A_468 = vector.shape_cast %get3A_467 : vector<1x1x16xi32> to vector<16xi32>
    %mul3A_469 = arith.constant 2 : i32
    %mul3A_470 = vector.broadcast %mul3A_469 : i32 to vector<16xi32>
    %mul3A_471 = arith.muli %get3A_468, %mul3A_470 : vector<16xi32>
    %add3A_472 = vector.broadcast %arg0 : i32 to vector<16xi32>
    %add3A_473 = arith.addi %mul3A_471, %add3A_472 : vector<16xi32>
    %swap3A_474 = arith.constant 0 : i32
    %swap3A_475 = arith.constant 3 : i32
    %swap3A_476 = arith.index_cast %swap3A_474 : i32 to index
    %swap3A_477 = arith.index_cast %swap3A_475 : i32 to index
    %swap3A_478 = arith.constant 32 : index
    %swap3A_479 = tpu.vector_load %arg8[%swap3A_476, %swap3A_477, %swap3A_478] {strides = array<i32>} : memref<3x5x80xi32, #tpu.memory_space<vmem>>, vector<1x1x16xi32>,
    %swap3A_480 = vector.shape_cast %swap3A_479 : vector<1x1x16xi32> to vector<16xi32>
    %swap3A_481 = vector.shape_cast %add3A_473 : vector<16xi32> to vector<1x1x16xi32>
    tpu.vector_store %arg8[%swap3A_476, %swap3A_477, %swap3A_478], %swap3A_481 {strides = array<i32>} : memref<3x5x80xi32, #tpu.memory_space<vmem>>, vector<1x1x16xi32>,
    %get3A_482 = arith.constant 0 : i32
    %get3A_483 = arith.constant 3 : i32
    %get3A_484 = arith.index_cast %get3A_482 : i32 to index
    %get3A_485 = arith.index_cast %get3A_483 : i32 to index
    %get3A_486 = arith.constant 48 : index
    %get3A_487 = tpu.vector_load %arg8[%get3A_484, %get3A_485, %get3A_486] {strides = array<i32>} : memref<3x5x80xi32, #tpu.memory_space<vmem>>, vector<1x1x16xi32>,
    %get3A_488 = vector.shape_cast %get3A_487 : vector<1x1x16xi32> to vector<16xi32>
    %mul3A_489 = arith.constant 2 : i32
    %mul3A_490 = vector.broadcast %mul3A_489 : i32 to vector<16xi32>
    %mul3A_491 = arith.muli %get3A_488, %mul3A_490 : vector<16xi32>
    %add3A_492 = vector.broadcast %arg0 : i32 to vector<16xi32>
    %add3A_493 = arith.addi %mul3A_491, %add3A_492 : vector<16xi32>
    %swap3A_494 = arith.constant 0 : i32
    %swap3A_495 = arith.constant 3 : i32
    %swap3A_496 = arith.index_cast %swap3A_494 : i32 to index
    %swap3A_497 = arith.index_cast %swap3A_495 : i32 to index
    %swap3A_498 = arith.constant 48 : index
    %swap3A_499 = tpu.vector_load %arg8[%swap3A_496, %swap3A_497, %swap3A_498] {strides = array<i32>} : memref<3x5x80xi32, #tpu.memory_space<vmem>>, vector<1x1x16xi32>,
    %swap3A_500 = vector.shape_cast %swap3A_499 : vector<1x1x16xi32> to vector<16xi32>
    %swap3A_501 = vector.shape_cast %add3A_493 : vector<16xi32> to vector<1x1x16xi32>
    tpu.vector_store %arg8[%swap3A_496, %swap3A_497, %swap3A_498], %swap3A_501 {strides = array<i32>} : memref<3x5x80xi32, #tpu.memory_space<vmem>>, vector<1x1x16xi32>,
    %get3A_502 = arith.constant 0 : i32
    %get3A_503 = arith.constant 3 : i32
    %get3A_504 = arith.index_cast %get3A_502 : i32 to index
    %get3A_505 = arith.index_cast %get3A_503 : i32 to index
    %get3A_506 = arith.constant 64 : index
    %get3A_507 = tpu.vector_load %arg8[%get3A_504, %get3A_505, %get3A_506] {strides = array<i32>} : memref<3x5x80xi32, #tpu.memory_space<vmem>>, vector<1x1x16xi32>,
    %get3A_508 = vector.shape_cast %get3A_507 : vector<1x1x16xi32> to vector<16xi32>
    %mul3A_509 = arith.constant 2 : i32
    %mul3A_510 = vector.broadcast %mul3A_509 : i32 to vector<16xi32>
    %mul3A_511 = arith.muli %get3A_508, %mul3A_510 : vector<16xi32>
    %add3A_512 = vector.broadcast %arg0 : i32 to vector<16xi32>
    %add3A_513 = arith.addi %mul3A_511, %add3A_512 : vector<16xi32>
    %swap3A_514 = arith.constant 0 : i32
    %swap3A_515 = arith.constant 3 : i32
    %swap3A_516 = arith.index_cast %swap3A_514 : i32 to index
    %swap3A_517 = arith.index_cast %swap3A_515 : i32 to index
    %swap3A_518 = arith.constant 64 : index
    %swap3A_519 = tpu.vector_load %arg8[%swap3A_516, %swap3A_517, %swap3A_518] {strides = array<i32>} : memref<3x5x80xi32, #tpu.memory_space<vmem>>, vector<1x1x16xi32>,
    %swap3A_520 = vector.shape_cast %swap3A_519 : vector<1x1x16xi32> to vector<16xi32>
    %swap3A_521 = vector.shape_cast %add3A_513 : vector<16xi32> to vector<1x1x16xi32>
    tpu.vector_store %arg8[%swap3A_516, %swap3A_517, %swap3A_518], %swap3A_521 {strides = array<i32>} : memref<3x5x80xi32, #tpu.memory_space<vmem>>, vector<1x1x16xi32>,
    %get3A_522 = arith.constant 0 : i32
    %get3A_523 = arith.constant 4 : i32
    %get3A_524 = arith.index_cast %get3A_522 : i32 to index
    %get3A_525 = arith.index_cast %get3A_523 : i32 to index
    %get3A_526 = arith.constant 0 : index
    %get3A_527 = tpu.vector_load %arg8[%get3A_524, %get3A_525, %get3A_526] {strides = array<i32>} : memref<3x5x80xi32, #tpu.memory_space<vmem>>, vector<1x1x16xi32>,
    %get3A_528 = vector.shape_cast %get3A_527 : vector<1x1x16xi32> to vector<16xi32>
    %mul3A_529 = arith.constant 2 : i32
    %mul3A_530 = vector.broadcast %mul3A_529 : i32 to vector<16xi32>
    %mul3A_531 = arith.muli %get3A_528, %mul3A_530 : vector<16xi32>
    %add3A_532 = vector.broadcast %arg0 : i32 to vector<16xi32>
    %add3A_533 = arith.addi %mul3A_531, %add3A_532 : vector<16xi32>
    %swap3A_534 = arith.constant 0 : i32
    %swap3A_535 = arith.constant 4 : i32
    %swap3A_536 = arith.index_cast %swap3A_534 : i32 to index
    %swap3A_537 = arith.index_cast %swap3A_535 : i32 to index
    %swap3A_538 = arith.constant 0 : index
    %swap3A_539 = tpu.vector_load %arg8[%swap3A_536, %swap3A_537, %swap3A_538] {strides = array<i32>} : memref<3x5x80xi32, #tpu.memory_space<vmem>>, vector<1x1x16xi32>,
    %swap3A_540 = vector.shape_cast %swap3A_539 : vector<1x1x16xi32> to vector<16xi32>
    %swap3A_541 = vector.shape_cast %add3A_533 : vector<16xi32> to vector<1x1x16xi32>
    tpu.vector_store %arg8[%swap3A_536, %swap3A_537, %swap3A_538], %swap3A_541 {strides = array<i32>} : memref<3x5x80xi32, #tpu.memory_space<vmem>>, vector<1x1x16xi32>,
    %get3A_542 = arith.constant 0 : i32
    %get3A_543 = arith.constant 4 : i32
    %get3A_544 = arith.index_cast %get3A_542 : i32 to index
    %get3A_545 = arith.index_cast %get3A_543 : i32 to index
    %get3A_546 = arith.constant 16 : index
    %get3A_547 = tpu.vector_load %arg8[%get3A_544, %get3A_545, %get3A_546] {strides = array<i32>} : memref<3x5x80xi32, #tpu.memory_space<vmem>>, vector<1x1x16xi32>,
    %get3A_548 = vector.shape_cast %get3A_547 : vector<1x1x16xi32> to vector<16xi32>
    %mul3A_549 = arith.constant 2 : i32
    %mul3A_550 = vector.broadcast %mul3A_549 : i32 to vector<16xi32>
    %mul3A_551 = arith.muli %get3A_548, %mul3A_550 : vector<16xi32>
    %add3A_552 = vector.broadcast %arg0 : i32 to vector<16xi32>
    %add3A_553 = arith.addi %mul3A_551, %add3A_552 : vector<16xi32>
    %swap3A_554 = arith.constant 0 : i32
    %swap3A_555 = arith.constant 4 : i32
    %swap3A_556 = arith.index_cast %swap3A_554 : i32 to index
    %swap3A_557 = arith.index_cast %swap3A_555 : i32 to index
    %swap3A_558 = arith.constant 16 : index
    %swap3A_559 = tpu.vector_load %arg8[%swap3A_556, %swap3A_557, %swap3A_558] {strides = array<i32>} : memref<3x5x80xi32, #tpu.memory_space<vmem>>, vector<1x1x16xi32>,
    %swap3A_560 = vector.shape_cast %swap3A_559 : vector<1x1x16xi32> to vector<16xi32>
    %swap3A_561 = vector.shape_cast %add3A_553 : vector<16xi32> to vector<1x1x16xi32>
    tpu.vector_store %arg8[%swap3A_556, %swap3A_557, %swap3A_558], %swap3A_561 {strides = array<i32>} : memref<3x5x80xi32, #tpu.memory_space<vmem>>, vector<1x1x16xi32>,
    %get3A_562 = arith.constant 0 : i32
    %get3A_563 = arith.constant 4 : i32
    %get3A_564 = arith.index_cast %get3A_562 : i32 to index
    %get3A_565 = arith.index_cast %get3A_563 : i32 to index
    %get3A_566 = arith.constant 32 : index
    %get3A_567 = tpu.vector_load %arg8[%get3A_564, %get3A_565, %get3A_566] {strides = array<i32>} : memref<3x5x80xi32, #tpu.memory_space<vmem>>, vector<1x1x16xi32>,
    %get3A_568 = vector.shape_cast %get3A_567 : vector<1x1x16xi32> to vector<16xi32>
    %mul3A_569 = arith.constant 2 : i32
    %mul3A_570 = vector.broadcast %mul3A_569 : i32 to vector<16xi32>
    %mul3A_571 = arith.muli %get3A_568, %mul3A_570 : vector<16xi32>
    %add3A_572 = vector.broadcast %arg0 : i32 to vector<16xi32>
    %add3A_573 = arith.addi %mul3A_571, %add3A_572 : vector<16xi32>
    %swap3A_574 = arith.constant 0 : i32
    %swap3A_575 = arith.constant 4 : i32
    %swap3A_576 = arith.index_cast %swap3A_574 : i32 to index
    %swap3A_577 = arith.index_cast %swap3A_575 : i32 to index
    %swap3A_578 = arith.constant 32 : index
    %swap3A_579 = tpu.vector_load %arg8[%swap3A_576, %swap3A_577, %swap3A_578] {strides = array<i32>} : memref<3x5x80xi32, #tpu.memory_space<vmem>>, vector<1x1x16xi32>,
    %swap3A_580 = vector.shape_cast %swap3A_579 : vector<1x1x16xi32> to vector<16xi32>
    %swap3A_581 = vector.shape_cast %add3A_573 : vector<16xi32> to vector<1x1x16xi32>
    tpu.vector_store %arg8[%swap3A_576, %swap3A_577, %swap3A_578], %swap3A_581 {strides = array<i32>} : memref<3x5x80xi32, #tpu.memory_space<vmem>>, vector<1x1x16xi32>,
    %get3A_582 = arith.constant 0 : i32
    %get3A_583 = arith.constant 4 : i32
    %get3A_584 = arith.index_cast %get3A_582 : i32 to index
    %get3A_585 = arith.index_cast %get3A_583 : i32 to index
    %get3A_586 = arith.constant 48 : index
    %get3A_587 = tpu.vector_load %arg8[%get3A_584, %get3A_585, %get3A_586] {strides = array<i32>} : memref<3x5x80xi32, #tpu.memory_space<vmem>>, vector<1x1x16xi32>,
    %get3A_588 = vector.shape_cast %get3A_587 : vector<1x1x16xi32> to vector<16xi32>
    %mul3A_589 = arith.constant 2 : i32
    %mul3A_590 = vector.broadcast %mul3A_589 : i32 to vector<16xi32>
    %mul3A_591 = arith.muli %get3A_588, %mul3A_590 : vector<16xi32>
    %add3A_592 = vector.broadcast %arg0 : i32 to vector<16xi32>
    %add3A_593 = arith.addi %mul3A_591, %add3A_592 : vector<16xi32>
    %swap3A_594 = arith.constant 0 : i32
    %swap3A_595 = arith.constant 4 : i32
    %swap3A_596 = arith.index_cast %swap3A_594 : i32 to index
    %swap3A_597 = arith.index_cast %swap3A_595 : i32 to index
    %swap3A_598 = arith.constant 48 : index
    %swap3A_599 = tpu.vector_load %arg8[%swap3A_596, %swap3A_597, %swap3A_598] {strides = array<i32>} : memref<3x5x80xi32, #tpu.memory_space<vmem>>, vector<1x1x16xi32>,
    %swap3A_600 = vector.shape_cast %swap3A_599 : vector<1x1x16xi32> to vector<16xi32>
    %swap3A_601 = vector.shape_cast %add3A_593 : vector<16xi32> to vector<1x1x16xi32>
    tpu.vector_store %arg8[%swap3A_596, %swap3A_597, %swap3A_598], %swap3A_601 {strides = array<i32>} : memref<3x5x80xi32, #tpu.memory_space<vmem>>, vector<1x1x16xi32>,
    %get3A_602 = arith.constant 0 : i32
    %get3A_603 = arith.constant 4 : i32
    %get3A_604 = arith.index_cast %get3A_602 : i32 to index
    %get3A_605 = arith.index_cast %get3A_603 : i32 to index
    %get3A_606 = arith.constant 64 : index
    %get3A_607 = tpu.vector_load %arg8[%get3A_604, %get3A_605, %get3A_606] {strides = array<i32>} : memref<3x5x80xi32, #tpu.memory_space<vmem>>, vector<1x1x16xi32>,
    %get3A_608 = vector.shape_cast %get3A_607 : vector<1x1x16xi32> to vector<16xi32>
    %mul3A_609 = arith.constant 2 : i32
    %mul3A_610 = vector.broadcast %mul3A_609 : i32 to vector<16xi32>
    %mul3A_611 = arith.muli %get3A_608, %mul3A_610 : vector<16xi32>
    %add3A_612 = vector.broadcast %arg0 : i32 to vector<16xi32>
    %add3A_613 = arith.addi %mul3A_611, %add3A_612 : vector<16xi32>
    %swap3A_614 = arith.constant 0 : i32
    %swap3A_615 = arith.constant 4 : i32
    %swap3A_616 = arith.index_cast %swap3A_614 : i32 to index
    %swap3A_617 = arith.index_cast %swap3A_615 : i32 to index
    %swap3A_618 = arith.constant 64 : index
    %swap3A_619 = tpu.vector_load %arg8[%swap3A_616, %swap3A_617, %swap3A_618] {strides = array<i32>} : memref<3x5x80xi32, #tpu.memory_space<vmem>>, vector<1x1x16xi32>,
    %swap3A_620 = vector.shape_cast %swap3A_619 : vector<1x1x16xi32> to vector<16xi32>
    %swap3A_621 = vector.shape_cast %add3A_613 : vector<16xi32> to vector<1x1x16xi32>
    tpu.vector_store %arg8[%swap3A_616, %swap3A_617, %swap3A_618], %swap3A_621 {strides = array<i32>} : memref<3x5x80xi32, #tpu.memory_space<vmem>>, vector<1x1x16xi32>,
    %dma_start3A_622 = arith.constant 0 : i32
    %dma_start3A_623 = arith.constant 0 : i32
    %dma_start3A_624 = arith.constant 0 : i32
    %dma_start3A_625 = arith.constant 0 : i32
    %dma_start3A_626 = arith.constant 0 : i32
    %dma_start3A_627 = arith.constant 0 : i32
    %dma_start3A_628 = tpu.memref_slice %arg10[%dma_start3A_624, %dma_start3A_625, %dma_start3A_626, %dma_start3A_627] : memref<2x5x80x64xf32, #tpu.memory_space<vmem>> -> memref<1x1x80x64xf32, #tpu.memory_space<vmem>>
    %dma_start3A_629 = tpu.memref_squeeze %dma_start3A_628 : memref<1x1x80x64xf32, #tpu.memory_space<vmem>> -> memref<80x64xf32, #tpu.memory_space<vmem>>
    %dma_start3A_630 = arith.constant 0 : i32
    %dma_start3A_631 = tpu.memref_slice %arg8[%dma_start3A_622, %dma_start3A_623, %dma_start3A_630] : memref<3x5x80xi32, #tpu.memory_space<vmem>> -> memref<1x1x80xi32, #tpu.memory_space<vmem>>
    %dma_start3A_632 = tpu.memref_squeeze %dma_start3A_631 : memref<1x1x80xi32, #tpu.memory_space<vmem>> -> memref<80xi32, #tpu.memory_space<vmem>>
    %dma_start3A_633 = arith.constant 0 : i32
    %dma_start3A_634 = arith.constant 0 : i32
    %dma_start3A_635 = tpu.memref_slice %arg2[%dma_start3A_633, %dma_start3A_634] : memref<20000x64xf32, #tpu.memory_space<hbm>> -> memref<20000x64xf32, #tpu.memory_space<hbm>>
    tpu.enqueue_indirect_dma source(%dma_start3A_635 : memref<20000x64xf32, #tpu.memory_space<hbm>>) target(%dma_start3A_629 : memref<80x64xf32, #tpu.memory_space<vmem>>) offsets(%dma_start3A_632 : memref<80xi32, #tpu.memory_space<vmem>>) semaphore(%arg15 : memref<!tpu.dma_semaphore, #tpu.memory_space<semaphore_mem>>)
    %dma_start3A_636 = arith.constant 0 : i32
    %dma_start3A_637 = arith.constant 1 : i32
    %dma_start3A_638 = arith.constant 0 : i32
    %dma_start3A_639 = arith.constant 1 : i32
    %dma_start3A_640 = arith.constant 0 : i32
    %dma_start3A_641 = arith.constant 0 : i32
    %dma_start3A_642 = tpu.memref_slice %arg10[%dma_start3A_638, %dma_start3A_639, %dma_start3A_640, %dma_start3A_641] : memref<2x5x80x64xf32, #tpu.memory_space<vmem>> -> memref<1x1x80x64xf32, #tpu.memory_space<vmem>>
    %dma_start3A_643 = tpu.memref_squeeze %dma_start3A_642 : memref<1x1x80x64xf32, #tpu.memory_space<vmem>> -> memref<80x64xf32, #tpu.memory_space<vmem>>
    %dma_start3A_644 = arith.constant 0 : i32
    %dma_start3A_645 = tpu.memref_slice %arg8[%dma_start3A_636, %dma_start3A_637, %dma_start3A_644] : memref<3x5x80xi32, #tpu.memory_space<vmem>> -> memref<1x1x80xi32, #tpu.memory_space<vmem>>
    %dma_start3A_646 = tpu.memref_squeeze %dma_start3A_645 : memref<1x1x80xi32, #tpu.memory_space<vmem>> -> memref<80xi32, #tpu.memory_space<vmem>>
    %dma_start3A_647 = arith.constant 0 : i32
    %dma_start3A_648 = arith.constant 0 : i32
    %dma_start3A_649 = tpu.memref_slice %arg2[%dma_start3A_647, %dma_start3A_648] : memref<20000x64xf32, #tpu.memory_space<hbm>> -> memref<20000x64xf32, #tpu.memory_space<hbm>>
    tpu.enqueue_indirect_dma source(%dma_start3A_649 : memref<20000x64xf32, #tpu.memory_space<hbm>>) target(%dma_start3A_643 : memref<80x64xf32, #tpu.memory_space<vmem>>) offsets(%dma_start3A_646 : memref<80xi32, #tpu.memory_space<vmem>>) semaphore(%arg15 : memref<!tpu.dma_semaphore, #tpu.memory_space<semaphore_mem>>)
    %dma_start3A_650 = arith.constant 0 : i32
    %dma_start3A_651 = arith.constant 2 : i32
    %dma_start3A_652 = arith.constant 0 : i32
    %dma_start3A_653 = arith.constant 2 : i32
    %dma_start3A_654 = arith.constant 0 : i32
    %dma_start3A_655 = arith.constant 0 : i32
    %dma_start3A_656 = tpu.memref_slice %arg10[%dma_start3A_652, %dma_start3A_653, %dma_start3A_654, %dma_start3A_655] : memref<2x5x80x64xf32, #tpu.memory_space<vmem>> -> memref<1x1x80x64xf32, #tpu.memory_space<vmem>>
    %dma_start3A_657 = tpu.memref_squeeze %dma_start3A_656 : memref<1x1x80x64xf32, #tpu.memory_space<vmem>> -> memref<80x64xf32, #tpu.memory_space<vmem>>
    %dma_start3A_658 = arith.constant 0 : i32
    %dma_start3A_659 = tpu.memref_slice %arg8[%dma_start3A_650, %dma_start3A_651, %dma_start3A_658] : memref<3x5x80xi32, #tpu.memory_space<vmem>> -> memref<1x1x80xi32, #tpu.memory_space<vmem>>
    %dma_start3A_660 = tpu.memref_squeeze %dma_start3A_659 : memref<1x1x80xi32, #tpu.memory_space<vmem>> -> memref<80xi32, #tpu.memory_space<vmem>>
    %dma_start3A_661 = arith.constant 0 : i32
    %dma_start3A_662 = arith.constant 0 : i32
    %dma_start3A_663 = tpu.memref_slice %arg2[%dma_start3A_661, %dma_start3A_662] : memref<20000x64xf32, #tpu.memory_space<hbm>> -> memref<20000x64xf32, #tpu.memory_space<hbm>>
    tpu.enqueue_indirect_dma source(%dma_start3A_663 : memref<20000x64xf32, #tpu.memory_space<hbm>>) target(%dma_start3A_657 : memref<80x64xf32, #tpu.memory_space<vmem>>) offsets(%dma_start3A_660 : memref<80xi32, #tpu.memory_space<vmem>>) semaphore(%arg15 : memref<!tpu.dma_semaphore, #tpu.memory_space<semaphore_mem>>)
    %dma_start3A_664 = arith.constant 0 : i32
    %dma_start3A_665 = arith.constant 3 : i32
    %dma_start3A_666 = arith.constant 0 : i32
    %dma_start3A_667 = arith.constant 3 : i32
    %dma_start3A_668 = arith.constant 0 : i32
    %dma_start3A_669 = arith.constant 0 : i32
    %dma_start3A_670 = tpu.memref_slice %arg10[%dma_start3A_666, %dma_start3A_667, %dma_start3A_668, %dma_start3A_669] : memref<2x5x80x64xf32, #tpu.memory_space<vmem>> -> memref<1x1x80x64xf32, #tpu.memory_space<vmem>>
    %dma_start3A_671 = tpu.memref_squeeze %dma_start3A_670 : memref<1x1x80x64xf32, #tpu.memory_space<vmem>> -> memref<80x64xf32, #tpu.memory_space<vmem>>
    %dma_start3A_672 = arith.constant 0 : i32
    %dma_start3A_673 = tpu.memref_slice %arg8[%dma_start3A_664, %dma_start3A_665, %dma_start3A_672] : memref<3x5x80xi32, #tpu.memory_space<vmem>> -> memref<1x1x80xi32, #tpu.memory_space<vmem>>
    %dma_start3A_674 = tpu.memref_squeeze %dma_start3A_673 : memref<1x1x80xi32, #tpu.memory_space<vmem>> -> memref<80xi32, #tpu.memory_space<vmem>>
    %dma_start3A_675 = arith.constant 0 : i32
    %dma_start3A_676 = arith.constant 0 : i32
    %dma_start3A_677 = tpu.memref_slice %arg2[%dma_start3A_675, %dma_start3A_676] : memref<20000x64xf32, #tpu.memory_space<hbm>> -> memref<20000x64xf32, #tpu.memory_space<hbm>>
    tpu.enqueue_indirect_dma source(%dma_start3A_677 : memref<20000x64xf32, #tpu.memory_space<hbm>>) target(%dma_start3A_671 : memref<80x64xf32, #tpu.memory_space<vmem>>) offsets(%dma_start3A_674 : memref<80xi32, #tpu.memory_space<vmem>>) semaphore(%arg15 : memref<!tpu.dma_semaphore, #tpu.memory_space<semaphore_mem>>)
    %dma_start3A_678 = arith.constant 0 : i32
    %dma_start3A_679 = arith.constant 4 : i32
    %dma_start3A_680 = arith.constant 0 : i32
    %dma_start3A_681 = arith.constant 4 : i32
    %dma_start3A_682 = arith.constant 0 : i32
    %dma_start3A_683 = arith.constant 0 : i32
    %dma_start3A_684 = tpu.memref_slice %arg10[%dma_start3A_680, %dma_start3A_681, %dma_start3A_682, %dma_start3A_683] : memref<2x5x80x64xf32, #tpu.memory_space<vmem>> -> memref<1x1x80x64xf32, #tpu.memory_space<vmem>>
    %dma_start3A_685 = tpu.memref_squeeze %dma_start3A_684 : memref<1x1x80x64xf32, #tpu.memory_space<vmem>> -> memref<80x64xf32, #tpu.memory_space<vmem>>
    %dma_start3A_686 = arith.constant 0 : i32
    %dma_start3A_687 = tpu.memref_slice %arg8[%dma_start3A_678, %dma_start3A_679, %dma_start3A_686] : memref<3x5x80xi32, #tpu.memory_space<vmem>> -> memref<1x1x80xi32, #tpu.memory_space<vmem>>
    %dma_start3A_688 = tpu.memref_squeeze %dma_start3A_687 : memref<1x1x80xi32, #tpu.memory_space<vmem>> -> memref<80xi32, #tpu.memory_space<vmem>>
    %dma_start3A_689 = arith.constant 0 : i32
    %dma_start3A_690 = arith.constant 0 : i32
    %dma_start3A_691 = tpu.memref_slice %arg2[%dma_start3A_689, %dma_start3A_690] : memref<20000x64xf32, #tpu.memory_space<hbm>> -> memref<20000x64xf32, #tpu.memory_space<hbm>>
    tpu.enqueue_indirect_dma source(%dma_start3A_691 : memref<20000x64xf32, #tpu.memory_space<hbm>>) target(%dma_start3A_685 : memref<80x64xf32, #tpu.memory_space<vmem>>) offsets(%dma_start3A_688 : memref<80xi32, #tpu.memory_space<vmem>>) semaphore(%arg15 : memref<!tpu.dma_semaphore, #tpu.memory_space<semaphore_mem>>)
    %scan3A_692 = arith.constant 0 : i32
    %scan3A_693 = arith.constant 0 : i32
    %scan3A_694 = arith.constant 50 : i32
    %scan3A_695 = arith.addi %scan3A_693, %scan3A_694 : i32
    %scan3A_696 = arith.constant 1 : i32
    scf.for %scan3A_773 = %scan3A_693 to %scan3A_695 step %scan3A_696  : i32 {
      %rem3A = arith.constant 2 : i32
      %rem3A_774 = arith.remsi %scan3A_773, %rem3A : i32
      %rem3A_775 = arith.constant 3 : i32
      %rem3A_776 = arith.remsi %scan3A_773, %rem3A_775 : i32
      %dma_wait3A_777 = arith.constant 0 : i32
      %dma_wait3A_778 = arith.constant 0 : i32
      %dma_wait3A_779 = arith.constant 0 : i32
      %dma_wait3A_780 = arith.constant 0 : i32
      %dma_wait3A_781 = tpu.memref_slice %arg10[%rem3A_774, %dma_wait3A_778, %dma_wait3A_779, %dma_wait3A_780] : memref<2x5x80x64xf32, #tpu.memory_space<vmem>> -> memref<1x1x80x64xf32, #tpu.memory_space<vmem>>
      %dma_wait3A_782 = tpu.memref_squeeze %dma_wait3A_781 : memref<1x1x80x64xf32, #tpu.memory_space<vmem>> -> memref<80x64xf32, #tpu.memory_space<vmem>>
      %dma_wait3A_783 = arith.constant 0 : i32
      %dma_wait3A_784 = tpu.memref_slice %arg8[%rem3A_776, %dma_wait3A_777, %dma_wait3A_783] : memref<3x5x80xi32, #tpu.memory_space<vmem>> -> memref<1x1x80xi32, #tpu.memory_space<vmem>>
      %dma_wait3A_785 = tpu.memref_squeeze %dma_wait3A_784 : memref<1x1x80xi32, #tpu.memory_space<vmem>> -> memref<80xi32, #tpu.memory_space<vmem>>
      %dma_wait3A_786 = arith.constant 0 : i32
      %dma_wait3A_787 = arith.constant 0 : i32
      %dma_wait3A_788 = tpu.memref_slice %arg2[%dma_wait3A_786, %dma_wait3A_787] : memref<20000x64xf32, #tpu.memory_space<hbm>> -> memref<20000x64xf32, #tpu.memory_space<hbm>>
      tpu.wait_indirect_dma semaphore(%arg15 : memref<!tpu.dma_semaphore, #tpu.memory_space<semaphore_mem>>) src(%dma_wait3A_788 : memref<20000x64xf32, #tpu.memory_space<hbm>>) dst(%dma_wait3A_782 : memref<80x64xf32, #tpu.memory_space<vmem>>)
      %dma_wait3A_789 = arith.constant 1 : i32
      %dma_wait3A_790 = arith.constant 1 : i32
      %dma_wait3A_791 = arith.constant 0 : i32
      %dma_wait3A_792 = arith.constant 0 : i32
      %dma_wait3A_793 = tpu.memref_slice %arg10[%rem3A_774, %dma_wait3A_790, %dma_wait3A_791, %dma_wait3A_792] : memref<2x5x80x64xf32, #tpu.memory_space<vmem>> -> memref<1x1x80x64xf32, #tpu.memory_space<vmem>>
      %dma_wait3A_794 = tpu.memref_squeeze %dma_wait3A_793 : memref<1x1x80x64xf32, #tpu.memory_space<vmem>> -> memref<80x64xf32, #tpu.memory_space<vmem>>
      %dma_wait3A_795 = arith.constant 0 : i32
      %dma_wait3A_796 = tpu.memref_slice %arg8[%rem3A_776, %dma_wait3A_789, %dma_wait3A_795] : memref<3x5x80xi32, #tpu.memory_space<vmem>> -> memref<1x1x80xi32, #tpu.memory_space<vmem>>
      %dma_wait3A_797 = tpu.memref_squeeze %dma_wait3A_796 : memref<1x1x80xi32, #tpu.memory_space<vmem>> -> memref<80xi32, #tpu.memory_space<vmem>>
      %dma_wait3A_798 = arith.constant 0 : i32
      %dma_wait3A_799 = arith.constant 0 : i32
      %dma_wait3A_800 = tpu.memref_slice %arg2[%dma_wait3A_798, %dma_wait3A_799] : memref<20000x64xf32, #tpu.memory_space<hbm>> -> memref<20000x64xf32, #tpu.memory_space<hbm>>
      tpu.wait_indirect_dma semaphore(%arg15 : memref<!tpu.dma_semaphore, #tpu.memory_space<semaphore_mem>>) src(%dma_wait3A_800 : memref<20000x64xf32, #tpu.memory_space<hbm>>) dst(%dma_wait3A_794 : memref<80x64xf32, #tpu.memory_space<vmem>>)
      %dma_wait3A_801 = arith.constant 2 : i32
      %dma_wait3A_802 = arith.constant 2 : i32
      %dma_wait3A_803 = arith.constant 0 : i32
      %dma_wait3A_804 = arith.constant 0 : i32
      %dma_wait3A_805 = tpu.memref_slice %arg10[%rem3A_774, %dma_wait3A_802, %dma_wait3A_803, %dma_wait3A_804] : memref<2x5x80x64xf32, #tpu.memory_space<vmem>> -> memref<1x1x80x64xf32, #tpu.memory_space<vmem>>
      %dma_wait3A_806 = tpu.memref_squeeze %dma_wait3A_805 : memref<1x1x80x64xf32, #tpu.memory_space<vmem>> -> memref<80x64xf32, #tpu.memory_space<vmem>>
      %dma_wait3A_807 = arith.constant 0 : i32
      %dma_wait3A_808 = tpu.memref_slice %arg8[%rem3A_776, %dma_wait3A_801, %dma_wait3A_807] : memref<3x5x80xi32, #tpu.memory_space<vmem>> -> memref<1x1x80xi32, #tpu.memory_space<vmem>>
      %dma_wait3A_809 = tpu.memref_squeeze %dma_wait3A_808 : memref<1x1x80xi32, #tpu.memory_space<vmem>> -> memref<80xi32, #tpu.memory_space<vmem>>
      %dma_wait3A_810 = arith.constant 0 : i32
      %dma_wait3A_811 = arith.constant 0 : i32
      %dma_wait3A_812 = tpu.memref_slice %arg2[%dma_wait3A_810, %dma_wait3A_811] : memref<20000x64xf32, #tpu.memory_space<hbm>> -> memref<20000x64xf32, #tpu.memory_space<hbm>>
      tpu.wait_indirect_dma semaphore(%arg15 : memref<!tpu.dma_semaphore, #tpu.memory_space<semaphore_mem>>) src(%dma_wait3A_812 : memref<20000x64xf32, #tpu.memory_space<hbm>>) dst(%dma_wait3A_806 : memref<80x64xf32, #tpu.memory_space<vmem>>)
      %dma_wait3A_813 = arith.constant 3 : i32
      %dma_wait3A_814 = arith.constant 3 : i32
      %dma_wait3A_815 = arith.constant 0 : i32
      %dma_wait3A_816 = arith.constant 0 : i32
      %dma_wait3A_817 = tpu.memref_slice %arg10[%rem3A_774, %dma_wait3A_814, %dma_wait3A_815, %dma_wait3A_816] : memref<2x5x80x64xf32, #tpu.memory_space<vmem>> -> memref<1x1x80x64xf32, #tpu.memory_space<vmem>>
      %dma_wait3A_818 = tpu.memref_squeeze %dma_wait3A_817 : memref<1x1x80x64xf32, #tpu.memory_space<vmem>> -> memref<80x64xf32, #tpu.memory_space<vmem>>
      %dma_wait3A_819 = arith.constant 0 : i32
      %dma_wait3A_820 = tpu.memref_slice %arg8[%rem3A_776, %dma_wait3A_813, %dma_wait3A_819] : memref<3x5x80xi32, #tpu.memory_space<vmem>> -> memref<1x1x80xi32, #tpu.memory_space<vmem>>
      %dma_wait3A_821 = tpu.memref_squeeze %dma_wait3A_820 : memref<1x1x80xi32, #tpu.memory_space<vmem>> -> memref<80xi32, #tpu.memory_space<vmem>>
      %dma_wait3A_822 = arith.constant 0 : i32
      %dma_wait3A_823 = arith.constant 0 : i32
      %dma_wait3A_824 = tpu.memref_slice %arg2[%dma_wait3A_822, %dma_wait3A_823] : memref<20000x64xf32, #tpu.memory_space<hbm>> -> memref<20000x64xf32, #tpu.memory_space<hbm>>
      tpu.wait_indirect_dma semaphore(%arg15 : memref<!tpu.dma_semaphore, #tpu.memory_space<semaphore_mem>>) src(%dma_wait3A_824 : memref<20000x64xf32, #tpu.memory_space<hbm>>) dst(%dma_wait3A_818 : memref<80x64xf32, #tpu.memory_space<vmem>>)
      %dma_wait3A_825 = arith.constant 4 : i32
      %dma_wait3A_826 = arith.constant 4 : i32
      %dma_wait3A_827 = arith.constant 0 : i32
      %dma_wait3A_828 = arith.constant 0 : i32
      %dma_wait3A_829 = tpu.memref_slice %arg10[%rem3A_774, %dma_wait3A_826, %dma_wait3A_827, %dma_wait3A_828] : memref<2x5x80x64xf32, #tpu.memory_space<vmem>> -> memref<1x1x80x64xf32, #tpu.memory_space<vmem>>
      %dma_wait3A_830 = tpu.memref_squeeze %dma_wait3A_829 : memref<1x1x80x64xf32, #tpu.memory_space<vmem>> -> memref<80x64xf32, #tpu.memory_space<vmem>>
      %dma_wait3A_831 = arith.constant 0 : i32
      %dma_wait3A_832 = tpu.memref_slice %arg8[%rem3A_776, %dma_wait3A_825, %dma_wait3A_831] : memref<3x5x80xi32, #tpu.memory_space<vmem>> -> memref<1x1x80xi32, #tpu.memory_space<vmem>>
      %dma_wait3A_833 = tpu.memref_squeeze %dma_wait3A_832 : memref<1x1x80xi32, #tpu.memory_space<vmem>> -> memref<80xi32, #tpu.memory_space<vmem>>
      %dma_wait3A_834 = arith.constant 0 : i32
      %dma_wait3A_835 = arith.constant 0 : i32
      %dma_wait3A_836 = tpu.memref_slice %arg2[%dma_wait3A_834, %dma_wait3A_835] : memref<20000x64xf32, #tpu.memory_space<hbm>> -> memref<20000x64xf32, #tpu.memory_space<hbm>>
      tpu.wait_indirect_dma semaphore(%arg15 : memref<!tpu.dma_semaphore, #tpu.memory_space<semaphore_mem>>) src(%dma_wait3A_836 : memref<20000x64xf32, #tpu.memory_space<hbm>>) dst(%dma_wait3A_830 : memref<80x64xf32, #tpu.memory_space<vmem>>)
      %eq3A = arith.constant 0 : i32
      %eq3A_837 = arith.cmpi eq, %rem3A_774, %eq3A : i32
      %convert_element_type3A = arith.extui %eq3A_837 : i1 to i32
      %cond3A = arith.constant 0 : i32
      %cond3A_838 = arith.cmpi ne, %convert_element_type3A, %cond3A : i32
      scf.if %cond3A_838 {
        %dma_start3A_885 = arith.constant 0 : i32
        %dma_start3A_886 = arith.constant 0 : i32
        %dma_start3A_887 = arith.constant 0 : i32
        %dma_start3A_888 = arith.constant 0 : i32
        %dma_start3A_889 = tpu.memref_slice %arg10[%rem3A_774, %dma_start3A_885, %dma_start3A_887, %dma_start3A_888] : memref<2x5x80x64xf32, #tpu.memory_space<vmem>> -> memref<1x1x80x64xf32, #tpu.memory_space<vmem>>
        %dma_start3A_890 = tpu.memref_squeeze %dma_start3A_889 : memref<1x1x80x64xf32, #tpu.memory_space<vmem>> -> memref<80x64xf32, #tpu.memory_space<vmem>>
        %dma_start3A_891 = arith.constant 0 : i32
        %dma_start3A_892 = tpu.memref_slice %arg9[%rem3A_776, %dma_start3A_886, %dma_start3A_891] : memref<3x5x80xi32, #tpu.memory_space<vmem>> -> memref<1x1x80xi32, #tpu.memory_space<vmem>>
        %dma_start3A_893 = tpu.memref_squeeze %dma_start3A_892 : memref<1x1x80xi32, #tpu.memory_space<vmem>> -> memref<80xi32, #tpu.memory_space<vmem>>
        %dma_start3A_894 = arith.constant 0 : i32
        %dma_start3A_895 = arith.constant 0 : i32
        %dma_start3A_896 = tpu.memref_slice %arg13[%dma_start3A_894, %dma_start3A_895] : memref<10240x64xf32, #tpu.memory_space<vmem_shared>> -> memref<10240x64xf32, #tpu.memory_space<vmem_shared>>
        tpu.enqueue_indirect_dma source(%dma_start3A_890 : memref<80x64xf32, #tpu.memory_space<vmem>>) target(%dma_start3A_896 : memref<10240x64xf32, #tpu.memory_space<vmem_shared>>) offsets(%dma_start3A_893 : memref<80xi32, #tpu.memory_space<vmem>>) semaphore(%arg16 : memref<!tpu.dma_semaphore, #tpu.memory_space<semaphore_mem>>) {add = true}
        %dma_start3A_897 = arith.constant 1 : i32
        %dma_start3A_898 = arith.constant 1 : i32
        %dma_start3A_899 = arith.constant 0 : i32
        %dma_start3A_900 = arith.constant 0 : i32
        %dma_start3A_901 = tpu.memref_slice %arg10[%rem3A_774, %dma_start3A_897, %dma_start3A_899, %dma_start3A_900] : memref<2x5x80x64xf32, #tpu.memory_space<vmem>> -> memref<1x1x80x64xf32, #tpu.memory_space<vmem>>
        %dma_start3A_902 = tpu.memref_squeeze %dma_start3A_901 : memref<1x1x80x64xf32, #tpu.memory_space<vmem>> -> memref<80x64xf32, #tpu.memory_space<vmem>>
        %dma_start3A_903 = arith.constant 0 : i32
        %dma_start3A_904 = tpu.memref_slice %arg9[%rem3A_776, %dma_start3A_898, %dma_start3A_903] : memref<3x5x80xi32, #tpu.memory_space<vmem>> -> memref<1x1x80xi32, #tpu.memory_space<vmem>>
        %dma_start3A_905 = tpu.memref_squeeze %dma_start3A_904 : memref<1x1x80xi32, #tpu.memory_space<vmem>> -> memref<80xi32, #tpu.memory_space<vmem>>
        %dma_start3A_906 = arith.constant 0 : i32
        %dma_start3A_907 = arith.constant 0 : i32
        %dma_start3A_908 = tpu.memref_slice %arg13[%dma_start3A_906, %dma_start3A_907] : memref<10240x64xf32, #tpu.memory_space<vmem_shared>> -> memref<10240x64xf32, #tpu.memory_space<vmem_shared>>
        tpu.enqueue_indirect_dma source(%dma_start3A_902 : memref<80x64xf32, #tpu.memory_space<vmem>>) target(%dma_start3A_908 : memref<10240x64xf32, #tpu.memory_space<vmem_shared>>) offsets(%dma_start3A_905 : memref<80xi32, #tpu.memory_space<vmem>>) semaphore(%arg16 : memref<!tpu.dma_semaphore, #tpu.memory_space<semaphore_mem>>) {add = true}
        %dma_start3A_909 = arith.constant 2 : i32
        %dma_start3A_910 = arith.constant 2 : i32
        %dma_start3A_911 = arith.constant 0 : i32
        %dma_start3A_912 = arith.constant 0 : i32
        %dma_start3A_913 = tpu.memref_slice %arg10[%rem3A_774, %dma_start3A_909, %dma_start3A_911, %dma_start3A_912] : memref<2x5x80x64xf32, #tpu.memory_space<vmem>> -> memref<1x1x80x64xf32, #tpu.memory_space<vmem>>
        %dma_start3A_914 = tpu.memref_squeeze %dma_start3A_913 : memref<1x1x80x64xf32, #tpu.memory_space<vmem>> -> memref<80x64xf32, #tpu.memory_space<vmem>>
        %dma_start3A_915 = arith.constant 0 : i32
        %dma_start3A_916 = tpu.memref_slice %arg9[%rem3A_776, %dma_start3A_910, %dma_start3A_915] : memref<3x5x80xi32, #tpu.memory_space<vmem>> -> memref<1x1x80xi32, #tpu.memory_space<vmem>>
        %dma_start3A_917 = tpu.memref_squeeze %dma_start3A_916 : memref<1x1x80xi32, #tpu.memory_space<vmem>> -> memref<80xi32, #tpu.memory_space<vmem>>
        %dma_start3A_918 = arith.constant 0 : i32
        %dma_start3A_919 = arith.constant 0 : i32
        %dma_start3A_920 = tpu.memref_slice %arg13[%dma_start3A_918, %dma_start3A_919] : memref<10240x64xf32, #tpu.memory_space<vmem_shared>> -> memref<10240x64xf32, #tpu.memory_space<vmem_shared>>
        tpu.enqueue_indirect_dma source(%dma_start3A_914 : memref<80x64xf32, #tpu.memory_space<vmem>>) target(%dma_start3A_920 : memref<10240x64xf32, #tpu.memory_space<vmem_shared>>) offsets(%dma_start3A_917 : memref<80xi32, #tpu.memory_space<vmem>>) semaphore(%arg16 : memref<!tpu.dma_semaphore, #tpu.memory_space<semaphore_mem>>) {add = true}
        %dma_start3A_921 = arith.constant 3 : i32
        %dma_start3A_922 = arith.constant 3 : i32
        %dma_start3A_923 = arith.constant 0 : i32
        %dma_start3A_924 = arith.constant 0 : i32
        %dma_start3A_925 = tpu.memref_slice %arg10[%rem3A_774, %dma_start3A_921, %dma_start3A_923, %dma_start3A_924] : memref<2x5x80x64xf32, #tpu.memory_space<vmem>> -> memref<1x1x80x64xf32, #tpu.memory_space<vmem>>
        %dma_start3A_926 = tpu.memref_squeeze %dma_start3A_925 : memref<1x1x80x64xf32, #tpu.memory_space<vmem>> -> memref<80x64xf32, #tpu.memory_space<vmem>>
        %dma_start3A_927 = arith.constant 0 : i32
        %dma_start3A_928 = tpu.memref_slice %arg9[%rem3A_776, %dma_start3A_922, %dma_start3A_927] : memref<3x5x80xi32, #tpu.memory_space<vmem>> -> memref<1x1x80xi32, #tpu.memory_space<vmem>>
        %dma_start3A_929 = tpu.memref_squeeze %dma_start3A_928 : memref<1x1x80xi32, #tpu.memory_space<vmem>> -> memref<80xi32, #tpu.memory_space<vmem>>
        %dma_start3A_930 = arith.constant 0 : i32
        %dma_start3A_931 = arith.constant 0 : i32
        %dma_start3A_932 = tpu.memref_slice %arg13[%dma_start3A_930, %dma_start3A_931] : memref<10240x64xf32, #tpu.memory_space<vmem_shared>> -> memref<10240x64xf32, #tpu.memory_space<vmem_shared>>
        tpu.enqueue_indirect_dma source(%dma_start3A_926 : memref<80x64xf32, #tpu.memory_space<vmem>>) target(%dma_start3A_932 : memref<10240x64xf32, #tpu.memory_space<vmem_shared>>) offsets(%dma_start3A_929 : memref<80xi32, #tpu.memory_space<vmem>>) semaphore(%arg16 : memref<!tpu.dma_semaphore, #tpu.memory_space<semaphore_mem>>) {add = true}
        %dma_start3A_933 = arith.constant 4 : i32
        %dma_start3A_934 = arith.constant 4 : i32
        %dma_start3A_935 = arith.constant 0 : i32
        %dma_start3A_936 = arith.constant 0 : i32
        %dma_start3A_937 = tpu.memref_slice %arg10[%rem3A_774, %dma_start3A_933, %dma_start3A_935, %dma_start3A_936] : memref<2x5x80x64xf32, #tpu.memory_space<vmem>> -> memref<1x1x80x64xf32, #tpu.memory_space<vmem>>
        %dma_start3A_938 = tpu.memref_squeeze %dma_start3A_937 : memref<1x1x80x64xf32, #tpu.memory_space<vmem>> -> memref<80x64xf32, #tpu.memory_space<vmem>>
        %dma_start3A_939 = arith.constant 0 : i32
        %dma_start3A_940 = tpu.memref_slice %arg9[%rem3A_776, %dma_start3A_934, %dma_start3A_939] : memref<3x5x80xi32, #tpu.memory_space<vmem>> -> memref<1x1x80xi32, #tpu.memory_space<vmem>>
        %dma_start3A_941 = tpu.memref_squeeze %dma_start3A_940 : memref<1x1x80xi32, #tpu.memory_space<vmem>> -> memref<80xi32, #tpu.memory_space<vmem>>
        %dma_start3A_942 = arith.constant 0 : i32
        %dma_start3A_943 = arith.constant 0 : i32
        %dma_start3A_944 = tpu.memref_slice %arg13[%dma_start3A_942, %dma_start3A_943] : memref<10240x64xf32, #tpu.memory_space<vmem_shared>> -> memref<10240x64xf32, #tpu.memory_space<vmem_shared>>
        tpu.enqueue_indirect_dma source(%dma_start3A_938 : memref<80x64xf32, #tpu.memory_space<vmem>>) target(%dma_start3A_944 : memref<10240x64xf32, #tpu.memory_space<vmem_shared>>) offsets(%dma_start3A_941 : memref<80xi32, #tpu.memory_space<vmem>>) semaphore(%arg16 : memref<!tpu.dma_semaphore, #tpu.memory_space<semaphore_mem>>) {add = true}
      } else {
      }
      %eq3A_839 = arith.constant 1 : i32
      %eq3A_840 = arith.cmpi eq, %rem3A_774, %eq3A_839 : i32
      %convert_element_type3A_841 = arith.extui %eq3A_840 : i1 to i32
      %cond3A_842 = arith.constant 0 : i32
      %cond3A_843 = arith.cmpi ne, %convert_element_type3A_841, %cond3A_842 : i32
      scf.if %cond3A_843 {
        %dma_start3A_885 = arith.constant 0 : i32
        %dma_start3A_886 = arith.constant 0 : i32
        %dma_start3A_887 = arith.constant 0 : i32
        %dma_start3A_888 = arith.constant 0 : i32
        %dma_start3A_889 = tpu.memref_slice %arg10[%rem3A_774, %dma_start3A_885, %dma_start3A_887, %dma_start3A_888] : memref<2x5x80x64xf32, #tpu.memory_space<vmem>> -> memref<1x1x80x64xf32, #tpu.memory_space<vmem>>
        %dma_start3A_890 = tpu.memref_squeeze %dma_start3A_889 : memref<1x1x80x64xf32, #tpu.memory_space<vmem>> -> memref<80x64xf32, #tpu.memory_space<vmem>>
        %dma_start3A_891 = arith.constant 0 : i32
        %dma_start3A_892 = tpu.memref_slice %arg9[%rem3A_776, %dma_start3A_886, %dma_start3A_891] : memref<3x5x80xi32, #tpu.memory_space<vmem>> -> memref<1x1x80xi32, #tpu.memory_space<vmem>>
        %dma_start3A_893 = tpu.memref_squeeze %dma_start3A_892 : memref<1x1x80xi32, #tpu.memory_space<vmem>> -> memref<80xi32, #tpu.memory_space<vmem>>
        %dma_start3A_894 = arith.constant 0 : i32
        %dma_start3A_895 = arith.constant 0 : i32
        %dma_start3A_896 = tpu.memref_slice %arg13[%dma_start3A_894, %dma_start3A_895] : memref<10240x64xf32, #tpu.memory_space<vmem_shared>> -> memref<10240x64xf32, #tpu.memory_space<vmem_shared>>
        tpu.enqueue_indirect_dma source(%dma_start3A_890 : memref<80x64xf32, #tpu.memory_space<vmem>>) target(%dma_start3A_896 : memref<10240x64xf32, #tpu.memory_space<vmem_shared>>) offsets(%dma_start3A_893 : memref<80xi32, #tpu.memory_space<vmem>>) semaphore(%arg17 : memref<!tpu.dma_semaphore, #tpu.memory_space<semaphore_mem>>) {add = true}
        %dma_start3A_897 = arith.constant 1 : i32
        %dma_start3A_898 = arith.constant 1 : i32
        %dma_start3A_899 = arith.constant 0 : i32
        %dma_start3A_900 = arith.constant 0 : i32
        %dma_start3A_901 = tpu.memref_slice %arg10[%rem3A_774, %dma_start3A_897, %dma_start3A_899, %dma_start3A_900] : memref<2x5x80x64xf32, #tpu.memory_space<vmem>> -> memref<1x1x80x64xf32, #tpu.memory_space<vmem>>
        %dma_start3A_902 = tpu.memref_squeeze %dma_start3A_901 : memref<1x1x80x64xf32, #tpu.memory_space<vmem>> -> memref<80x64xf32, #tpu.memory_space<vmem>>
        %dma_start3A_903 = arith.constant 0 : i32
        %dma_start3A_904 = tpu.memref_slice %arg9[%rem3A_776, %dma_start3A_898, %dma_start3A_903] : memref<3x5x80xi32, #tpu.memory_space<vmem>> -> memref<1x1x80xi32, #tpu.memory_space<vmem>>
        %dma_start3A_905 = tpu.memref_squeeze %dma_start3A_904 : memref<1x1x80xi32, #tpu.memory_space<vmem>> -> memref<80xi32, #tpu.memory_space<vmem>>
        %dma_start3A_906 = arith.constant 0 : i32
        %dma_start3A_907 = arith.constant 0 : i32
        %dma_start3A_908 = tpu.memref_slice %arg13[%dma_start3A_906, %dma_start3A_907] : memref<10240x64xf32, #tpu.memory_space<vmem_shared>> -> memref<10240x64xf32, #tpu.memory_space<vmem_shared>>
        tpu.enqueue_indirect_dma source(%dma_start3A_902 : memref<80x64xf32, #tpu.memory_space<vmem>>) target(%dma_start3A_908 : memref<10240x64xf32, #tpu.memory_space<vmem_shared>>) offsets(%dma_start3A_905 : memref<80xi32, #tpu.memory_space<vmem>>) semaphore(%arg17 : memref<!tpu.dma_semaphore, #tpu.memory_space<semaphore_mem>>) {add = true}
        %dma_start3A_909 = arith.constant 2 : i32
        %dma_start3A_910 = arith.constant 2 : i32
        %dma_start3A_911 = arith.constant 0 : i32
        %dma_start3A_912 = arith.constant 0 : i32
        %dma_start3A_913 = tpu.memref_slice %arg10[%rem3A_774, %dma_start3A_909, %dma_start3A_911, %dma_start3A_912] : memref<2x5x80x64xf32, #tpu.memory_space<vmem>> -> memref<1x1x80x64xf32, #tpu.memory_space<vmem>>
        %dma_start3A_914 = tpu.memref_squeeze %dma_start3A_913 : memref<1x1x80x64xf32, #tpu.memory_space<vmem>> -> memref<80x64xf32, #tpu.memory_space<vmem>>
        %dma_start3A_915 = arith.constant 0 : i32
        %dma_start3A_916 = tpu.memref_slice %arg9[%rem3A_776, %dma_start3A_910, %dma_start3A_915] : memref<3x5x80xi32, #tpu.memory_space<vmem>> -> memref<1x1x80xi32, #tpu.memory_space<vmem>>
        %dma_start3A_917 = tpu.memref_squeeze %dma_start3A_916 : memref<1x1x80xi32, #tpu.memory_space<vmem>> -> memref<80xi32, #tpu.memory_space<vmem>>
        %dma_start3A_918 = arith.constant 0 : i32
        %dma_start3A_919 = arith.constant 0 : i32
        %dma_start3A_920 = tpu.memref_slice %arg13[%dma_start3A_918, %dma_start3A_919] : memref<10240x64xf32, #tpu.memory_space<vmem_shared>> -> memref<10240x64xf32, #tpu.memory_space<vmem_shared>>
        tpu.enqueue_indirect_dma source(%dma_start3A_914 : memref<80x64xf32, #tpu.memory_space<vmem>>) target(%dma_start3A_920 : memref<10240x64xf32, #tpu.memory_space<vmem_shared>>) offsets(%dma_start3A_917 : memref<80xi32, #tpu.memory_space<vmem>>) semaphore(%arg17 : memref<!tpu.dma_semaphore, #tpu.memory_space<semaphore_mem>>) {add = true}
        %dma_start3A_921 = arith.constant 3 : i32
        %dma_start3A_922 = arith.constant 3 : i32
        %dma_start3A_923 = arith.constant 0 : i32
        %dma_start3A_924 = arith.constant 0 : i32
        %dma_start3A_925 = tpu.memref_slice %arg10[%rem3A_774, %dma_start3A_921, %dma_start3A_923, %dma_start3A_924] : memref<2x5x80x64xf32, #tpu.memory_space<vmem>> -> memref<1x1x80x64xf32, #tpu.memory_space<vmem>>
        %dma_start3A_926 = tpu.memref_squeeze %dma_start3A_925 : memref<1x1x80x64xf32, #tpu.memory_space<vmem>> -> memref<80x64xf32, #tpu.memory_space<vmem>>
        %dma_start3A_927 = arith.constant 0 : i32
        %dma_start3A_928 = tpu.memref_slice %arg9[%rem3A_776, %dma_start3A_922, %dma_start3A_927] : memref<3x5x80xi32, #tpu.memory_space<vmem>> -> memref<1x1x80xi32, #tpu.memory_space<vmem>>
        %dma_start3A_929 = tpu.memref_squeeze %dma_start3A_928 : memref<1x1x80xi32, #tpu.memory_space<vmem>> -> memref<80xi32, #tpu.memory_space<vmem>>
        %dma_start3A_930 = arith.constant 0 : i32
        %dma_start3A_931 = arith.constant 0 : i32
        %dma_start3A_932 = tpu.memref_slice %arg13[%dma_start3A_930, %dma_start3A_931] : memref<10240x64xf32, #tpu.memory_space<vmem_shared>> -> memref<10240x64xf32, #tpu.memory_space<vmem_shared>>
        tpu.enqueue_indirect_dma source(%dma_start3A_926 : memref<80x64xf32, #tpu.memory_space<vmem>>) target(%dma_start3A_932 : memref<10240x64xf32, #tpu.memory_space<vmem_shared>>) offsets(%dma_start3A_929 : memref<80xi32, #tpu.memory_space<vmem>>) semaphore(%arg17 : memref<!tpu.dma_semaphore, #tpu.memory_space<semaphore_mem>>) {add = true}
        %dma_start3A_933 = arith.constant 4 : i32
        %dma_start3A_934 = arith.constant 4 : i32
        %dma_start3A_935 = arith.constant 0 : i32
        %dma_start3A_936 = arith.constant 0 : i32
        %dma_start3A_937 = tpu.memref_slice %arg10[%rem3A_774, %dma_start3A_933, %dma_start3A_935, %dma_start3A_936] : memref<2x5x80x64xf32, #tpu.memory_space<vmem>> -> memref<1x1x80x64xf32, #tpu.memory_space<vmem>>
        %dma_start3A_938 = tpu.memref_squeeze %dma_start3A_937 : memref<1x1x80x64xf32, #tpu.memory_space<vmem>> -> memref<80x64xf32, #tpu.memory_space<vmem>>
        %dma_start3A_939 = arith.constant 0 : i32
        %dma_start3A_940 = tpu.memref_slice %arg9[%rem3A_776, %dma_start3A_934, %dma_start3A_939] : memref<3x5x80xi32, #tpu.memory_space<vmem>> -> memref<1x1x80xi32, #tpu.memory_space<vmem>>
        %dma_start3A_941 = tpu.memref_squeeze %dma_start3A_940 : memref<1x1x80xi32, #tpu.memory_space<vmem>> -> memref<80xi32, #tpu.memory_space<vmem>>
        %dma_start3A_942 = arith.constant 0 : i32
        %dma_start3A_943 = arith.constant 0 : i32
        %dma_start3A_944 = tpu.memref_slice %arg13[%dma_start3A_942, %dma_start3A_943] : memref<10240x64xf32, #tpu.memory_space<vmem_shared>> -> memref<10240x64xf32, #tpu.memory_space<vmem_shared>>
        tpu.enqueue_indirect_dma source(%dma_start3A_938 : memref<80x64xf32, #tpu.memory_space<vmem>>) target(%dma_start3A_944 : memref<10240x64xf32, #tpu.memory_space<vmem_shared>>) offsets(%dma_start3A_941 : memref<80xi32, #tpu.memory_space<vmem>>) semaphore(%arg17 : memref<!tpu.dma_semaphore, #tpu.memory_space<semaphore_mem>>) {add = true}
      } else {
      }
      %lt3A = arith.constant 25 : i32
      %lt3A_844 = arith.cmpi slt, %scan3A_773, %lt3A : i32
      %eq3A_845 = arith.constant 1 : i32
      %eq3A_846 = arith.cmpi eq, %arg0, %eq3A_845 : i32
      %xor3A = arith.xori %lt3A_844, %eq3A_846 : i1
      %convert_element_type3A_847 = arith.extui %xor3A : i1 to i32
      %cond3A_848 = arith.constant 0 : i32
      %cond3A_849 = arith.cmpi ne, %convert_element_type3A_847, %cond3A_848 : i32
      scf.if %cond3A_849 {
        %dma_start3A_885 = arith.constant 0 : i32
        %dma_start3A_886 = arith.constant 0 : i32
        %dma_start3A_887 = tpu.memref_slice %arg9[%rem3A_776, %dma_start3A_885, %dma_start3A_886] : memref<3x5x80xi32, #tpu.memory_space<vmem>> -> memref<1x1x80xi32, #tpu.memory_space<vmem>>
        %dma_start3A_888 = tpu.memref_squeeze %dma_start3A_887 : memref<1x1x80xi32, #tpu.memory_space<vmem>> -> memref<80xi32, #tpu.memory_space<vmem>>
        %dma_start3A_889 = arith.constant 0 : i32
        %dma_start3A_890 = arith.constant 0 : i32
        %dma_start3A_891 = tpu.memref_slice %arg14[%dma_start3A_889, %dma_start3A_890] : memref<10240x16xf32, #tpu.memory_space<vmem_shared>> -> memref<10240x16xf32, #tpu.memory_space<vmem_shared>>
        tpu.enqueue_indirect_dma source(%arg11 : memref<80x16xf32, #tpu.memory_space<vmem>>) target(%dma_start3A_891 : memref<10240x16xf32, #tpu.memory_space<vmem_shared>>) offsets(%dma_start3A_888 : memref<80xi32, #tpu.memory_space<vmem>>) semaphore(%arg18 : memref<!tpu.dma_semaphore, #tpu.memory_space<semaphore_mem>>) {add = true}
        %dma_start3A_892 = arith.constant 1 : i32
        %dma_start3A_893 = arith.constant 0 : i32
        %dma_start3A_894 = tpu.memref_slice %arg9[%rem3A_776, %dma_start3A_892, %dma_start3A_893] : memref<3x5x80xi32, #tpu.memory_space<vmem>> -> memref<1x1x80xi32, #tpu.memory_space<vmem>>
        %dma_start3A_895 = tpu.memref_squeeze %dma_start3A_894 : memref<1x1x80xi32, #tpu.memory_space<vmem>> -> memref<80xi32, #tpu.memory_space<vmem>>
        %dma_start3A_896 = arith.constant 0 : i32
        %dma_start3A_897 = arith.constant 0 : i32
        %dma_start3A_898 = tpu.memref_slice %arg14[%dma_start3A_896, %dma_start3A_897] : memref<10240x16xf32, #tpu.memory_space<vmem_shared>> -> memref<10240x16xf32, #tpu.memory_space<vmem_shared>>
        tpu.enqueue_indirect_dma source(%arg11 : memref<80x16xf32, #tpu.memory_space<vmem>>) target(%dma_start3A_898 : memref<10240x16xf32, #tpu.memory_space<vmem_shared>>) offsets(%dma_start3A_895 : memref<80xi32, #tpu.memory_space<vmem>>) semaphore(%arg18 : memref<!tpu.dma_semaphore, #tpu.memory_space<semaphore_mem>>) {add = true}
        %dma_start3A_899 = arith.constant 2 : i32
        %dma_start3A_900 = arith.constant 0 : i32
        %dma_start3A_901 = tpu.memref_slice %arg9[%rem3A_776, %dma_start3A_899, %dma_start3A_900] : memref<3x5x80xi32, #tpu.memory_space<vmem>> -> memref<1x1x80xi32, #tpu.memory_space<vmem>>
        %dma_start3A_902 = tpu.memref_squeeze %dma_start3A_901 : memref<1x1x80xi32, #tpu.memory_space<vmem>> -> memref<80xi32, #tpu.memory_space<vmem>>
        %dma_start3A_903 = arith.constant 0 : i32
        %dma_start3A_904 = arith.constant 0 : i32
        %dma_start3A_905 = tpu.memref_slice %arg14[%dma_start3A_903, %dma_start3A_904] : memref<10240x16xf32, #tpu.memory_space<vmem_shared>> -> memref<10240x16xf32, #tpu.memory_space<vmem_shared>>
        tpu.enqueue_indirect_dma source(%arg11 : memref<80x16xf32, #tpu.memory_space<vmem>>) target(%dma_start3A_905 : memref<10240x16xf32, #tpu.memory_space<vmem_shared>>) offsets(%dma_start3A_902 : memref<80xi32, #tpu.memory_space<vmem>>) semaphore(%arg18 : memref<!tpu.dma_semaphore, #tpu.memory_space<semaphore_mem>>) {add = true}
        %dma_start3A_906 = arith.constant 3 : i32
        %dma_start3A_907 = arith.constant 0 : i32
        %dma_start3A_908 = tpu.memref_slice %arg9[%rem3A_776, %dma_start3A_906, %dma_start3A_907] : memref<3x5x80xi32, #tpu.memory_space<vmem>> -> memref<1x1x80xi32, #tpu.memory_space<vmem>>
        %dma_start3A_909 = tpu.memref_squeeze %dma_start3A_908 : memref<1x1x80xi32, #tpu.memory_space<vmem>> -> memref<80xi32, #tpu.memory_space<vmem>>
        %dma_start3A_910 = arith.constant 0 : i32
        %dma_start3A_911 = arith.constant 0 : i32
        %dma_start3A_912 = tpu.memref_slice %arg14[%dma_start3A_910, %dma_start3A_911] : memref<10240x16xf32, #tpu.memory_space<vmem_shared>> -> memref<10240x16xf32, #tpu.memory_space<vmem_shared>>
        tpu.enqueue_indirect_dma source(%arg11 : memref<80x16xf32, #tpu.memory_space<vmem>>) target(%dma_start3A_912 : memref<10240x16xf32, #tpu.memory_space<vmem_shared>>) offsets(%dma_start3A_909 : memref<80xi32, #tpu.memory_space<vmem>>) semaphore(%arg18 : memref<!tpu.dma_semaphore, #tpu.memory_space<semaphore_mem>>) {add = true}
        %dma_start3A_913 = arith.constant 4 : i32
        %dma_start3A_914 = arith.constant 0 : i32
        %dma_start3A_915 = tpu.memref_slice %arg9[%rem3A_776, %dma_start3A_913, %dma_start3A_914] : memref<3x5x80xi32, #tpu.memory_space<vmem>> -> memref<1x1x80xi32, #tpu.memory_space<vmem>>
        %dma_start3A_916 = tpu.memref_squeeze %dma_start3A_915 : memref<1x1x80xi32, #tpu.memory_space<vmem>> -> memref<80xi32, #tpu.memory_space<vmem>>
        %dma_start3A_917 = arith.constant 0 : i32
        %dma_start3A_918 = arith.constant 0 : i32
        %dma_start3A_919 = tpu.memref_slice %arg14[%dma_start3A_917, %dma_start3A_918] : memref<10240x16xf32, #tpu.memory_space<vmem_shared>> -> memref<10240x16xf32, #tpu.memory_space<vmem_shared>>
        tpu.enqueue_indirect_dma source(%arg11 : memref<80x16xf32, #tpu.memory_space<vmem>>) target(%dma_start3A_919 : memref<10240x16xf32, #tpu.memory_space<vmem_shared>>) offsets(%dma_start3A_916 : memref<80xi32, #tpu.memory_space<vmem>>) semaphore(%arg18 : memref<!tpu.dma_semaphore, #tpu.memory_space<semaphore_mem>>) {add = true}
        %dma_wait3A_920 = arith.constant 0 : i32
        %dma_wait3A_921 = arith.constant 0 : i32
        %dma_wait3A_922 = tpu.memref_slice %arg9[%rem3A_776, %dma_wait3A_920, %dma_wait3A_921] : memref<3x5x80xi32, #tpu.memory_space<vmem>> -> memref<1x1x80xi32, #tpu.memory_space<vmem>>
        %dma_wait3A_923 = tpu.memref_squeeze %dma_wait3A_922 : memref<1x1x80xi32, #tpu.memory_space<vmem>> -> memref<80xi32, #tpu.memory_space<vmem>>
        %dma_wait3A_924 = arith.constant 0 : i32
        %dma_wait3A_925 = arith.constant 0 : i32
        %dma_wait3A_926 = tpu.memref_slice %arg14[%dma_wait3A_924, %dma_wait3A_925] : memref<10240x16xf32, #tpu.memory_space<vmem_shared>> -> memref<10240x16xf32, #tpu.memory_space<vmem_shared>>
        tpu.wait_indirect_dma semaphore(%arg18 : memref<!tpu.dma_semaphore, #tpu.memory_space<semaphore_mem>>) src(%arg11 : memref<80x16xf32, #tpu.memory_space<vmem>>) dst(%dma_wait3A_926 : memref<10240x16xf32, #tpu.memory_space<vmem_shared>>)
        %dma_wait3A_927 = arith.constant 1 : i32
        %dma_wait3A_928 = arith.constant 0 : i32
        %dma_wait3A_929 = tpu.memref_slice %arg9[%rem3A_776, %dma_wait3A_927, %dma_wait3A_928] : memref<3x5x80xi32, #tpu.memory_space<vmem>> -> memref<1x1x80xi32, #tpu.memory_space<vmem>>
        %dma_wait3A_930 = tpu.memref_squeeze %dma_wait3A_929 : memref<1x1x80xi32, #tpu.memory_space<vmem>> -> memref<80xi32, #tpu.memory_space<vmem>>
        %dma_wait3A_931 = arith.constant 0 : i32
        %dma_wait3A_932 = arith.constant 0 : i32
        %dma_wait3A_933 = tpu.memref_slice %arg14[%dma_wait3A_931, %dma_wait3A_932] : memref<10240x16xf32, #tpu.memory_space<vmem_shared>> -> memref<10240x16xf32, #tpu.memory_space<vmem_shared>>
        tpu.wait_indirect_dma semaphore(%arg18 : memref<!tpu.dma_semaphore, #tpu.memory_space<semaphore_mem>>) src(%arg11 : memref<80x16xf32, #tpu.memory_space<vmem>>) dst(%dma_wait3A_933 : memref<10240x16xf32, #tpu.memory_space<vmem_shared>>)
        %dma_wait3A_934 = arith.constant 2 : i32
        %dma_wait3A_935 = arith.constant 0 : i32
        %dma_wait3A_936 = tpu.memref_slice %arg9[%rem3A_776, %dma_wait3A_934, %dma_wait3A_935] : memref<3x5x80xi32, #tpu.memory_space<vmem>> -> memref<1x1x80xi32, #tpu.memory_space<vmem>>
        %dma_wait3A_937 = tpu.memref_squeeze %dma_wait3A_936 : memref<1x1x80xi32, #tpu.memory_space<vmem>> -> memref<80xi32, #tpu.memory_space<vmem>>
        %dma_wait3A_938 = arith.constant 0 : i32
        %dma_wait3A_939 = arith.constant 0 : i32
        %dma_wait3A_940 = tpu.memref_slice %arg14[%dma_wait3A_938, %dma_wait3A_939] : memref<10240x16xf32, #tpu.memory_space<vmem_shared>> -> memref<10240x16xf32, #tpu.memory_space<vmem_shared>>
        tpu.wait_indirect_dma semaphore(%arg18 : memref<!tpu.dma_semaphore, #tpu.memory_space<semaphore_mem>>) src(%arg11 : memref<80x16xf32, #tpu.memory_space<vmem>>) dst(%dma_wait3A_940 : memref<10240x16xf32, #tpu.memory_space<vmem_shared>>)
        %dma_wait3A_941 = arith.constant 3 : i32
        %dma_wait3A_942 = arith.constant 0 : i32
        %dma_wait3A_943 = tpu.memref_slice %arg9[%rem3A_776, %dma_wait3A_941, %dma_wait3A_942] : memref<3x5x80xi32, #tpu.memory_space<vmem>> -> memref<1x1x80xi32, #tpu.memory_space<vmem>>
        %dma_wait3A_944 = tpu.memref_squeeze %dma_wait3A_943 : memref<1x1x80xi32, #tpu.memory_space<vmem>> -> memref<80xi32, #tpu.memory_space<vmem>>
        %dma_wait3A_945 = arith.constant 0 : i32
        %dma_wait3A_946 = arith.constant 0 : i32
        %dma_wait3A_947 = tpu.memref_slice %arg14[%dma_wait3A_945, %dma_wait3A_946] : memref<10240x16xf32, #tpu.memory_space<vmem_shared>> -> memref<10240x16xf32, #tpu.memory_space<vmem_shared>>
        tpu.wait_indirect_dma semaphore(%arg18 : memref<!tpu.dma_semaphore, #tpu.memory_space<semaphore_mem>>) src(%arg11 : memref<80x16xf32, #tpu.memory_space<vmem>>) dst(%dma_wait3A_947 : memref<10240x16xf32, #tpu.memory_space<vmem_shared>>)
        %dma_wait3A_948 = arith.constant 4 : i32
        %dma_wait3A_949 = arith.constant 0 : i32
        %dma_wait3A_950 = tpu.memref_slice %arg9[%rem3A_776, %dma_wait3A_948, %dma_wait3A_949] : memref<3x5x80xi32, #tpu.memory_space<vmem>> -> memref<1x1x80xi32, #tpu.memory_space<vmem>>
        %dma_wait3A_951 = tpu.memref_squeeze %dma_wait3A_950 : memref<1x1x80xi32, #tpu.memory_space<vmem>> -> memref<80xi32, #tpu.memory_space<vmem>>
        %dma_wait3A_952 = arith.constant 0 : i32
        %dma_wait3A_953 = arith.constant 0 : i32
        %dma_wait3A_954 = tpu.memref_slice %arg14[%dma_wait3A_952, %dma_wait3A_953] : memref<10240x16xf32, #tpu.memory_space<vmem_shared>> -> memref<10240x16xf32, #tpu.memory_space<vmem_shared>>
        tpu.wait_indirect_dma semaphore(%arg18 : memref<!tpu.dma_semaphore, #tpu.memory_space<semaphore_mem>>) src(%arg11 : memref<80x16xf32, #tpu.memory_space<vmem>>) dst(%dma_wait3A_954 : memref<10240x16xf32, #tpu.memory_space<vmem_shared>>)
      } else {
      }
      %ge3A = arith.constant 1 : i32
      %ge3A_850 = arith.cmpi sge, %scan3A_773, %ge3A : i32
      %eq3A_851 = arith.constant 1 : i32
      %eq3A_852 = arith.cmpi eq, %rem3A_774, %eq3A_851 : i32
      %and3A = arith.andi %ge3A_850, %eq3A_852 : i1
      %convert_element_type3A_853 = arith.extui %and3A : i1 to i32
      %cond3A_854 = arith.constant 0 : i32
      %cond3A_855 = arith.cmpi ne, %convert_element_type3A_853, %cond3A_854 : i32
      scf.if %cond3A_855 {
        %dma_wait3A_885 = arith.constant 0 : i32
        %dma_wait3A_886 = arith.constant 0 : i32
        %dma_wait3A_887 = arith.constant 0 : i32
        %dma_wait3A_888 = arith.constant 0 : i32
        %dma_wait3A_889 = arith.constant 0 : i32
        %dma_wait3A_890 = tpu.memref_slice %arg10[%dma_wait3A_885, %dma_wait3A_886, %dma_wait3A_888, %dma_wait3A_889] : memref<2x5x80x64xf32, #tpu.memory_space<vmem>> -> memref<1x1x80x64xf32, #tpu.memory_space<vmem>>
        %dma_wait3A_891 = tpu.memref_squeeze %dma_wait3A_890 : memref<1x1x80x64xf32, #tpu.memory_space<vmem>> -> memref<80x64xf32, #tpu.memory_space<vmem>>
        %dma_wait3A_892 = arith.constant 0 : i32
        %dma_wait3A_893 = tpu.memref_slice %arg9[%rem3A_776, %dma_wait3A_887, %dma_wait3A_892] : memref<3x5x80xi32, #tpu.memory_space<vmem>> -> memref<1x1x80xi32, #tpu.memory_space<vmem>>
        %dma_wait3A_894 = tpu.memref_squeeze %dma_wait3A_893 : memref<1x1x80xi32, #tpu.memory_space<vmem>> -> memref<80xi32, #tpu.memory_space<vmem>>
        %dma_wait3A_895 = arith.constant 0 : i32
        %dma_wait3A_896 = arith.constant 0 : i32
        %dma_wait3A_897 = tpu.memref_slice %arg13[%dma_wait3A_895, %dma_wait3A_896] : memref<10240x64xf32, #tpu.memory_space<vmem_shared>> -> memref<10240x64xf32, #tpu.memory_space<vmem_shared>>
        tpu.wait_indirect_dma semaphore(%arg16 : memref<!tpu.dma_semaphore, #tpu.memory_space<semaphore_mem>>) src(%dma_wait3A_891 : memref<80x64xf32, #tpu.memory_space<vmem>>) dst(%dma_wait3A_897 : memref<10240x64xf32, #tpu.memory_space<vmem_shared>>)
        %dma_wait3A_898 = arith.constant 0 : i32
        %dma_wait3A_899 = arith.constant 1 : i32
        %dma_wait3A_900 = arith.constant 1 : i32
        %dma_wait3A_901 = arith.constant 0 : i32
        %dma_wait3A_902 = arith.constant 0 : i32
        %dma_wait3A_903 = tpu.memref_slice %arg10[%dma_wait3A_898, %dma_wait3A_899, %dma_wait3A_901, %dma_wait3A_902] : memref<2x5x80x64xf32, #tpu.memory_space<vmem>> -> memref<1x1x80x64xf32, #tpu.memory_space<vmem>>
        %dma_wait3A_904 = tpu.memref_squeeze %dma_wait3A_903 : memref<1x1x80x64xf32, #tpu.memory_space<vmem>> -> memref<80x64xf32, #tpu.memory_space<vmem>>
        %dma_wait3A_905 = arith.constant 0 : i32
        %dma_wait3A_906 = tpu.memref_slice %arg9[%rem3A_776, %dma_wait3A_900, %dma_wait3A_905] : memref<3x5x80xi32, #tpu.memory_space<vmem>> -> memref<1x1x80xi32, #tpu.memory_space<vmem>>
        %dma_wait3A_907 = tpu.memref_squeeze %dma_wait3A_906 : memref<1x1x80xi32, #tpu.memory_space<vmem>> -> memref<80xi32, #tpu.memory_space<vmem>>
        %dma_wait3A_908 = arith.constant 0 : i32
        %dma_wait3A_909 = arith.constant 0 : i32
        %dma_wait3A_910 = tpu.memref_slice %arg13[%dma_wait3A_908, %dma_wait3A_909] : memref<10240x64xf32, #tpu.memory_space<vmem_shared>> -> memref<10240x64xf32, #tpu.memory_space<vmem_shared>>
        tpu.wait_indirect_dma semaphore(%arg16 : memref<!tpu.dma_semaphore, #tpu.memory_space<semaphore_mem>>) src(%dma_wait3A_904 : memref<80x64xf32, #tpu.memory_space<vmem>>) dst(%dma_wait3A_910 : memref<10240x64xf32, #tpu.memory_space<vmem_shared>>)
        %dma_wait3A_911 = arith.constant 0 : i32
        %dma_wait3A_912 = arith.constant 2 : i32
        %dma_wait3A_913 = arith.constant 2 : i32
        %dma_wait3A_914 = arith.constant 0 : i32
        %dma_wait3A_915 = arith.constant 0 : i32
        %dma_wait3A_916 = tpu.memref_slice %arg10[%dma_wait3A_911, %dma_wait3A_912, %dma_wait3A_914, %dma_wait3A_915] : memref<2x5x80x64xf32, #tpu.memory_space<vmem>> -> memref<1x1x80x64xf32, #tpu.memory_space<vmem>>
        %dma_wait3A_917 = tpu.memref_squeeze %dma_wait3A_916 : memref<1x1x80x64xf32, #tpu.memory_space<vmem>> -> memref<80x64xf32, #tpu.memory_space<vmem>>
        %dma_wait3A_918 = arith.constant 0 : i32
        %dma_wait3A_919 = tpu.memref_slice %arg9[%rem3A_776, %dma_wait3A_913, %dma_wait3A_918] : memref<3x5x80xi32, #tpu.memory_space<vmem>> -> memref<1x1x80xi32, #tpu.memory_space<vmem>>
        %dma_wait3A_920 = tpu.memref_squeeze %dma_wait3A_919 : memref<1x1x80xi32, #tpu.memory_space<vmem>> -> memref<80xi32, #tpu.memory_space<vmem>>
        %dma_wait3A_921 = arith.constant 0 : i32
        %dma_wait3A_922 = arith.constant 0 : i32
        %dma_wait3A_923 = tpu.memref_slice %arg13[%dma_wait3A_921, %dma_wait3A_922] : memref<10240x64xf32, #tpu.memory_space<vmem_shared>> -> memref<10240x64xf32, #tpu.memory_space<vmem_shared>>
        tpu.wait_indirect_dma semaphore(%arg16 : memref<!tpu.dma_semaphore, #tpu.memory_space<semaphore_mem>>) src(%dma_wait3A_917 : memref<80x64xf32, #tpu.memory_space<vmem>>) dst(%dma_wait3A_923 : memref<10240x64xf32, #tpu.memory_space<vmem_shared>>)
        %dma_wait3A_924 = arith.constant 0 : i32
        %dma_wait3A_925 = arith.constant 3 : i32
        %dma_wait3A_926 = arith.constant 3 : i32
        %dma_wait3A_927 = arith.constant 0 : i32
        %dma_wait3A_928 = arith.constant 0 : i32
        %dma_wait3A_929 = tpu.memref_slice %arg10[%dma_wait3A_924, %dma_wait3A_925, %dma_wait3A_927, %dma_wait3A_928] : memref<2x5x80x64xf32, #tpu.memory_space<vmem>> -> memref<1x1x80x64xf32, #tpu.memory_space<vmem>>
        %dma_wait3A_930 = tpu.memref_squeeze %dma_wait3A_929 : memref<1x1x80x64xf32, #tpu.memory_space<vmem>> -> memref<80x64xf32, #tpu.memory_space<vmem>>
        %dma_wait3A_931 = arith.constant 0 : i32
        %dma_wait3A_932 = tpu.memref_slice %arg9[%rem3A_776, %dma_wait3A_926, %dma_wait3A_931] : memref<3x5x80xi32, #tpu.memory_space<vmem>> -> memref<1x1x80xi32, #tpu.memory_space<vmem>>
        %dma_wait3A_933 = tpu.memref_squeeze %dma_wait3A_932 : memref<1x1x80xi32, #tpu.memory_space<vmem>> -> memref<80xi32, #tpu.memory_space<vmem>>
        %dma_wait3A_934 = arith.constant 0 : i32
        %dma_wait3A_935 = arith.constant 0 : i32
        %dma_wait3A_936 = tpu.memref_slice %arg13[%dma_wait3A_934, %dma_wait3A_935] : memref<10240x64xf32, #tpu.memory_space<vmem_shared>> -> memref<10240x64xf32, #tpu.memory_space<vmem_shared>>
        tpu.wait_indirect_dma semaphore(%arg16 : memref<!tpu.dma_semaphore, #tpu.memory_space<semaphore_mem>>) src(%dma_wait3A_930 : memref<80x64xf32, #tpu.memory_space<vmem>>) dst(%dma_wait3A_936 : memref<10240x64xf32, #tpu.memory_space<vmem_shared>>)
        %dma_wait3A_937 = arith.constant 0 : i32
        %dma_wait3A_938 = arith.constant 4 : i32
        %dma_wait3A_939 = arith.constant 4 : i32
        %dma_wait3A_940 = arith.constant 0 : i32
        %dma_wait3A_941 = arith.constant 0 : i32
        %dma_wait3A_942 = tpu.memref_slice %arg10[%dma_wait3A_937, %dma_wait3A_938, %dma_wait3A_940, %dma_wait3A_941] : memref<2x5x80x64xf32, #tpu.memory_space<vmem>> -> memref<1x1x80x64xf32, #tpu.memory_space<vmem>>
        %dma_wait3A_943 = tpu.memref_squeeze %dma_wait3A_942 : memref<1x1x80x64xf32, #tpu.memory_space<vmem>> -> memref<80x64xf32, #tpu.memory_space<vmem>>
        %dma_wait3A_944 = arith.constant 0 : i32
        %dma_wait3A_945 = tpu.memref_slice %arg9[%rem3A_776, %dma_wait3A_939, %dma_wait3A_944] : memref<3x5x80xi32, #tpu.memory_space<vmem>> -> memref<1x1x80xi32, #tpu.memory_space<vmem>>
        %dma_wait3A_946 = tpu.memref_squeeze %dma_wait3A_945 : memref<1x1x80xi32, #tpu.memory_space<vmem>> -> memref<80xi32, #tpu.memory_space<vmem>>
        %dma_wait3A_947 = arith.constant 0 : i32
        %dma_wait3A_948 = arith.constant 0 : i32
        %dma_wait3A_949 = tpu.memref_slice %arg13[%dma_wait3A_947, %dma_wait3A_948] : memref<10240x64xf32, #tpu.memory_space<vmem_shared>> -> memref<10240x64xf32, #tpu.memory_space<vmem_shared>>
        tpu.wait_indirect_dma semaphore(%arg16 : memref<!tpu.dma_semaphore, #tpu.memory_space<semaphore_mem>>) src(%dma_wait3A_943 : memref<80x64xf32, #tpu.memory_space<vmem>>) dst(%dma_wait3A_949 : memref<10240x64xf32, #tpu.memory_space<vmem_shared>>)
      } else {
      }
      %ge3A_856 = arith.constant 1 : i32
      %ge3A_857 = arith.cmpi sge, %scan3A_773, %ge3A_856 : i32
      %eq3A_858 = arith.constant 0 : i32
      %eq3A_859 = arith.cmpi eq, %rem3A_774, %eq3A_858 : i32
      %and3A_860 = arith.andi %ge3A_857, %eq3A_859 : i1
      %convert_element_type3A_861 = arith.extui %and3A_860 : i1 to i32
      %cond3A_862 = arith.constant 0 : i32
      %cond3A_863 = arith.cmpi ne, %convert_element_type3A_861, %cond3A_862 : i32
      scf.if %cond3A_863 {
        %dma_wait3A_885 = arith.constant 1 : i32
        %dma_wait3A_886 = arith.constant 0 : i32
        %dma_wait3A_887 = arith.constant 0 : i32
        %dma_wait3A_888 = arith.constant 0 : i32
        %dma_wait3A_889 = arith.constant 0 : i32
        %dma_wait3A_890 = tpu.memref_slice %arg10[%dma_wait3A_885, %dma_wait3A_886, %dma_wait3A_888, %dma_wait3A_889] : memref<2x5x80x64xf32, #tpu.memory_space<vmem>> -> memref<1x1x80x64xf32, #tpu.memory_space<vmem>>
        %dma_wait3A_891 = tpu.memref_squeeze %dma_wait3A_890 : memref<1x1x80x64xf32, #tpu.memory_space<vmem>> -> memref<80x64xf32, #tpu.memory_space<vmem>>
        %dma_wait3A_892 = arith.constant 0 : i32
        %dma_wait3A_893 = tpu.memref_slice %arg9[%rem3A_776, %dma_wait3A_887, %dma_wait3A_892] : memref<3x5x80xi32, #tpu.memory_space<vmem>> -> memref<1x1x80xi32, #tpu.memory_space<vmem>>
        %dma_wait3A_894 = tpu.memref_squeeze %dma_wait3A_893 : memref<1x1x80xi32, #tpu.memory_space<vmem>> -> memref<80xi32, #tpu.memory_space<vmem>>
        %dma_wait3A_895 = arith.constant 0 : i32
        %dma_wait3A_896 = arith.constant 0 : i32
        %dma_wait3A_897 = tpu.memref_slice %arg13[%dma_wait3A_895, %dma_wait3A_896] : memref<10240x64xf32, #tpu.memory_space<vmem_shared>> -> memref<10240x64xf32, #tpu.memory_space<vmem_shared>>
        tpu.wait_indirect_dma semaphore(%arg17 : memref<!tpu.dma_semaphore, #tpu.memory_space<semaphore_mem>>) src(%dma_wait3A_891 : memref<80x64xf32, #tpu.memory_space<vmem>>) dst(%dma_wait3A_897 : memref<10240x64xf32, #tpu.memory_space<vmem_shared>>)
        %dma_wait3A_898 = arith.constant 1 : i32
        %dma_wait3A_899 = arith.constant 1 : i32
        %dma_wait3A_900 = arith.constant 1 : i32
        %dma_wait3A_901 = arith.constant 0 : i32
        %dma_wait3A_902 = arith.constant 0 : i32
        %dma_wait3A_903 = tpu.memref_slice %arg10[%dma_wait3A_898, %dma_wait3A_899, %dma_wait3A_901, %dma_wait3A_902] : memref<2x5x80x64xf32, #tpu.memory_space<vmem>> -> memref<1x1x80x64xf32, #tpu.memory_space<vmem>>
        %dma_wait3A_904 = tpu.memref_squeeze %dma_wait3A_903 : memref<1x1x80x64xf32, #tpu.memory_space<vmem>> -> memref<80x64xf32, #tpu.memory_space<vmem>>
        %dma_wait3A_905 = arith.constant 0 : i32
        %dma_wait3A_906 = tpu.memref_slice %arg9[%rem3A_776, %dma_wait3A_900, %dma_wait3A_905] : memref<3x5x80xi32, #tpu.memory_space<vmem>> -> memref<1x1x80xi32, #tpu.memory_space<vmem>>
        %dma_wait3A_907 = tpu.memref_squeeze %dma_wait3A_906 : memref<1x1x80xi32, #tpu.memory_space<vmem>> -> memref<80xi32, #tpu.memory_space<vmem>>
        %dma_wait3A_908 = arith.constant 0 : i32
        %dma_wait3A_909 = arith.constant 0 : i32
        %dma_wait3A_910 = tpu.memref_slice %arg13[%dma_wait3A_908, %dma_wait3A_909] : memref<10240x64xf32, #tpu.memory_space<vmem_shared>> -> memref<10240x64xf32, #tpu.memory_space<vmem_shared>>
        tpu.wait_indirect_dma semaphore(%arg17 : memref<!tpu.dma_semaphore, #tpu.memory_space<semaphore_mem>>) src(%dma_wait3A_904 : memref<80x64xf32, #tpu.memory_space<vmem>>) dst(%dma_wait3A_910 : memref<10240x64xf32, #tpu.memory_space<vmem_shared>>)
        %dma_wait3A_911 = arith.constant 1 : i32
        %dma_wait3A_912 = arith.constant 2 : i32
        %dma_wait3A_913 = arith.constant 2 : i32
        %dma_wait3A_914 = arith.constant 0 : i32
        %dma_wait3A_915 = arith.constant 0 : i32
        %dma_wait3A_916 = tpu.memref_slice %arg10[%dma_wait3A_911, %dma_wait3A_912, %dma_wait3A_914, %dma_wait3A_915] : memref<2x5x80x64xf32, #tpu.memory_space<vmem>> -> memref<1x1x80x64xf32, #tpu.memory_space<vmem>>
        %dma_wait3A_917 = tpu.memref_squeeze %dma_wait3A_916 : memref<1x1x80x64xf32, #tpu.memory_space<vmem>> -> memref<80x64xf32, #tpu.memory_space<vmem>>
        %dma_wait3A_918 = arith.constant 0 : i32
        %dma_wait3A_919 = tpu.memref_slice %arg9[%rem3A_776, %dma_wait3A_913, %dma_wait3A_918] : memref<3x5x80xi32, #tpu.memory_space<vmem>> -> memref<1x1x80xi32, #tpu.memory_space<vmem>>
        %dma_wait3A_920 = tpu.memref_squeeze %dma_wait3A_919 : memref<1x1x80xi32, #tpu.memory_space<vmem>> -> memref<80xi32, #tpu.memory_space<vmem>>
        %dma_wait3A_921 = arith.constant 0 : i32
        %dma_wait3A_922 = arith.constant 0 : i32
        %dma_wait3A_923 = tpu.memref_slice %arg13[%dma_wait3A_921, %dma_wait3A_922] : memref<10240x64xf32, #tpu.memory_space<vmem_shared>> -> memref<10240x64xf32, #tpu.memory_space<vmem_shared>>
        tpu.wait_indirect_dma semaphore(%arg17 : memref<!tpu.dma_semaphore, #tpu.memory_space<semaphore_mem>>) src(%dma_wait3A_917 : memref<80x64xf32, #tpu.memory_space<vmem>>) dst(%dma_wait3A_923 : memref<10240x64xf32, #tpu.memory_space<vmem_shared>>)
        %dma_wait3A_924 = arith.constant 1 : i32
        %dma_wait3A_925 = arith.constant 3 : i32
        %dma_wait3A_926 = arith.constant 3 : i32
        %dma_wait3A_927 = arith.constant 0 : i32
        %dma_wait3A_928 = arith.constant 0 : i32
        %dma_wait3A_929 = tpu.memref_slice %arg10[%dma_wait3A_924, %dma_wait3A_925, %dma_wait3A_927, %dma_wait3A_928] : memref<2x5x80x64xf32, #tpu.memory_space<vmem>> -> memref<1x1x80x64xf32, #tpu.memory_space<vmem>>
        %dma_wait3A_930 = tpu.memref_squeeze %dma_wait3A_929 : memref<1x1x80x64xf32, #tpu.memory_space<vmem>> -> memref<80x64xf32, #tpu.memory_space<vmem>>
        %dma_wait3A_931 = arith.constant 0 : i32
        %dma_wait3A_932 = tpu.memref_slice %arg9[%rem3A_776, %dma_wait3A_926, %dma_wait3A_931] : memref<3x5x80xi32, #tpu.memory_space<vmem>> -> memref<1x1x80xi32, #tpu.memory_space<vmem>>
        %dma_wait3A_933 = tpu.memref_squeeze %dma_wait3A_932 : memref<1x1x80xi32, #tpu.memory_space<vmem>> -> memref<80xi32, #tpu.memory_space<vmem>>
        %dma_wait3A_934 = arith.constant 0 : i32
        %dma_wait3A_935 = arith.constant 0 : i32
        %dma_wait3A_936 = tpu.memref_slice %arg13[%dma_wait3A_934, %dma_wait3A_935] : memref<10240x64xf32, #tpu.memory_space<vmem_shared>> -> memref<10240x64xf32, #tpu.memory_space<vmem_shared>>
        tpu.wait_indirect_dma semaphore(%arg17 : memref<!tpu.dma_semaphore, #tpu.memory_space<semaphore_mem>>) src(%dma_wait3A_930 : memref<80x64xf32, #tpu.memory_space<vmem>>) dst(%dma_wait3A_936 : memref<10240x64xf32, #tpu.memory_space<vmem_shared>>)
        %dma_wait3A_937 = arith.constant 1 : i32
        %dma_wait3A_938 = arith.constant 4 : i32
        %dma_wait3A_939 = arith.constant 4 : i32
        %dma_wait3A_940 = arith.constant 0 : i32
        %dma_wait3A_941 = arith.constant 0 : i32
        %dma_wait3A_942 = tpu.memref_slice %arg10[%dma_wait3A_937, %dma_wait3A_938, %dma_wait3A_940, %dma_wait3A_941] : memref<2x5x80x64xf32, #tpu.memory_space<vmem>> -> memref<1x1x80x64xf32, #tpu.memory_space<vmem>>
        %dma_wait3A_943 = tpu.memref_squeeze %dma_wait3A_942 : memref<1x1x80x64xf32, #tpu.memory_space<vmem>> -> memref<80x64xf32, #tpu.memory_space<vmem>>
        %dma_wait3A_944 = arith.constant 0 : i32
        %dma_wait3A_945 = tpu.memref_slice %arg9[%rem3A_776, %dma_wait3A_939, %dma_wait3A_944] : memref<3x5x80xi32, #tpu.memory_space<vmem>> -> memref<1x1x80xi32, #tpu.memory_space<vmem>>
        %dma_wait3A_946 = tpu.memref_squeeze %dma_wait3A_945 : memref<1x1x80xi32, #tpu.memory_space<vmem>> -> memref<80xi32, #tpu.memory_space<vmem>>
        %dma_wait3A_947 = arith.constant 0 : i32
        %dma_wait3A_948 = arith.constant 0 : i32
        %dma_wait3A_949 = tpu.memref_slice %arg13[%dma_wait3A_947, %dma_wait3A_948] : memref<10240x64xf32, #tpu.memory_space<vmem_shared>> -> memref<10240x64xf32, #tpu.memory_space<vmem_shared>>
        tpu.wait_indirect_dma semaphore(%arg17 : memref<!tpu.dma_semaphore, #tpu.memory_space<semaphore_mem>>) src(%dma_wait3A_943 : memref<80x64xf32, #tpu.memory_space<vmem>>) dst(%dma_wait3A_949 : memref<10240x64xf32, #tpu.memory_space<vmem_shared>>)
      } else {
      }
      %add3A_864 = arith.constant 1 : i32
      %add3A_865 = arith.addi %scan3A_773, %add3A_864 : i32
      %lt3A_866 = arith.constant 50 : i32
      %lt3A_867 = arith.cmpi slt, %add3A_865, %lt3A_866 : i32
      %convert_element_type3A_868 = arith.extui %lt3A_867 : i1 to i32
      %cond3A_869 = arith.constant 0 : i32
      %cond3A_870 = arith.cmpi ne, %convert_element_type3A_868, %cond3A_869 : i32
      scf.if %cond3A_870 {
        %add3A_885 = arith.constant 1 : i32
        %add3A_886 = arith.addi %scan3A_773, %add3A_885 : i32
        %rem3A_887 = arith.constant 3 : i32
        %rem3A_888 = arith.remsi %add3A_886, %rem3A_887 : i32
        %add3A_889 = arith.addi %mul3A_8, %scan3A_773 : i32
        %add3A_890 = arith.constant 1 : i32
        %add3A_891 = arith.addi %add3A_889, %add3A_890 : i32
        %dma_wait3A_892 = arith.constant 0 : i32
        %dma_wait3A_893 = arith.constant 0 : i32
        %dma_wait3A_894 = tpu.memref_slice %arg8[%rem3A_888, %dma_wait3A_892, %dma_wait3A_893] : memref<3x5x80xi32, #tpu.memory_space<vmem>> -> memref<1x5x80xi32, #tpu.memory_space<vmem>>
        %dma_wait3A_895 = tpu.memref_squeeze %dma_wait3A_894 : memref<1x5x80xi32, #tpu.memory_space<vmem>> -> memref<5x80xi32, #tpu.memory_space<vmem>>
        %dma_wait3A_896 = arith.constant 0 : i32
        %dma_wait3A_897 = arith.constant 0 : i32
        %dma_wait3A_898 = tpu.memref_slice %arg3[%add3A_891, %dma_wait3A_896, %dma_wait3A_897] : memref<800x5x80xi32, #tpu.memory_space<hbm>> -> memref<1x5x80xi32, #tpu.memory_space<hbm>>
        %dma_wait3A_899 = tpu.memref_squeeze %dma_wait3A_898 : memref<1x5x80xi32, #tpu.memory_space<hbm>> -> memref<5x80xi32, #tpu.memory_space<hbm>>
        %dma_wait3A_900 = arith.constant 0 : i32
        %dma_wait3A_901 = arith.constant 0 : i32
        %dma_wait3A_902 = tpu.memref_slice %arg8[%rem3A_888, %dma_wait3A_900, %dma_wait3A_901] : memref<3x5x80xi32, #tpu.memory_space<vmem>> -> memref<1x5x80xi32, #tpu.memory_space<vmem>>
        %dma_wait3A_903 = tpu.memref_squeeze %dma_wait3A_902 : memref<1x5x80xi32, #tpu.memory_space<vmem>> -> memref<5x80xi32, #tpu.memory_space<vmem>>
        %dma_wait3A_904 = arith.constant 0 : i32
        %dma_wait3A_905 = arith.constant 0 : i32
        %dma_wait3A_906 = tpu.memref_slice %arg3[%add3A_891, %dma_wait3A_904, %dma_wait3A_905] : memref<800x5x80xi32, #tpu.memory_space<hbm>> -> memref<1x5x80xi32, #tpu.memory_space<hbm>>
        %dma_wait3A_907 = tpu.memref_squeeze %dma_wait3A_906 : memref<1x5x80xi32, #tpu.memory_space<hbm>> -> memref<5x80xi32, #tpu.memory_space<hbm>>
        tpu.wait_dma2 semaphore(%arg19 : memref<!tpu.dma_semaphore, #tpu.memory_space<semaphore_mem>>) src(%dma_wait3A_907 : memref<5x80xi32, #tpu.memory_space<hbm>>) dst(%dma_wait3A_903 : memref<5x80xi32, #tpu.memory_space<vmem>>)
        %add3A_908 = arith.addi %mul3A_8, %scan3A_773 : i32
        %add3A_909 = arith.constant 1 : i32
        %add3A_910 = arith.addi %add3A_908, %add3A_909 : i32
        %dma_wait3A_911 = arith.constant 0 : i32
        %dma_wait3A_912 = arith.constant 0 : i32
        %dma_wait3A_913 = tpu.memref_slice %arg9[%rem3A_888, %dma_wait3A_911, %dma_wait3A_912] : memref<3x5x80xi32, #tpu.memory_space<vmem>> -> memref<1x5x80xi32, #tpu.memory_space<vmem>>
        %dma_wait3A_914 = tpu.memref_squeeze %dma_wait3A_913 : memref<1x5x80xi32, #tpu.memory_space<vmem>> -> memref<5x80xi32, #tpu.memory_space<vmem>>
        %dma_wait3A_915 = arith.constant 0 : i32
        %dma_wait3A_916 = arith.constant 0 : i32
        %dma_wait3A_917 = tpu.memref_slice %arg4[%add3A_910, %dma_wait3A_915, %dma_wait3A_916] : memref<800x5x80xi32, #tpu.memory_space<hbm>> -> memref<1x5x80xi32, #tpu.memory_space<hbm>>
        %dma_wait3A_918 = tpu.memref_squeeze %dma_wait3A_917 : memref<1x5x80xi32, #tpu.memory_space<hbm>> -> memref<5x80xi32, #tpu.memory_space<hbm>>
        %dma_wait3A_919 = arith.constant 0 : i32
        %dma_wait3A_920 = arith.constant 0 : i32
        %dma_wait3A_921 = tpu.memref_slice %arg9[%rem3A_888, %dma_wait3A_919, %dma_wait3A_920] : memref<3x5x80xi32, #tpu.memory_space<vmem>> -> memref<1x5x80xi32, #tpu.memory_space<vmem>>
        %dma_wait3A_922 = tpu.memref_squeeze %dma_wait3A_921 : memref<1x5x80xi32, #tpu.memory_space<vmem>> -> memref<5x80xi32, #tpu.memory_space<vmem>>
        %dma_wait3A_923 = arith.constant 0 : i32
        %dma_wait3A_924 = arith.constant 0 : i32
        %dma_wait3A_925 = tpu.memref_slice %arg4[%add3A_910, %dma_wait3A_923, %dma_wait3A_924] : memref<800x5x80xi32, #tpu.memory_space<hbm>> -> memref<1x5x80xi32, #tpu.memory_space<hbm>>
        %dma_wait3A_926 = tpu.memref_squeeze %dma_wait3A_925 : memref<1x5x80xi32, #tpu.memory_space<hbm>> -> memref<5x80xi32, #tpu.memory_space<hbm>>
        tpu.wait_dma2 semaphore(%arg19 : memref<!tpu.dma_semaphore, #tpu.memory_space<semaphore_mem>>) src(%dma_wait3A_926 : memref<5x80xi32, #tpu.memory_space<hbm>>) dst(%dma_wait3A_922 : memref<5x80xi32, #tpu.memory_space<vmem>>)
        %get3A_927 = arith.constant 0 : i32
        %get3A_928 = arith.index_cast %rem3A_888 : i32 to index
        %get3A_929 = arith.index_cast %get3A_927 : i32 to index
        %get3A_930 = arith.constant 0 : index
        %get3A_931 = tpu.vector_load %arg8[%get3A_928, %get3A_929, %get3A_930] {strides = array<i32>} : memref<3x5x80xi32, #tpu.memory_space<vmem>>, vector<1x1x16xi32>,
        %get3A_932 = vector.shape_cast %get3A_931 : vector<1x1x16xi32> to vector<16xi32>
        %mul3A_933 = arith.constant 2 : i32
        %mul3A_934 = vector.broadcast %mul3A_933 : i32 to vector<16xi32>
        %mul3A_935 = arith.muli %get3A_932, %mul3A_934 : vector<16xi32>
        %add3A_936 = vector.broadcast %arg0 : i32 to vector<16xi32>
        %add3A_937 = arith.addi %mul3A_935, %add3A_936 : vector<16xi32>
        %swap3A_938 = arith.constant 0 : i32
        %swap3A_939 = arith.index_cast %rem3A_888 : i32 to index
        %swap3A_940 = arith.index_cast %swap3A_938 : i32 to index
        %swap3A_941 = arith.constant 0 : index
        %swap3A_942 = tpu.vector_load %arg8[%swap3A_939, %swap3A_940, %swap3A_941] {strides = array<i32>} : memref<3x5x80xi32, #tpu.memory_space<vmem>>, vector<1x1x16xi32>,
        %swap3A_943 = vector.shape_cast %swap3A_942 : vector<1x1x16xi32> to vector<16xi32>
        %swap3A_944 = vector.shape_cast %add3A_937 : vector<16xi32> to vector<1x1x16xi32>
        tpu.vector_store %arg8[%swap3A_939, %swap3A_940, %swap3A_941], %swap3A_944 {strides = array<i32>} : memref<3x5x80xi32, #tpu.memory_space<vmem>>, vector<1x1x16xi32>,
        %get3A_945 = arith.constant 0 : i32
        %get3A_946 = arith.index_cast %rem3A_888 : i32 to index
        %get3A_947 = arith.index_cast %get3A_945 : i32 to index
        %get3A_948 = arith.constant 16 : index
        %get3A_949 = tpu.vector_load %arg8[%get3A_946, %get3A_947, %get3A_948] {strides = array<i32>} : memref<3x5x80xi32, #tpu.memory_space<vmem>>, vector<1x1x16xi32>,
        %get3A_950 = vector.shape_cast %get3A_949 : vector<1x1x16xi32> to vector<16xi32>
        %mul3A_951 = arith.constant 2 : i32
        %mul3A_952 = vector.broadcast %mul3A_951 : i32 to vector<16xi32>
        %mul3A_953 = arith.muli %get3A_950, %mul3A_952 : vector<16xi32>
        %add3A_954 = vector.broadcast %arg0 : i32 to vector<16xi32>
        %add3A_955 = arith.addi %mul3A_953, %add3A_954 : vector<16xi32>
        %swap3A_956 = arith.constant 0 : i32
        %swap3A_957 = arith.index_cast %rem3A_888 : i32 to index
        %swap3A_958 = arith.index_cast %swap3A_956 : i32 to index
        %swap3A_959 = arith.constant 16 : index
        %swap3A_960 = tpu.vector_load %arg8[%swap3A_957, %swap3A_958, %swap3A_959] {strides = array<i32>} : memref<3x5x80xi32, #tpu.memory_space<vmem>>, vector<1x1x16xi32>,
        %swap3A_961 = vector.shape_cast %swap3A_960 : vector<1x1x16xi32> to vector<16xi32>
        %swap3A_962 = vector.shape_cast %add3A_955 : vector<16xi32> to vector<1x1x16xi32>
        tpu.vector_store %arg8[%swap3A_957, %swap3A_958, %swap3A_959], %swap3A_962 {strides = array<i32>} : memref<3x5x80xi32, #tpu.memory_space<vmem>>, vector<1x1x16xi32>,
        %get3A_963 = arith.constant 0 : i32
        %get3A_964 = arith.index_cast %rem3A_888 : i32 to index
        %get3A_965 = arith.index_cast %get3A_963 : i32 to index
        %get3A_966 = arith.constant 32 : index
        %get3A_967 = tpu.vector_load %arg8[%get3A_964, %get3A_965, %get3A_966] {strides = array<i32>} : memref<3x5x80xi32, #tpu.memory_space<vmem>>, vector<1x1x16xi32>,
        %get3A_968 = vector.shape_cast %get3A_967 : vector<1x1x16xi32> to vector<16xi32>
        %mul3A_969 = arith.constant 2 : i32
        %mul3A_970 = vector.broadcast %mul3A_969 : i32 to vector<16xi32>
        %mul3A_971 = arith.muli %get3A_968, %mul3A_970 : vector<16xi32>
        %add3A_972 = vector.broadcast %arg0 : i32 to vector<16xi32>
        %add3A_973 = arith.addi %mul3A_971, %add3A_972 : vector<16xi32>
        %swap3A_974 = arith.constant 0 : i32
        %swap3A_975 = arith.index_cast %rem3A_888 : i32 to index
        %swap3A_976 = arith.index_cast %swap3A_974 : i32 to index
        %swap3A_977 = arith.constant 32 : index
        %swap3A_978 = tpu.vector_load %arg8[%swap3A_975, %swap3A_976, %swap3A_977] {strides = array<i32>} : memref<3x5x80xi32, #tpu.memory_space<vmem>>, vector<1x1x16xi32>,
        %swap3A_979 = vector.shape_cast %swap3A_978 : vector<1x1x16xi32> to vector<16xi32>
        %swap3A_980 = vector.shape_cast %add3A_973 : vector<16xi32> to vector<1x1x16xi32>
        tpu.vector_store %arg8[%swap3A_975, %swap3A_976, %swap3A_977], %swap3A_980 {strides = array<i32>} : memref<3x5x80xi32, #tpu.memory_space<vmem>>, vector<1x1x16xi32>,
        %get3A_981 = arith.constant 0 : i32
        %get3A_982 = arith.index_cast %rem3A_888 : i32 to index
        %get3A_983 = arith.index_cast %get3A_981 : i32 to index
        %get3A_984 = arith.constant 48 : index
        %get3A_985 = tpu.vector_load %arg8[%get3A_982, %get3A_983, %get3A_984] {strides = array<i32>} : memref<3x5x80xi32, #tpu.memory_space<vmem>>, vector<1x1x16xi32>,
        %get3A_986 = vector.shape_cast %get3A_985 : vector<1x1x16xi32> to vector<16xi32>
        %mul3A_987 = arith.constant 2 : i32
        %mul3A_988 = vector.broadcast %mul3A_987 : i32 to vector<16xi32>
        %mul3A_989 = arith.muli %get3A_986, %mul3A_988 : vector<16xi32>
        %add3A_990 = vector.broadcast %arg0 : i32 to vector<16xi32>
        %add3A_991 = arith.addi %mul3A_989, %add3A_990 : vector<16xi32>
        %swap3A_992 = arith.constant 0 : i32
        %swap3A_993 = arith.index_cast %rem3A_888 : i32 to index
        %swap3A_994 = arith.index_cast %swap3A_992 : i32 to index
        %swap3A_995 = arith.constant 48 : index
        %swap3A_996 = tpu.vector_load %arg8[%swap3A_993, %swap3A_994, %swap3A_995] {strides = array<i32>} : memref<3x5x80xi32, #tpu.memory_space<vmem>>, vector<1x1x16xi32>,
        %swap3A_997 = vector.shape_cast %swap3A_996 : vector<1x1x16xi32> to vector<16xi32>
        %swap3A_998 = vector.shape_cast %add3A_991 : vector<16xi32> to vector<1x1x16xi32>
        tpu.vector_store %arg8[%swap3A_993, %swap3A_994, %swap3A_995], %swap3A_998 {strides = array<i32>} : memref<3x5x80xi32, #tpu.memory_space<vmem>>, vector<1x1x16xi32>,
        %get3A_999 = arith.constant 0 : i32
        %get3A_1000 = arith.index_cast %rem3A_888 : i32 to index
        %get3A_1001 = arith.index_cast %get3A_999 : i32 to index
        %get3A_1002 = arith.constant 64 : index
        %get3A_1003 = tpu.vector_load %arg8[%get3A_1000, %get3A_1001, %get3A_1002] {strides = array<i32>} : memref<3x5x80xi32, #tpu.memory_space<vmem>>, vector<1x1x16xi32>,
        %get3A_1004 = vector.shape_cast %get3A_1003 : vector<1x1x16xi32> to vector<16xi32>
        %mul3A_1005 = arith.constant 2 : i32
        %mul3A_1006 = vector.broadcast %mul3A_1005 : i32 to vector<16xi32>
        %mul3A_1007 = arith.muli %get3A_1004, %mul3A_1006 : vector<16xi32>
        %add3A_1008 = vector.broadcast %arg0 : i32 to vector<16xi32>
        %add3A_1009 = arith.addi %mul3A_1007, %add3A_1008 : vector<16xi32>
        %swap3A_1010 = arith.constant 0 : i32
        %swap3A_1011 = arith.index_cast %rem3A_888 : i32 to index
        %swap3A_1012 = arith.index_cast %swap3A_1010 : i32 to index
        %swap3A_1013 = arith.constant 64 : index
        %swap3A_1014 = tpu.vector_load %arg8[%swap3A_1011, %swap3A_1012, %swap3A_1013] {strides = array<i32>} : memref<3x5x80xi32, #tpu.memory_space<vmem>>, vector<1x1x16xi32>,
        %swap3A_1015 = vector.shape_cast %swap3A_1014 : vector<1x1x16xi32> to vector<16xi32>
        %swap3A_1016 = vector.shape_cast %add3A_1009 : vector<16xi32> to vector<1x1x16xi32>
        tpu.vector_store %arg8[%swap3A_1011, %swap3A_1012, %swap3A_1013], %swap3A_1016 {strides = array<i32>} : memref<3x5x80xi32, #tpu.memory_space<vmem>>, vector<1x1x16xi32>,
        %get3A_1017 = arith.constant 1 : i32
        %get3A_1018 = arith.index_cast %rem3A_888 : i32 to index
        %get3A_1019 = arith.index_cast %get3A_1017 : i32 to index
        %get3A_1020 = arith.constant 0 : index
        %get3A_1021 = tpu.vector_load %arg8[%get3A_1018, %get3A_1019, %get3A_1020] {strides = array<i32>} : memref<3x5x80xi32, #tpu.memory_space<vmem>>, vector<1x1x16xi32>,
        %get3A_1022 = vector.shape_cast %get3A_1021 : vector<1x1x16xi32> to vector<16xi32>
        %mul3A_1023 = arith.constant 2 : i32
        %mul3A_1024 = vector.broadcast %mul3A_1023 : i32 to vector<16xi32>
        %mul3A_1025 = arith.muli %get3A_1022, %mul3A_1024 : vector<16xi32>
        %add3A_1026 = vector.broadcast %arg0 : i32 to vector<16xi32>
        %add3A_1027 = arith.addi %mul3A_1025, %add3A_1026 : vector<16xi32>
        %swap3A_1028 = arith.constant 1 : i32
        %swap3A_1029 = arith.index_cast %rem3A_888 : i32 to index
        %swap3A_1030 = arith.index_cast %swap3A_1028 : i32 to index
        %swap3A_1031 = arith.constant 0 : index
        %swap3A_1032 = tpu.vector_load %arg8[%swap3A_1029, %swap3A_1030, %swap3A_1031] {strides = array<i32>} : memref<3x5x80xi32, #tpu.memory_space<vmem>>, vector<1x1x16xi32>,
        %swap3A_1033 = vector.shape_cast %swap3A_1032 : vector<1x1x16xi32> to vector<16xi32>
        %swap3A_1034 = vector.shape_cast %add3A_1027 : vector<16xi32> to vector<1x1x16xi32>
        tpu.vector_store %arg8[%swap3A_1029, %swap3A_1030, %swap3A_1031], %swap3A_1034 {strides = array<i32>} : memref<3x5x80xi32, #tpu.memory_space<vmem>>, vector<1x1x16xi32>,
        %get3A_1035 = arith.constant 1 : i32
        %get3A_1036 = arith.index_cast %rem3A_888 : i32 to index
        %get3A_1037 = arith.index_cast %get3A_1035 : i32 to index
        %get3A_1038 = arith.constant 16 : index
        %get3A_1039 = tpu.vector_load %arg8[%get3A_1036, %get3A_1037, %get3A_1038] {strides = array<i32>} : memref<3x5x80xi32, #tpu.memory_space<vmem>>, vector<1x1x16xi32>,
        %get3A_1040 = vector.shape_cast %get3A_1039 : vector<1x1x16xi32> to vector<16xi32>
        %mul3A_1041 = arith.constant 2 : i32
        %mul3A_1042 = vector.broadcast %mul3A_1041 : i32 to vector<16xi32>
        %mul3A_1043 = arith.muli %get3A_1040, %mul3A_1042 : vector<16xi32>
        %add3A_1044 = vector.broadcast %arg0 : i32 to vector<16xi32>
        %add3A_1045 = arith.addi %mul3A_1043, %add3A_1044 : vector<16xi32>
        %swap3A_1046 = arith.constant 1 : i32
        %swap3A_1047 = arith.index_cast %rem3A_888 : i32 to index
        %swap3A_1048 = arith.index_cast %swap3A_1046 : i32 to index
        %swap3A_1049 = arith.constant 16 : index
        %swap3A_1050 = tpu.vector_load %arg8[%swap3A_1047, %swap3A_1048, %swap3A_1049] {strides = array<i32>} : memref<3x5x80xi32, #tpu.memory_space<vmem>>, vector<1x1x16xi32>,
        %swap3A_1051 = vector.shape_cast %swap3A_1050 : vector<1x1x16xi32> to vector<16xi32>
        %swap3A_1052 = vector.shape_cast %add3A_1045 : vector<16xi32> to vector<1x1x16xi32>
        tpu.vector_store %arg8[%swap3A_1047, %swap3A_1048, %swap3A_1049], %swap3A_1052 {strides = array<i32>} : memref<3x5x80xi32, #tpu.memory_space<vmem>>, vector<1x1x16xi32>,
        %get3A_1053 = arith.constant 1 : i32
        %get3A_1054 = arith.index_cast %rem3A_888 : i32 to index
        %get3A_1055 = arith.index_cast %get3A_1053 : i32 to index
        %get3A_1056 = arith.constant 32 : index
        %get3A_1057 = tpu.vector_load %arg8[%get3A_1054, %get3A_1055, %get3A_1056] {strides = array<i32>} : memref<3x5x80xi32, #tpu.memory_space<vmem>>, vector<1x1x16xi32>,
        %get3A_1058 = vector.shape_cast %get3A_1057 : vector<1x1x16xi32> to vector<16xi32>
        %mul3A_1059 = arith.constant 2 : i32
        %mul3A_1060 = vector.broadcast %mul3A_1059 : i32 to vector<16xi32>
        %mul3A_1061 = arith.muli %get3A_1058, %mul3A_1060 : vector<16xi32>
        %add3A_1062 = vector.broadcast %arg0 : i32 to vector<16xi32>
        %add3A_1063 = arith.addi %mul3A_1061, %add3A_1062 : vector<16xi32>
        %swap3A_1064 = arith.constant 1 : i32
        %swap3A_1065 = arith.index_cast %rem3A_888 : i32 to index
        %swap3A_1066 = arith.index_cast %swap3A_1064 : i32 to index
        %swap3A_1067 = arith.constant 32 : index
        %swap3A_1068 = tpu.vector_load %arg8[%swap3A_1065, %swap3A_1066, %swap3A_1067] {strides = array<i32>} : memref<3x5x80xi32, #tpu.memory_space<vmem>>, vector<1x1x16xi32>,
        %swap3A_1069 = vector.shape_cast %swap3A_1068 : vector<1x1x16xi32> to vector<16xi32>
        %swap3A_1070 = vector.shape_cast %add3A_1063 : vector<16xi32> to vector<1x1x16xi32>
        tpu.vector_store %arg8[%swap3A_1065, %swap3A_1066, %swap3A_1067], %swap3A_1070 {strides = array<i32>} : memref<3x5x80xi32, #tpu.memory_space<vmem>>, vector<1x1x16xi32>,
        %get3A_1071 = arith.constant 1 : i32
        %get3A_1072 = arith.index_cast %rem3A_888 : i32 to index
        %get3A_1073 = arith.index_cast %get3A_1071 : i32 to index
        %get3A_1074 = arith.constant 48 : index
        %get3A_1075 = tpu.vector_load %arg8[%get3A_1072, %get3A_1073, %get3A_1074] {strides = array<i32>} : memref<3x5x80xi32, #tpu.memory_space<vmem>>, vector<1x1x16xi32>,
        %get3A_1076 = vector.shape_cast %get3A_1075 : vector<1x1x16xi32> to vector<16xi32>
        %mul3A_1077 = arith.constant 2 : i32
        %mul3A_1078 = vector.broadcast %mul3A_1077 : i32 to vector<16xi32>
        %mul3A_1079 = arith.muli %get3A_1076, %mul3A_1078 : vector<16xi32>
        %add3A_1080 = vector.broadcast %arg0 : i32 to vector<16xi32>
        %add3A_1081 = arith.addi %mul3A_1079, %add3A_1080 : vector<16xi32>
        %swap3A_1082 = arith.constant 1 : i32
        %swap3A_1083 = arith.index_cast %rem3A_888 : i32 to index
        %swap3A_1084 = arith.index_cast %swap3A_1082 : i32 to index
        %swap3A_1085 = arith.constant 48 : index
        %swap3A_1086 = tpu.vector_load %arg8[%swap3A_1083, %swap3A_1084, %swap3A_1085] {strides = array<i32>} : memref<3x5x80xi32, #tpu.memory_space<vmem>>, vector<1x1x16xi32>,
        %swap3A_1087 = vector.shape_cast %swap3A_1086 : vector<1x1x16xi32> to vector<16xi32>
        %swap3A_1088 = vector.shape_cast %add3A_1081 : vector<16xi32> to vector<1x1x16xi32>
        tpu.vector_store %arg8[%swap3A_1083, %swap3A_1084, %swap3A_1085], %swap3A_1088 {strides = array<i32>} : memref<3x5x80xi32, #tpu.memory_space<vmem>>, vector<1x1x16xi32>,
        %get3A_1089 = arith.constant 1 : i32
        %get3A_1090 = arith.index_cast %rem3A_888 : i32 to index
        %get3A_1091 = arith.index_cast %get3A_1089 : i32 to index
        %get3A_1092 = arith.constant 64 : index
        %get3A_1093 = tpu.vector_load %arg8[%get3A_1090, %get3A_1091, %get3A_1092] {strides = array<i32>} : memref<3x5x80xi32, #tpu.memory_space<vmem>>, vector<1x1x16xi32>,
        %get3A_1094 = vector.shape_cast %get3A_1093 : vector<1x1x16xi32> to vector<16xi32>
        %mul3A_1095 = arith.constant 2 : i32
        %mul3A_1096 = vector.broadcast %mul3A_1095 : i32 to vector<16xi32>
        %mul3A_1097 = arith.muli %get3A_1094, %mul3A_1096 : vector<16xi32>
        %add3A_1098 = vector.broadcast %arg0 : i32 to vector<16xi32>
        %add3A_1099 = arith.addi %mul3A_1097, %add3A_1098 : vector<16xi32>
        %swap3A_1100 = arith.constant 1 : i32
        %swap3A_1101 = arith.index_cast %rem3A_888 : i32 to index
        %swap3A_1102 = arith.index_cast %swap3A_1100 : i32 to index
        %swap3A_1103 = arith.constant 64 : index
        %swap3A_1104 = tpu.vector_load %arg8[%swap3A_1101, %swap3A_1102, %swap3A_1103] {strides = array<i32>} : memref<3x5x80xi32, #tpu.memory_space<vmem>>, vector<1x1x16xi32>,
        %swap3A_1105 = vector.shape_cast %swap3A_1104 : vector<1x1x16xi32> to vector<16xi32>
        %swap3A_1106 = vector.shape_cast %add3A_1099 : vector<16xi32> to vector<1x1x16xi32>
        tpu.vector_store %arg8[%swap3A_1101, %swap3A_1102, %swap3A_1103], %swap3A_1106 {strides = array<i32>} : memref<3x5x80xi32, #tpu.memory_space<vmem>>, vector<1x1x16xi32>,
        %get3A_1107 = arith.constant 2 : i32
        %get3A_1108 = arith.index_cast %rem3A_888 : i32 to index
        %get3A_1109 = arith.index_cast %get3A_1107 : i32 to index
        %get3A_1110 = arith.constant 0 : index
        %get3A_1111 = tpu.vector_load %arg8[%get3A_1108, %get3A_1109, %get3A_1110] {strides = array<i32>} : memref<3x5x80xi32, #tpu.memory_space<vmem>>, vector<1x1x16xi32>,
        %get3A_1112 = vector.shape_cast %get3A_1111 : vector<1x1x16xi32> to vector<16xi32>
        %mul3A_1113 = arith.constant 2 : i32
        %mul3A_1114 = vector.broadcast %mul3A_1113 : i32 to vector<16xi32>
        %mul3A_1115 = arith.muli %get3A_1112, %mul3A_1114 : vector<16xi32>
        %add3A_1116 = vector.broadcast %arg0 : i32 to vector<16xi32>
        %add3A_1117 = arith.addi %mul3A_1115, %add3A_1116 : vector<16xi32>
        %swap3A_1118 = arith.constant 2 : i32
        %swap3A_1119 = arith.index_cast %rem3A_888 : i32 to index
        %swap3A_1120 = arith.index_cast %swap3A_1118 : i32 to index
        %swap3A_1121 = arith.constant 0 : index
        %swap3A_1122 = tpu.vector_load %arg8[%swap3A_1119, %swap3A_1120, %swap3A_1121] {strides = array<i32>} : memref<3x5x80xi32, #tpu.memory_space<vmem>>, vector<1x1x16xi32>,
        %swap3A_1123 = vector.shape_cast %swap3A_1122 : vector<1x1x16xi32> to vector<16xi32>
        %swap3A_1124 = vector.shape_cast %add3A_1117 : vector<16xi32> to vector<1x1x16xi32>
        tpu.vector_store %arg8[%swap3A_1119, %swap3A_1120, %swap3A_1121], %swap3A_1124 {strides = array<i32>} : memref<3x5x80xi32, #tpu.memory_space<vmem>>, vector<1x1x16xi32>,
        %get3A_1125 = arith.constant 2 : i32
        %get3A_1126 = arith.index_cast %rem3A_888 : i32 to index
        %get3A_1127 = arith.index_cast %get3A_1125 : i32 to index
        %get3A_1128 = arith.constant 16 : index
        %get3A_1129 = tpu.vector_load %arg8[%get3A_1126, %get3A_1127, %get3A_1128] {strides = array<i32>} : memref<3x5x80xi32, #tpu.memory_space<vmem>>, vector<1x1x16xi32>,
        %get3A_1130 = vector.shape_cast %get3A_1129 : vector<1x1x16xi32> to vector<16xi32>
        %mul3A_1131 = arith.constant 2 : i32
        %mul3A_1132 = vector.broadcast %mul3A_1131 : i32 to vector<16xi32>
        %mul3A_1133 = arith.muli %get3A_1130, %mul3A_1132 : vector<16xi32>
        %add3A_1134 = vector.broadcast %arg0 : i32 to vector<16xi32>
        %add3A_1135 = arith.addi %mul3A_1133, %add3A_1134 : vector<16xi32>
        %swap3A_1136 = arith.constant 2 : i32
        %swap3A_1137 = arith.index_cast %rem3A_888 : i32 to index
        %swap3A_1138 = arith.index_cast %swap3A_1136 : i32 to index
        %swap3A_1139 = arith.constant 16 : index
        %swap3A_1140 = tpu.vector_load %arg8[%swap3A_1137, %swap3A_1138, %swap3A_1139] {strides = array<i32>} : memref<3x5x80xi32, #tpu.memory_space<vmem>>, vector<1x1x16xi32>,
        %swap3A_1141 = vector.shape_cast %swap3A_1140 : vector<1x1x16xi32> to vector<16xi32>
        %swap3A_1142 = vector.shape_cast %add3A_1135 : vector<16xi32> to vector<1x1x16xi32>
        tpu.vector_store %arg8[%swap3A_1137, %swap3A_1138, %swap3A_1139], %swap3A_1142 {strides = array<i32>} : memref<3x5x80xi32, #tpu.memory_space<vmem>>, vector<1x1x16xi32>,
        %get3A_1143 = arith.constant 2 : i32
        %get3A_1144 = arith.index_cast %rem3A_888 : i32 to index
        %get3A_1145 = arith.index_cast %get3A_1143 : i32 to index
        %get3A_1146 = arith.constant 32 : index
        %get3A_1147 = tpu.vector_load %arg8[%get3A_1144, %get3A_1145, %get3A_1146] {strides = array<i32>} : memref<3x5x80xi32, #tpu.memory_space<vmem>>, vector<1x1x16xi32>,
        %get3A_1148 = vector.shape_cast %get3A_1147 : vector<1x1x16xi32> to vector<16xi32>
        %mul3A_1149 = arith.constant 2 : i32
        %mul3A_1150 = vector.broadcast %mul3A_1149 : i32 to vector<16xi32>
        %mul3A_1151 = arith.muli %get3A_1148, %mul3A_1150 : vector<16xi32>
        %add3A_1152 = vector.broadcast %arg0 : i32 to vector<16xi32>
        %add3A_1153 = arith.addi %mul3A_1151, %add3A_1152 : vector<16xi32>
        %swap3A_1154 = arith.constant 2 : i32
        %swap3A_1155 = arith.index_cast %rem3A_888 : i32 to index
        %swap3A_1156 = arith.index_cast %swap3A_1154 : i32 to index
        %swap3A_1157 = arith.constant 32 : index
        %swap3A_1158 = tpu.vector_load %arg8[%swap3A_1155, %swap3A_1156, %swap3A_1157] {strides = array<i32>} : memref<3x5x80xi32, #tpu.memory_space<vmem>>, vector<1x1x16xi32>,
        %swap3A_1159 = vector.shape_cast %swap3A_1158 : vector<1x1x16xi32> to vector<16xi32>
        %swap3A_1160 = vector.shape_cast %add3A_1153 : vector<16xi32> to vector<1x1x16xi32>
        tpu.vector_store %arg8[%swap3A_1155, %swap3A_1156, %swap3A_1157], %swap3A_1160 {strides = array<i32>} : memref<3x5x80xi32, #tpu.memory_space<vmem>>, vector<1x1x16xi32>,
        %get3A_1161 = arith.constant 2 : i32
        %get3A_1162 = arith.index_cast %rem3A_888 : i32 to index
        %get3A_1163 = arith.index_cast %get3A_1161 : i32 to index
        %get3A_1164 = arith.constant 48 : index
        %get3A_1165 = tpu.vector_load %arg8[%get3A_1162, %get3A_1163, %get3A_1164] {strides = array<i32>} : memref<3x5x80xi32, #tpu.memory_space<vmem>>, vector<1x1x16xi32>,
        %get3A_1166 = vector.shape_cast %get3A_1165 : vector<1x1x16xi32> to vector<16xi32>
        %mul3A_1167 = arith.constant 2 : i32
        %mul3A_1168 = vector.broadcast %mul3A_1167 : i32 to vector<16xi32>
        %mul3A_1169 = arith.muli %get3A_1166, %mul3A_1168 : vector<16xi32>
        %add3A_1170 = vector.broadcast %arg0 : i32 to vector<16xi32>
        %add3A_1171 = arith.addi %mul3A_1169, %add3A_1170 : vector<16xi32>
        %swap3A_1172 = arith.constant 2 : i32
        %swap3A_1173 = arith.index_cast %rem3A_888 : i32 to index
        %swap3A_1174 = arith.index_cast %swap3A_1172 : i32 to index
        %swap3A_1175 = arith.constant 48 : index
        %swap3A_1176 = tpu.vector_load %arg8[%swap3A_1173, %swap3A_1174, %swap3A_1175] {strides = array<i32>} : memref<3x5x80xi32, #tpu.memory_space<vmem>>, vector<1x1x16xi32>,
        %swap3A_1177 = vector.shape_cast %swap3A_1176 : vector<1x1x16xi32> to vector<16xi32>
        %swap3A_1178 = vector.shape_cast %add3A_1171 : vector<16xi32> to vector<1x1x16xi32>
        tpu.vector_store %arg8[%swap3A_1173, %swap3A_1174, %swap3A_1175], %swap3A_1178 {strides = array<i32>} : memref<3x5x80xi32, #tpu.memory_space<vmem>>, vector<1x1x16xi32>,
        %get3A_1179 = arith.constant 2 : i32
        %get3A_1180 = arith.index_cast %rem3A_888 : i32 to index
        %get3A_1181 = arith.index_cast %get3A_1179 : i32 to index
        %get3A_1182 = arith.constant 64 : index
        %get3A_1183 = tpu.vector_load %arg8[%get3A_1180, %get3A_1181, %get3A_1182] {strides = array<i32>} : memref<3x5x80xi32, #tpu.memory_space<vmem>>, vector<1x1x16xi32>,
        %get3A_1184 = vector.shape_cast %get3A_1183 : vector<1x1x16xi32> to vector<16xi32>
        %mul3A_1185 = arith.constant 2 : i32
        %mul3A_1186 = vector.broadcast %mul3A_1185 : i32 to vector<16xi32>
        %mul3A_1187 = arith.muli %get3A_1184, %mul3A_1186 : vector<16xi32>
        %add3A_1188 = vector.broadcast %arg0 : i32 to vector<16xi32>
        %add3A_1189 = arith.addi %mul3A_1187, %add3A_1188 : vector<16xi32>
        %swap3A_1190 = arith.constant 2 : i32
        %swap3A_1191 = arith.index_cast %rem3A_888 : i32 to index
        %swap3A_1192 = arith.index_cast %swap3A_1190 : i32 to index
        %swap3A_1193 = arith.constant 64 : index
        %swap3A_1194 = tpu.vector_load %arg8[%swap3A_1191, %swap3A_1192, %swap3A_1193] {strides = array<i32>} : memref<3x5x80xi32, #tpu.memory_space<vmem>>, vector<1x1x16xi32>,
        %swap3A_1195 = vector.shape_cast %swap3A_1194 : vector<1x1x16xi32> to vector<16xi32>
        %swap3A_1196 = vector.shape_cast %add3A_1189 : vector<16xi32> to vector<1x1x16xi32>
        tpu.vector_store %arg8[%swap3A_1191, %swap3A_1192, %swap3A_1193], %swap3A_1196 {strides = array<i32>} : memref<3x5x80xi32, #tpu.memory_space<vmem>>, vector<1x1x16xi32>,
        %get3A_1197 = arith.constant 3 : i32
        %get3A_1198 = arith.index_cast %rem3A_888 : i32 to index
        %get3A_1199 = arith.index_cast %get3A_1197 : i32 to index
        %get3A_1200 = arith.constant 0 : index
        %get3A_1201 = tpu.vector_load %arg8[%get3A_1198, %get3A_1199, %get3A_1200] {strides = array<i32>} : memref<3x5x80xi32, #tpu.memory_space<vmem>>, vector<1x1x16xi32>,
        %get3A_1202 = vector.shape_cast %get3A_1201 : vector<1x1x16xi32> to vector<16xi32>
        %mul3A_1203 = arith.constant 2 : i32
        %mul3A_1204 = vector.broadcast %mul3A_1203 : i32 to vector<16xi32>
        %mul3A_1205 = arith.muli %get3A_1202, %mul3A_1204 : vector<16xi32>
        %add3A_1206 = vector.broadcast %arg0 : i32 to vector<16xi32>
        %add3A_1207 = arith.addi %mul3A_1205, %add3A_1206 : vector<16xi32>
        %swap3A_1208 = arith.constant 3 : i32
        %swap3A_1209 = arith.index_cast %rem3A_888 : i32 to index
        %swap3A_1210 = arith.index_cast %swap3A_1208 : i32 to index
        %swap3A_1211 = arith.constant 0 : index
        %swap3A_1212 = tpu.vector_load %arg8[%swap3A_1209, %swap3A_1210, %swap3A_1211] {strides = array<i32>} : memref<3x5x80xi32, #tpu.memory_space<vmem>>, vector<1x1x16xi32>,
        %swap3A_1213 = vector.shape_cast %swap3A_1212 : vector<1x1x16xi32> to vector<16xi32>
        %swap3A_1214 = vector.shape_cast %add3A_1207 : vector<16xi32> to vector<1x1x16xi32>
        tpu.vector_store %arg8[%swap3A_1209, %swap3A_1210, %swap3A_1211], %swap3A_1214 {strides = array<i32>} : memref<3x5x80xi32, #tpu.memory_space<vmem>>, vector<1x1x16xi32>,
        %get3A_1215 = arith.constant 3 : i32
        %get3A_1216 = arith.index_cast %rem3A_888 : i32 to index
        %get3A_1217 = arith.index_cast %get3A_1215 : i32 to index
        %get3A_1218 = arith.constant 16 : index
        %get3A_1219 = tpu.vector_load %arg8[%get3A_1216, %get3A_1217, %get3A_1218] {strides = array<i32>} : memref<3x5x80xi32, #tpu.memory_space<vmem>>, vector<1x1x16xi32>,
        %get3A_1220 = vector.shape_cast %get3A_1219 : vector<1x1x16xi32> to vector<16xi32>
        %mul3A_1221 = arith.constant 2 : i32
        %mul3A_1222 = vector.broadcast %mul3A_1221 : i32 to vector<16xi32>
        %mul3A_1223 = arith.muli %get3A_1220, %mul3A_1222 : vector<16xi32>
        %add3A_1224 = vector.broadcast %arg0 : i32 to vector<16xi32>
        %add3A_1225 = arith.addi %mul3A_1223, %add3A_1224 : vector<16xi32>
        %swap3A_1226 = arith.constant 3 : i32
        %swap3A_1227 = arith.index_cast %rem3A_888 : i32 to index
        %swap3A_1228 = arith.index_cast %swap3A_1226 : i32 to index
        %swap3A_1229 = arith.constant 16 : index
        %swap3A_1230 = tpu.vector_load %arg8[%swap3A_1227, %swap3A_1228, %swap3A_1229] {strides = array<i32>} : memref<3x5x80xi32, #tpu.memory_space<vmem>>, vector<1x1x16xi32>,
        %swap3A_1231 = vector.shape_cast %swap3A_1230 : vector<1x1x16xi32> to vector<16xi32>
        %swap3A_1232 = vector.shape_cast %add3A_1225 : vector<16xi32> to vector<1x1x16xi32>
        tpu.vector_store %arg8[%swap3A_1227, %swap3A_1228, %swap3A_1229], %swap3A_1232 {strides = array<i32>} : memref<3x5x80xi32, #tpu.memory_space<vmem>>, vector<1x1x16xi32>,
        %get3A_1233 = arith.constant 3 : i32
        %get3A_1234 = arith.index_cast %rem3A_888 : i32 to index
        %get3A_1235 = arith.index_cast %get3A_1233 : i32 to index
        %get3A_1236 = arith.constant 32 : index
        %get3A_1237 = tpu.vector_load %arg8[%get3A_1234, %get3A_1235, %get3A_1236] {strides = array<i32>} : memref<3x5x80xi32, #tpu.memory_space<vmem>>, vector<1x1x16xi32>,
        %get3A_1238 = vector.shape_cast %get3A_1237 : vector<1x1x16xi32> to vector<16xi32>
        %mul3A_1239 = arith.constant 2 : i32
        %mul3A_1240 = vector.broadcast %mul3A_1239 : i32 to vector<16xi32>
        %mul3A_1241 = arith.muli %get3A_1238, %mul3A_1240 : vector<16xi32>
        %add3A_1242 = vector.broadcast %arg0 : i32 to vector<16xi32>
        %add3A_1243 = arith.addi %mul3A_1241, %add3A_1242 : vector<16xi32>
        %swap3A_1244 = arith.constant 3 : i32
        %swap3A_1245 = arith.index_cast %rem3A_888 : i32 to index
        %swap3A_1246 = arith.index_cast %swap3A_1244 : i32 to index
        %swap3A_1247 = arith.constant 32 : index
        %swap3A_1248 = tpu.vector_load %arg8[%swap3A_1245, %swap3A_1246, %swap3A_1247] {strides = array<i32>} : memref<3x5x80xi32, #tpu.memory_space<vmem>>, vector<1x1x16xi32>,
        %swap3A_1249 = vector.shape_cast %swap3A_1248 : vector<1x1x16xi32> to vector<16xi32>
        %swap3A_1250 = vector.shape_cast %add3A_1243 : vector<16xi32> to vector<1x1x16xi32>
        tpu.vector_store %arg8[%swap3A_1245, %swap3A_1246, %swap3A_1247], %swap3A_1250 {strides = array<i32>} : memref<3x5x80xi32, #tpu.memory_space<vmem>>, vector<1x1x16xi32>,
        %get3A_1251 = arith.constant 3 : i32
        %get3A_1252 = arith.index_cast %rem3A_888 : i32 to index
        %get3A_1253 = arith.index_cast %get3A_1251 : i32 to index
        %get3A_1254 = arith.constant 48 : index
        %get3A_1255 = tpu.vector_load %arg8[%get3A_1252, %get3A_1253, %get3A_1254] {strides = array<i32>} : memref<3x5x80xi32, #tpu.memory_space<vmem>>, vector<1x1x16xi32>,
        %get3A_1256 = vector.shape_cast %get3A_1255 : vector<1x1x16xi32> to vector<16xi32>
        %mul3A_1257 = arith.constant 2 : i32
        %mul3A_1258 = vector.broadcast %mul3A_1257 : i32 to vector<16xi32>
        %mul3A_1259 = arith.muli %get3A_1256, %mul3A_1258 : vector<16xi32>
        %add3A_1260 = vector.broadcast %arg0 : i32 to vector<16xi32>
        %add3A_1261 = arith.addi %mul3A_1259, %add3A_1260 : vector<16xi32>
        %swap3A_1262 = arith.constant 3 : i32
        %swap3A_1263 = arith.index_cast %rem3A_888 : i32 to index
        %swap3A_1264 = arith.index_cast %swap3A_1262 : i32 to index
        %swap3A_1265 = arith.constant 48 : index
        %swap3A_1266 = tpu.vector_load %arg8[%swap3A_1263, %swap3A_1264, %swap3A_1265] {strides = array<i32>} : memref<3x5x80xi32, #tpu.memory_space<vmem>>, vector<1x1x16xi32>,
        %swap3A_1267 = vector.shape_cast %swap3A_1266 : vector<1x1x16xi32> to vector<16xi32>
        %swap3A_1268 = vector.shape_cast %add3A_1261 : vector<16xi32> to vector<1x1x16xi32>
        tpu.vector_store %arg8[%swap3A_1263, %swap3A_1264, %swap3A_1265], %swap3A_1268 {strides = array<i32>} : memref<3x5x80xi32, #tpu.memory_space<vmem>>, vector<1x1x16xi32>,
        %get3A_1269 = arith.constant 3 : i32
        %get3A_1270 = arith.index_cast %rem3A_888 : i32 to index
        %get3A_1271 = arith.index_cast %get3A_1269 : i32 to index
        %get3A_1272 = arith.constant 64 : index
        %get3A_1273 = tpu.vector_load %arg8[%get3A_1270, %get3A_1271, %get3A_1272] {strides = array<i32>} : memref<3x5x80xi32, #tpu.memory_space<vmem>>, vector<1x1x16xi32>,
        %get3A_1274 = vector.shape_cast %get3A_1273 : vector<1x1x16xi32> to vector<16xi32>
        %mul3A_1275 = arith.constant 2 : i32
        %mul3A_1276 = vector.broadcast %mul3A_1275 : i32 to vector<16xi32>
        %mul3A_1277 = arith.muli %get3A_1274, %mul3A_1276 : vector<16xi32>
        %add3A_1278 = vector.broadcast %arg0 : i32 to vector<16xi32>
        %add3A_1279 = arith.addi %mul3A_1277, %add3A_1278 : vector<16xi32>
        %swap3A_1280 = arith.constant 3 : i32
        %swap3A_1281 = arith.index_cast %rem3A_888 : i32 to index
        %swap3A_1282 = arith.index_cast %swap3A_1280 : i32 to index
        %swap3A_1283 = arith.constant 64 : index
        %swap3A_1284 = tpu.vector_load %arg8[%swap3A_1281, %swap3A_1282, %swap3A_1283] {strides = array<i32>} : memref<3x5x80xi32, #tpu.memory_space<vmem>>, vector<1x1x16xi32>,
        %swap3A_1285 = vector.shape_cast %swap3A_1284 : vector<1x1x16xi32> to vector<16xi32>
        %swap3A_1286 = vector.shape_cast %add3A_1279 : vector<16xi32> to vector<1x1x16xi32>
        tpu.vector_store %arg8[%swap3A_1281, %swap3A_1282, %swap3A_1283], %swap3A_1286 {strides = array<i32>} : memref<3x5x80xi32, #tpu.memory_space<vmem>>, vector<1x1x16xi32>,
        %get3A_1287 = arith.constant 4 : i32
        %get3A_1288 = arith.index_cast %rem3A_888 : i32 to index
        %get3A_1289 = arith.index_cast %get3A_1287 : i32 to index
        %get3A_1290 = arith.constant 0 : index
        %get3A_1291 = tpu.vector_load %arg8[%get3A_1288, %get3A_1289, %get3A_1290] {strides = array<i32>} : memref<3x5x80xi32, #tpu.memory_space<vmem>>, vector<1x1x16xi32>,
        %get3A_1292 = vector.shape_cast %get3A_1291 : vector<1x1x16xi32> to vector<16xi32>
        %mul3A_1293 = arith.constant 2 : i32
        %mul3A_1294 = vector.broadcast %mul3A_1293 : i32 to vector<16xi32>
        %mul3A_1295 = arith.muli %get3A_1292, %mul3A_1294 : vector<16xi32>
        %add3A_1296 = vector.broadcast %arg0 : i32 to vector<16xi32>
        %add3A_1297 = arith.addi %mul3A_1295, %add3A_1296 : vector<16xi32>
        %swap3A_1298 = arith.constant 4 : i32
        %swap3A_1299 = arith.index_cast %rem3A_888 : i32 to index
        %swap3A_1300 = arith.index_cast %swap3A_1298 : i32 to index
        %swap3A_1301 = arith.constant 0 : index
        %swap3A_1302 = tpu.vector_load %arg8[%swap3A_1299, %swap3A_1300, %swap3A_1301] {strides = array<i32>} : memref<3x5x80xi32, #tpu.memory_space<vmem>>, vector<1x1x16xi32>,
        %swap3A_1303 = vector.shape_cast %swap3A_1302 : vector<1x1x16xi32> to vector<16xi32>
        %swap3A_1304 = vector.shape_cast %add3A_1297 : vector<16xi32> to vector<1x1x16xi32>
        tpu.vector_store %arg8[%swap3A_1299, %swap3A_1300, %swap3A_1301], %swap3A_1304 {strides = array<i32>} : memref<3x5x80xi32, #tpu.memory_space<vmem>>, vector<1x1x16xi32>,
        %get3A_1305 = arith.constant 4 : i32
        %get3A_1306 = arith.index_cast %rem3A_888 : i32 to index
        %get3A_1307 = arith.index_cast %get3A_1305 : i32 to index
        %get3A_1308 = arith.constant 16 : index
        %get3A_1309 = tpu.vector_load %arg8[%get3A_1306, %get3A_1307, %get3A_1308] {strides = array<i32>} : memref<3x5x80xi32, #tpu.memory_space<vmem>>, vector<1x1x16xi32>,
        %get3A_1310 = vector.shape_cast %get3A_1309 : vector<1x1x16xi32> to vector<16xi32>
        %mul3A_1311 = arith.constant 2 : i32
        %mul3A_1312 = vector.broadcast %mul3A_1311 : i32 to vector<16xi32>
        %mul3A_1313 = arith.muli %get3A_1310, %mul3A_1312 : vector<16xi32>
        %add3A_1314 = vector.broadcast %arg0 : i32 to vector<16xi32>
        %add3A_1315 = arith.addi %mul3A_1313, %add3A_1314 : vector<16xi32>
        %swap3A_1316 = arith.constant 4 : i32
        %swap3A_1317 = arith.index_cast %rem3A_888 : i32 to index
        %swap3A_1318 = arith.index_cast %swap3A_1316 : i32 to index
        %swap3A_1319 = arith.constant 16 : index
        %swap3A_1320 = tpu.vector_load %arg8[%swap3A_1317, %swap3A_1318, %swap3A_1319] {strides = array<i32>} : memref<3x5x80xi32, #tpu.memory_space<vmem>>, vector<1x1x16xi32>,
        %swap3A_1321 = vector.shape_cast %swap3A_1320 : vector<1x1x16xi32> to vector<16xi32>
        %swap3A_1322 = vector.shape_cast %add3A_1315 : vector<16xi32> to vector<1x1x16xi32>
        tpu.vector_store %arg8[%swap3A_1317, %swap3A_1318, %swap3A_1319], %swap3A_1322 {strides = array<i32>} : memref<3x5x80xi32, #tpu.memory_space<vmem>>, vector<1x1x16xi32>,
        %get3A_1323 = arith.constant 4 : i32
        %get3A_1324 = arith.index_cast %rem3A_888 : i32 to index
        %get3A_1325 = arith.index_cast %get3A_1323 : i32 to index
        %get3A_1326 = arith.constant 32 : index
        %get3A_1327 = tpu.vector_load %arg8[%get3A_1324, %get3A_1325, %get3A_1326] {strides = array<i32>} : memref<3x5x80xi32, #tpu.memory_space<vmem>>, vector<1x1x16xi32>,
        %get3A_1328 = vector.shape_cast %get3A_1327 : vector<1x1x16xi32> to vector<16xi32>
        %mul3A_1329 = arith.constant 2 : i32
        %mul3A_1330 = vector.broadcast %mul3A_1329 : i32 to vector<16xi32>
        %mul3A_1331 = arith.muli %get3A_1328, %mul3A_1330 : vector<16xi32>
        %add3A_1332 = vector.broadcast %arg0 : i32 to vector<16xi32>
        %add3A_1333 = arith.addi %mul3A_1331, %add3A_1332 : vector<16xi32>
        %swap3A_1334 = arith.constant 4 : i32
        %swap3A_1335 = arith.index_cast %rem3A_888 : i32 to index
        %swap3A_1336 = arith.index_cast %swap3A_1334 : i32 to index
        %swap3A_1337 = arith.constant 32 : index
        %swap3A_1338 = tpu.vector_load %arg8[%swap3A_1335, %swap3A_1336, %swap3A_1337] {strides = array<i32>} : memref<3x5x80xi32, #tpu.memory_space<vmem>>, vector<1x1x16xi32>,
        %swap3A_1339 = vector.shape_cast %swap3A_1338 : vector<1x1x16xi32> to vector<16xi32>
        %swap3A_1340 = vector.shape_cast %add3A_1333 : vector<16xi32> to vector<1x1x16xi32>
        tpu.vector_store %arg8[%swap3A_1335, %swap3A_1336, %swap3A_1337], %swap3A_1340 {strides = array<i32>} : memref<3x5x80xi32, #tpu.memory_space<vmem>>, vector<1x1x16xi32>,
        %get3A_1341 = arith.constant 4 : i32
        %get3A_1342 = arith.index_cast %rem3A_888 : i32 to index
        %get3A_1343 = arith.index_cast %get3A_1341 : i32 to index
        %get3A_1344 = arith.constant 48 : index
        %get3A_1345 = tpu.vector_load %arg8[%get3A_1342, %get3A_1343, %get3A_1344] {strides = array<i32>} : memref<3x5x80xi32, #tpu.memory_space<vmem>>, vector<1x1x16xi32>,
        %get3A_1346 = vector.shape_cast %get3A_1345 : vector<1x1x16xi32> to vector<16xi32>
        %mul3A_1347 = arith.constant 2 : i32
        %mul3A_1348 = vector.broadcast %mul3A_1347 : i32 to vector<16xi32>
        %mul3A_1349 = arith.muli %get3A_1346, %mul3A_1348 : vector<16xi32>
        %add3A_1350 = vector.broadcast %arg0 : i32 to vector<16xi32>
        %add3A_1351 = arith.addi %mul3A_1349, %add3A_1350 : vector<16xi32>
        %swap3A_1352 = arith.constant 4 : i32
        %swap3A_1353 = arith.index_cast %rem3A_888 : i32 to index
        %swap3A_1354 = arith.index_cast %swap3A_1352 : i32 to index
        %swap3A_1355 = arith.constant 48 : index
        %swap3A_1356 = tpu.vector_load %arg8[%swap3A_1353, %swap3A_1354, %swap3A_1355] {strides = array<i32>} : memref<3x5x80xi32, #tpu.memory_space<vmem>>, vector<1x1x16xi32>,
        %swap3A_1357 = vector.shape_cast %swap3A_1356 : vector<1x1x16xi32> to vector<16xi32>
        %swap3A_1358 = vector.shape_cast %add3A_1351 : vector<16xi32> to vector<1x1x16xi32>
        tpu.vector_store %arg8[%swap3A_1353, %swap3A_1354, %swap3A_1355], %swap3A_1358 {strides = array<i32>} : memref<3x5x80xi32, #tpu.memory_space<vmem>>, vector<1x1x16xi32>,
        %get3A_1359 = arith.constant 4 : i32
        %get3A_1360 = arith.index_cast %rem3A_888 : i32 to index
        %get3A_1361 = arith.index_cast %get3A_1359 : i32 to index
        %get3A_1362 = arith.constant 64 : index
        %get3A_1363 = tpu.vector_load %arg8[%get3A_1360, %get3A_1361, %get3A_1362] {strides = array<i32>} : memref<3x5x80xi32, #tpu.memory_space<vmem>>, vector<1x1x16xi32>,
        %get3A_1364 = vector.shape_cast %get3A_1363 : vector<1x1x16xi32> to vector<16xi32>
        %mul3A_1365 = arith.constant 2 : i32
        %mul3A_1366 = vector.broadcast %mul3A_1365 : i32 to vector<16xi32>
        %mul3A_1367 = arith.muli %get3A_1364, %mul3A_1366 : vector<16xi32>
        %add3A_1368 = vector.broadcast %arg0 : i32 to vector<16xi32>
        %add3A_1369 = arith.addi %mul3A_1367, %add3A_1368 : vector<16xi32>
        %swap3A_1370 = arith.constant 4 : i32
        %swap3A_1371 = arith.index_cast %rem3A_888 : i32 to index
        %swap3A_1372 = arith.index_cast %swap3A_1370 : i32 to index
        %swap3A_1373 = arith.constant 64 : index
        %swap3A_1374 = tpu.vector_load %arg8[%swap3A_1371, %swap3A_1372, %swap3A_1373] {strides = array<i32>} : memref<3x5x80xi32, #tpu.memory_space<vmem>>, vector<1x1x16xi32>,
        %swap3A_1375 = vector.shape_cast %swap3A_1374 : vector<1x1x16xi32> to vector<16xi32>
        %swap3A_1376 = vector.shape_cast %add3A_1369 : vector<16xi32> to vector<1x1x16xi32>
        tpu.vector_store %arg8[%swap3A_1371, %swap3A_1372, %swap3A_1373], %swap3A_1376 {strides = array<i32>} : memref<3x5x80xi32, #tpu.memory_space<vmem>>, vector<1x1x16xi32>,
      } else {
      }
      %add3A_871 = arith.constant 2 : i32
      %add3A_872 = arith.addi %scan3A_773, %add3A_871 : i32
      %lt3A_873 = arith.constant 50 : i32
      %lt3A_874 = arith.cmpi slt, %add3A_872, %lt3A_873 : i32
      %convert_element_type3A_875 = arith.extui %lt3A_874 : i1 to i32
      %cond3A_876 = arith.constant 0 : i32
      %cond3A_877 = arith.cmpi ne, %convert_element_type3A_875, %cond3A_876 : i32
      scf.if %cond3A_877 {
        %add3A_885 = arith.constant 2 : i32
        %add3A_886 = arith.addi %scan3A_773, %add3A_885 : i32
        %rem3A_887 = arith.constant 3 : i32
        %rem3A_888 = arith.remsi %add3A_886, %rem3A_887 : i32
        %add3A_889 = arith.addi %mul3A_8, %scan3A_773 : i32
        %add3A_890 = arith.constant 2 : i32
        %add3A_891 = arith.addi %add3A_889, %add3A_890 : i32
        %dma_start3A_892 = arith.constant 0 : i32
        %dma_start3A_893 = arith.constant 0 : i32
        %dma_start3A_894 = tpu.memref_slice %arg8[%rem3A_888, %dma_start3A_892, %dma_start3A_893] : memref<3x5x80xi32, #tpu.memory_space<vmem>> -> memref<1x5x80xi32, #tpu.memory_space<vmem>>
        %dma_start3A_895 = tpu.memref_squeeze %dma_start3A_894 : memref<1x5x80xi32, #tpu.memory_space<vmem>> -> memref<5x80xi32, #tpu.memory_space<vmem>>
        %dma_start3A_896 = arith.constant 0 : i32
        %dma_start3A_897 = arith.constant 0 : i32
        %dma_start3A_898 = tpu.memref_slice %arg3[%add3A_891, %dma_start3A_896, %dma_start3A_897] : memref<800x5x80xi32, #tpu.memory_space<hbm>> -> memref<1x5x80xi32, #tpu.memory_space<hbm>>
        %dma_start3A_899 = tpu.memref_squeeze %dma_start3A_898 : memref<1x5x80xi32, #tpu.memory_space<hbm>> -> memref<5x80xi32, #tpu.memory_space<hbm>>
        %dma_start3A_900 = arith.constant 0 : i32
        %dma_start3A_901 = arith.constant 0 : i32
        %dma_start3A_902 = tpu.memref_slice %arg8[%rem3A_888, %dma_start3A_900, %dma_start3A_901] : memref<3x5x80xi32, #tpu.memory_space<vmem>> -> memref<1x5x80xi32, #tpu.memory_space<vmem>>
        %dma_start3A_903 = tpu.memref_squeeze %dma_start3A_902 : memref<1x5x80xi32, #tpu.memory_space<vmem>> -> memref<5x80xi32, #tpu.memory_space<vmem>>
        %dma_start3A_904 = arith.constant 0 : i32
        %dma_start3A_905 = arith.constant 0 : i32
        %dma_start3A_906 = tpu.memref_slice %arg3[%add3A_891, %dma_start3A_904, %dma_start3A_905] : memref<800x5x80xi32, #tpu.memory_space<hbm>> -> memref<1x5x80xi32, #tpu.memory_space<hbm>>
        %dma_start3A_907 = tpu.memref_squeeze %dma_start3A_906 : memref<1x5x80xi32, #tpu.memory_space<hbm>> -> memref<5x80xi32, #tpu.memory_space<hbm>>
        tpu.enqueue_dma source(%dma_start3A_907 : memref<5x80xi32, #tpu.memory_space<hbm>>) target(%dma_start3A_903 : memref<5x80xi32, #tpu.memory_space<vmem>>) target_semaphore(%arg19 : memref<!tpu.dma_semaphore, #tpu.memory_space<semaphore_mem>>)
        %add3A_908 = arith.addi %mul3A_8, %scan3A_773 : i32
        %add3A_909 = arith.constant 2 : i32
        %add3A_910 = arith.addi %add3A_908, %add3A_909 : i32
        %dma_start3A_911 = arith.constant 0 : i32
        %dma_start3A_912 = arith.constant 0 : i32
        %dma_start3A_913 = tpu.memref_slice %arg9[%rem3A_888, %dma_start3A_911, %dma_start3A_912] : memref<3x5x80xi32, #tpu.memory_space<vmem>> -> memref<1x5x80xi32, #tpu.memory_space<vmem>>
        %dma_start3A_914 = tpu.memref_squeeze %dma_start3A_913 : memref<1x5x80xi32, #tpu.memory_space<vmem>> -> memref<5x80xi32, #tpu.memory_space<vmem>>
        %dma_start3A_915 = arith.constant 0 : i32
        %dma_start3A_916 = arith.constant 0 : i32
        %dma_start3A_917 = tpu.memref_slice %arg4[%add3A_910, %dma_start3A_915, %dma_start3A_916] : memref<800x5x80xi32, #tpu.memory_space<hbm>> -> memref<1x5x80xi32, #tpu.memory_space<hbm>>
        %dma_start3A_918 = tpu.memref_squeeze %dma_start3A_917 : memref<1x5x80xi32, #tpu.memory_space<hbm>> -> memref<5x80xi32, #tpu.memory_space<hbm>>
        %dma_start3A_919 = arith.constant 0 : i32
        %dma_start3A_920 = arith.constant 0 : i32
        %dma_start3A_921 = tpu.memref_slice %arg9[%rem3A_888, %dma_start3A_919, %dma_start3A_920] : memref<3x5x80xi32, #tpu.memory_space<vmem>> -> memref<1x5x80xi32, #tpu.memory_space<vmem>>
        %dma_start3A_922 = tpu.memref_squeeze %dma_start3A_921 : memref<1x5x80xi32, #tpu.memory_space<vmem>> -> memref<5x80xi32, #tpu.memory_space<vmem>>
        %dma_start3A_923 = arith.constant 0 : i32
        %dma_start3A_924 = arith.constant 0 : i32
        %dma_start3A_925 = tpu.memref_slice %arg4[%add3A_910, %dma_start3A_923, %dma_start3A_924] : memref<800x5x80xi32, #tpu.memory_space<hbm>> -> memref<1x5x80xi32, #tpu.memory_space<hbm>>
        %dma_start3A_926 = tpu.memref_squeeze %dma_start3A_925 : memref<1x5x80xi32, #tpu.memory_space<hbm>> -> memref<5x80xi32, #tpu.memory_space<hbm>>
        tpu.enqueue_dma source(%dma_start3A_926 : memref<5x80xi32, #tpu.memory_space<hbm>>) target(%dma_start3A_922 : memref<5x80xi32, #tpu.memory_space<vmem>>) target_semaphore(%arg19 : memref<!tpu.dma_semaphore, #tpu.memory_space<semaphore_mem>>)
      } else {
      }
      %add3A_878 = arith.constant 1 : i32
      %add3A_879 = arith.addi %scan3A_773, %add3A_878 : i32
      %lt3A_880 = arith.constant 50 : i32
      %lt3A_881 = arith.cmpi slt, %add3A_879, %lt3A_880 : i32
      %convert_element_type3A_882 = arith.extui %lt3A_881 : i1 to i32
      %cond3A_883 = arith.constant 0 : i32
      %cond3A_884 = arith.cmpi ne, %convert_element_type3A_882, %cond3A_883 : i32
      scf.if %cond3A_884 {
        %sub3A = arith.constant 1 : i32
        %sub3A_885 = arith.subi %sub3A, %rem3A_774 : i32
        %add3A_886 = arith.constant 1 : i32
        %add3A_887 = arith.addi %scan3A_773, %add3A_886 : i32
        %rem3A_888 = arith.constant 3 : i32
        %rem3A_889 = arith.remsi %add3A_887, %rem3A_888 : i32
        %dma_start3A_890 = arith.constant 0 : i32
        %dma_start3A_891 = arith.constant 0 : i32
        %dma_start3A_892 = arith.constant 0 : i32
        %dma_start3A_893 = arith.constant 0 : i32
        %dma_start3A_894 = tpu.memref_slice %arg10[%sub3A_885, %dma_start3A_891, %dma_start3A_892, %dma_start3A_893] : memref<2x5x80x64xf32, #tpu.memory_space<vmem>> -> memref<1x1x80x64xf32, #tpu.memory_space<vmem>>
        %dma_start3A_895 = tpu.memref_squeeze %dma_start3A_894 : memref<1x1x80x64xf32, #tpu.memory_space<vmem>> -> memref<80x64xf32, #tpu.memory_space<vmem>>
        %dma_start3A_896 = arith.constant 0 : i32
        %dma_start3A_897 = tpu.memref_slice %arg8[%rem3A_889, %dma_start3A_890, %dma_start3A_896] : memref<3x5x80xi32, #tpu.memory_space<vmem>> -> memref<1x1x80xi32, #tpu.memory_space<vmem>>
        %dma_start3A_898 = tpu.memref_squeeze %dma_start3A_897 : memref<1x1x80xi32, #tpu.memory_space<vmem>> -> memref<80xi32, #tpu.memory_space<vmem>>
        %dma_start3A_899 = arith.constant 0 : i32
        %dma_start3A_900 = arith.constant 0 : i32
        %dma_start3A_901 = tpu.memref_slice %arg2[%dma_start3A_899, %dma_start3A_900] : memref<20000x64xf32, #tpu.memory_space<hbm>> -> memref<20000x64xf32, #tpu.memory_space<hbm>>
        tpu.enqueue_indirect_dma source(%dma_start3A_901 : memref<20000x64xf32, #tpu.memory_space<hbm>>) target(%dma_start3A_895 : memref<80x64xf32, #tpu.memory_space<vmem>>) offsets(%dma_start3A_898 : memref<80xi32, #tpu.memory_space<vmem>>) semaphore(%arg15 : memref<!tpu.dma_semaphore, #tpu.memory_space<semaphore_mem>>)
        %dma_start3A_902 = arith.constant 1 : i32
        %dma_start3A_903 = arith.constant 1 : i32
        %dma_start3A_904 = arith.constant 0 : i32
        %dma_start3A_905 = arith.constant 0 : i32
        %dma_start3A_906 = tpu.memref_slice %arg10[%sub3A_885, %dma_start3A_903, %dma_start3A_904, %dma_start3A_905] : memref<2x5x80x64xf32, #tpu.memory_space<vmem>> -> memref<1x1x80x64xf32, #tpu.memory_space<vmem>>
        %dma_start3A_907 = tpu.memref_squeeze %dma_start3A_906 : memref<1x1x80x64xf32, #tpu.memory_space<vmem>> -> memref<80x64xf32, #tpu.memory_space<vmem>>
        %dma_start3A_908 = arith.constant 0 : i32
        %dma_start3A_909 = tpu.memref_slice %arg8[%rem3A_889, %dma_start3A_902, %dma_start3A_908] : memref<3x5x80xi32, #tpu.memory_space<vmem>> -> memref<1x1x80xi32, #tpu.memory_space<vmem>>
        %dma_start3A_910 = tpu.memref_squeeze %dma_start3A_909 : memref<1x1x80xi32, #tpu.memory_space<vmem>> -> memref<80xi32, #tpu.memory_space<vmem>>
        %dma_start3A_911 = arith.constant 0 : i32
        %dma_start3A_912 = arith.constant 0 : i32
        %dma_start3A_913 = tpu.memref_slice %arg2[%dma_start3A_911, %dma_start3A_912] : memref<20000x64xf32, #tpu.memory_space<hbm>> -> memref<20000x64xf32, #tpu.memory_space<hbm>>
        tpu.enqueue_indirect_dma source(%dma_start3A_913 : memref<20000x64xf32, #tpu.memory_space<hbm>>) target(%dma_start3A_907 : memref<80x64xf32, #tpu.memory_space<vmem>>) offsets(%dma_start3A_910 : memref<80xi32, #tpu.memory_space<vmem>>) semaphore(%arg15 : memref<!tpu.dma_semaphore, #tpu.memory_space<semaphore_mem>>)
        %dma_start3A_914 = arith.constant 2 : i32
        %dma_start3A_915 = arith.constant 2 : i32
        %dma_start3A_916 = arith.constant 0 : i32
        %dma_start3A_917 = arith.constant 0 : i32
        %dma_start3A_918 = tpu.memref_slice %arg10[%sub3A_885, %dma_start3A_915, %dma_start3A_916, %dma_start3A_917] : memref<2x5x80x64xf32, #tpu.memory_space<vmem>> -> memref<1x1x80x64xf32, #tpu.memory_space<vmem>>
        %dma_start3A_919 = tpu.memref_squeeze %dma_start3A_918 : memref<1x1x80x64xf32, #tpu.memory_space<vmem>> -> memref<80x64xf32, #tpu.memory_space<vmem>>
        %dma_start3A_920 = arith.constant 0 : i32
        %dma_start3A_921 = tpu.memref_slice %arg8[%rem3A_889, %dma_start3A_914, %dma_start3A_920] : memref<3x5x80xi32, #tpu.memory_space<vmem>> -> memref<1x1x80xi32, #tpu.memory_space<vmem>>
        %dma_start3A_922 = tpu.memref_squeeze %dma_start3A_921 : memref<1x1x80xi32, #tpu.memory_space<vmem>> -> memref<80xi32, #tpu.memory_space<vmem>>
        %dma_start3A_923 = arith.constant 0 : i32
        %dma_start3A_924 = arith.constant 0 : i32
        %dma_start3A_925 = tpu.memref_slice %arg2[%dma_start3A_923, %dma_start3A_924] : memref<20000x64xf32, #tpu.memory_space<hbm>> -> memref<20000x64xf32, #tpu.memory_space<hbm>>
        tpu.enqueue_indirect_dma source(%dma_start3A_925 : memref<20000x64xf32, #tpu.memory_space<hbm>>) target(%dma_start3A_919 : memref<80x64xf32, #tpu.memory_space<vmem>>) offsets(%dma_start3A_922 : memref<80xi32, #tpu.memory_space<vmem>>) semaphore(%arg15 : memref<!tpu.dma_semaphore, #tpu.memory_space<semaphore_mem>>)
        %dma_start3A_926 = arith.constant 3 : i32
        %dma_start3A_927 = arith.constant 3 : i32
        %dma_start3A_928 = arith.constant 0 : i32
        %dma_start3A_929 = arith.constant 0 : i32
        %dma_start3A_930 = tpu.memref_slice %arg10[%sub3A_885, %dma_start3A_927, %dma_start3A_928, %dma_start3A_929] : memref<2x5x80x64xf32, #tpu.memory_space<vmem>> -> memref<1x1x80x64xf32, #tpu.memory_space<vmem>>
        %dma_start3A_931 = tpu.memref_squeeze %dma_start3A_930 : memref<1x1x80x64xf32, #tpu.memory_space<vmem>> -> memref<80x64xf32, #tpu.memory_space<vmem>>
        %dma_start3A_932 = arith.constant 0 : i32
        %dma_start3A_933 = tpu.memref_slice %arg8[%rem3A_889, %dma_start3A_926, %dma_start3A_932] : memref<3x5x80xi32, #tpu.memory_space<vmem>> -> memref<1x1x80xi32, #tpu.memory_space<vmem>>
        %dma_start3A_934 = tpu.memref_squeeze %dma_start3A_933 : memref<1x1x80xi32, #tpu.memory_space<vmem>> -> memref<80xi32, #tpu.memory_space<vmem>>
        %dma_start3A_935 = arith.constant 0 : i32
        %dma_start3A_936 = arith.constant 0 : i32
        %dma_start3A_937 = tpu.memref_slice %arg2[%dma_start3A_935, %dma_start3A_936] : memref<20000x64xf32, #tpu.memory_space<hbm>> -> memref<20000x64xf32, #tpu.memory_space<hbm>>
        tpu.enqueue_indirect_dma source(%dma_start3A_937 : memref<20000x64xf32, #tpu.memory_space<hbm>>) target(%dma_start3A_931 : memref<80x64xf32, #tpu.memory_space<vmem>>) offsets(%dma_start3A_934 : memref<80xi32, #tpu.memory_space<vmem>>) semaphore(%arg15 : memref<!tpu.dma_semaphore, #tpu.memory_space<semaphore_mem>>)
        %dma_start3A_938 = arith.constant 4 : i32
        %dma_start3A_939 = arith.constant 4 : i32
        %dma_start3A_940 = arith.constant 0 : i32
        %dma_start3A_941 = arith.constant 0 : i32
        %dma_start3A_942 = tpu.memref_slice %arg10[%sub3A_885, %dma_start3A_939, %dma_start3A_940, %dma_start3A_941] : memref<2x5x80x64xf32, #tpu.memory_space<vmem>> -> memref<1x1x80x64xf32, #tpu.memory_space<vmem>>
        %dma_start3A_943 = tpu.memref_squeeze %dma_start3A_942 : memref<1x1x80x64xf32, #tpu.memory_space<vmem>> -> memref<80x64xf32, #tpu.memory_space<vmem>>
        %dma_start3A_944 = arith.constant 0 : i32
        %dma_start3A_945 = tpu.memref_slice %arg8[%rem3A_889, %dma_start3A_938, %dma_start3A_944] : memref<3x5x80xi32, #tpu.memory_space<vmem>> -> memref<1x1x80xi32, #tpu.memory_space<vmem>>
        %dma_start3A_946 = tpu.memref_squeeze %dma_start3A_945 : memref<1x1x80xi32, #tpu.memory_space<vmem>> -> memref<80xi32, #tpu.memory_space<vmem>>
        %dma_start3A_947 = arith.constant 0 : i32
        %dma_start3A_948 = arith.constant 0 : i32
        %dma_start3A_949 = tpu.memref_slice %arg2[%dma_start3A_947, %dma_start3A_948] : memref<20000x64xf32, #tpu.memory_space<hbm>> -> memref<20000x64xf32, #tpu.memory_space<hbm>>
        tpu.enqueue_indirect_dma source(%dma_start3A_949 : memref<20000x64xf32, #tpu.memory_space<hbm>>) target(%dma_start3A_943 : memref<80x64xf32, #tpu.memory_space<vmem>>) offsets(%dma_start3A_946 : memref<80xi32, #tpu.memory_space<vmem>>) semaphore(%arg15 : memref<!tpu.dma_semaphore, #tpu.memory_space<semaphore_mem>>)
      } else {
      }
    }
    %scan3A_697 = arith.constant 50 : i32
    %dma_wait3A_698 = arith.constant 1 : i32
    %dma_wait3A_699 = arith.constant 0 : i32
    %dma_wait3A_700 = arith.constant 0 : i32
    %dma_wait3A_701 = arith.constant 0 : i32
    %dma_wait3A_702 = arith.constant 0 : i32
    %dma_wait3A_703 = arith.constant 0 : i32
    %dma_wait3A_704 = tpu.memref_slice %arg10[%dma_wait3A_698, %dma_wait3A_699, %dma_wait3A_702, %dma_wait3A_703] : memref<2x5x80x64xf32, #tpu.memory_space<vmem>> -> memref<1x1x80x64xf32, #tpu.memory_space<vmem>>
    %dma_wait3A_705 = tpu.memref_squeeze %dma_wait3A_704 : memref<1x1x80x64xf32, #tpu.memory_space<vmem>> -> memref<80x64xf32, #tpu.memory_space<vmem>>
    %dma_wait3A_706 = arith.constant 0 : i32
    %dma_wait3A_707 = tpu.memref_slice %arg9[%dma_wait3A_700, %dma_wait3A_701, %dma_wait3A_706] : memref<3x5x80xi32, #tpu.memory_space<vmem>> -> memref<1x1x80xi32, #tpu.memory_space<vmem>>
    %dma_wait3A_708 = tpu.memref_squeeze %dma_wait3A_707 : memref<1x1x80xi32, #tpu.memory_space<vmem>> -> memref<80xi32, #tpu.memory_space<vmem>>
    %dma_wait3A_709 = arith.constant 0 : i32
    %dma_wait3A_710 = arith.constant 0 : i32
    %dma_wait3A_711 = tpu.memref_slice %arg13[%dma_wait3A_709, %dma_wait3A_710] : memref<10240x64xf32, #tpu.memory_space<vmem_shared>> -> memref<10240x64xf32, #tpu.memory_space<vmem_shared>>
    tpu.wait_indirect_dma semaphore(%arg17 : memref<!tpu.dma_semaphore, #tpu.memory_space<semaphore_mem>>) src(%dma_wait3A_705 : memref<80x64xf32, #tpu.memory_space<vmem>>) dst(%dma_wait3A_711 : memref<10240x64xf32, #tpu.memory_space<vmem_shared>>)
    %dma_wait3A_712 = arith.constant 1 : i32
    %dma_wait3A_713 = arith.constant 1 : i32
    %dma_wait3A_714 = arith.constant 0 : i32
    %dma_wait3A_715 = arith.constant 1 : i32
    %dma_wait3A_716 = arith.constant 0 : i32
    %dma_wait3A_717 = arith.constant 0 : i32
    %dma_wait3A_718 = tpu.memref_slice %arg10[%dma_wait3A_712, %dma_wait3A_713, %dma_wait3A_716, %dma_wait3A_717] : memref<2x5x80x64xf32, #tpu.memory_space<vmem>> -> memref<1x1x80x64xf32, #tpu.memory_space<vmem>>
    %dma_wait3A_719 = tpu.memref_squeeze %dma_wait3A_718 : memref<1x1x80x64xf32, #tpu.memory_space<vmem>> -> memref<80x64xf32, #tpu.memory_space<vmem>>
    %dma_wait3A_720 = arith.constant 0 : i32
    %dma_wait3A_721 = tpu.memref_slice %arg9[%dma_wait3A_714, %dma_wait3A_715, %dma_wait3A_720] : memref<3x5x80xi32, #tpu.memory_space<vmem>> -> memref<1x1x80xi32, #tpu.memory_space<vmem>>
    %dma_wait3A_722 = tpu.memref_squeeze %dma_wait3A_721 : memref<1x1x80xi32, #tpu.memory_space<vmem>> -> memref<80xi32, #tpu.memory_space<vmem>>
    %dma_wait3A_723 = arith.constant 0 : i32
    %dma_wait3A_724 = arith.constant 0 : i32
    %dma_wait3A_725 = tpu.memref_slice %arg13[%dma_wait3A_723, %dma_wait3A_724] : memref<10240x64xf32, #tpu.memory_space<vmem_shared>> -> memref<10240x64xf32, #tpu.memory_space<vmem_shared>>
    tpu.wait_indirect_dma semaphore(%arg17 : memref<!tpu.dma_semaphore, #tpu.memory_space<semaphore_mem>>) src(%dma_wait3A_719 : memref<80x64xf32, #tpu.memory_space<vmem>>) dst(%dma_wait3A_725 : memref<10240x64xf32, #tpu.memory_space<vmem_shared>>)
    %dma_wait3A_726 = arith.constant 1 : i32
    %dma_wait3A_727 = arith.constant 2 : i32
    %dma_wait3A_728 = arith.constant 0 : i32
    %dma_wait3A_729 = arith.constant 2 : i32
    %dma_wait3A_730 = arith.constant 0 : i32
    %dma_wait3A_731 = arith.constant 0 : i32
    %dma_wait3A_732 = tpu.memref_slice %arg10[%dma_wait3A_726, %dma_wait3A_727, %dma_wait3A_730, %dma_wait3A_731] : memref<2x5x80x64xf32, #tpu.memory_space<vmem>> -> memref<1x1x80x64xf32, #tpu.memory_space<vmem>>
    %dma_wait3A_733 = tpu.memref_squeeze %dma_wait3A_732 : memref<1x1x80x64xf32, #tpu.memory_space<vmem>> -> memref<80x64xf32, #tpu.memory_space<vmem>>
    %dma_wait3A_734 = arith.constant 0 : i32
    %dma_wait3A_735 = tpu.memref_slice %arg9[%dma_wait3A_728, %dma_wait3A_729, %dma_wait3A_734] : memref<3x5x80xi32, #tpu.memory_space<vmem>> -> memref<1x1x80xi32, #tpu.memory_space<vmem>>
    %dma_wait3A_736 = tpu.memref_squeeze %dma_wait3A_735 : memref<1x1x80xi32, #tpu.memory_space<vmem>> -> memref<80xi32, #tpu.memory_space<vmem>>
    %dma_wait3A_737 = arith.constant 0 : i32
    %dma_wait3A_738 = arith.constant 0 : i32
    %dma_wait3A_739 = tpu.memref_slice %arg13[%dma_wait3A_737, %dma_wait3A_738] : memref<10240x64xf32, #tpu.memory_space<vmem_shared>> -> memref<10240x64xf32, #tpu.memory_space<vmem_shared>>
    tpu.wait_indirect_dma semaphore(%arg17 : memref<!tpu.dma_semaphore, #tpu.memory_space<semaphore_mem>>) src(%dma_wait3A_733 : memref<80x64xf32, #tpu.memory_space<vmem>>) dst(%dma_wait3A_739 : memref<10240x64xf32, #tpu.memory_space<vmem_shared>>)
    %dma_wait3A_740 = arith.constant 1 : i32
    %dma_wait3A_741 = arith.constant 3 : i32
    %dma_wait3A_742 = arith.constant 0 : i32
    %dma_wait3A_743 = arith.constant 3 : i32
    %dma_wait3A_744 = arith.constant 0 : i32
    %dma_wait3A_745 = arith.constant 0 : i32
    %dma_wait3A_746 = tpu.memref_slice %arg10[%dma_wait3A_740, %dma_wait3A_741, %dma_wait3A_744, %dma_wait3A_745] : memref<2x5x80x64xf32, #tpu.memory_space<vmem>> -> memref<1x1x80x64xf32, #tpu.memory_space<vmem>>
    %dma_wait3A_747 = tpu.memref_squeeze %dma_wait3A_746 : memref<1x1x80x64xf32, #tpu.memory_space<vmem>> -> memref<80x64xf32, #tpu.memory_space<vmem>>
    %dma_wait3A_748 = arith.constant 0 : i32
    %dma_wait3A_749 = tpu.memref_slice %arg9[%dma_wait3A_742, %dma_wait3A_743, %dma_wait3A_748] : memref<3x5x80xi32, #tpu.memory_space<vmem>> -> memref<1x1x80xi32, #tpu.memory_space<vmem>>
    %dma_wait3A_750 = tpu.memref_squeeze %dma_wait3A_749 : memref<1x1x80xi32, #tpu.memory_space<vmem>> -> memref<80xi32, #tpu.memory_space<vmem>>
    %dma_wait3A_751 = arith.constant 0 : i32
    %dma_wait3A_752 = arith.constant 0 : i32
    %dma_wait3A_753 = tpu.memref_slice %arg13[%dma_wait3A_751, %dma_wait3A_752] : memref<10240x64xf32, #tpu.memory_space<vmem_shared>> -> memref<10240x64xf32, #tpu.memory_space<vmem_shared>>
    tpu.wait_indirect_dma semaphore(%arg17 : memref<!tpu.dma_semaphore, #tpu.memory_space<semaphore_mem>>) src(%dma_wait3A_747 : memref<80x64xf32, #tpu.memory_space<vmem>>) dst(%dma_wait3A_753 : memref<10240x64xf32, #tpu.memory_space<vmem_shared>>)
    %dma_wait3A_754 = arith.constant 1 : i32
    %dma_wait3A_755 = arith.constant 4 : i32
    %dma_wait3A_756 = arith.constant 0 : i32
    %dma_wait3A_757 = arith.constant 4 : i32
    %dma_wait3A_758 = arith.constant 0 : i32
    %dma_wait3A_759 = arith.constant 0 : i32
    %dma_wait3A_760 = tpu.memref_slice %arg10[%dma_wait3A_754, %dma_wait3A_755, %dma_wait3A_758, %dma_wait3A_759] : memref<2x5x80x64xf32, #tpu.memory_space<vmem>> -> memref<1x1x80x64xf32, #tpu.memory_space<vmem>>
    %dma_wait3A_761 = tpu.memref_squeeze %dma_wait3A_760 : memref<1x1x80x64xf32, #tpu.memory_space<vmem>> -> memref<80x64xf32, #tpu.memory_space<vmem>>
    %dma_wait3A_762 = arith.constant 0 : i32
    %dma_wait3A_763 = tpu.memref_slice %arg9[%dma_wait3A_756, %dma_wait3A_757, %dma_wait3A_762] : memref<3x5x80xi32, #tpu.memory_space<vmem>> -> memref<1x1x80xi32, #tpu.memory_space<vmem>>
    %dma_wait3A_764 = tpu.memref_squeeze %dma_wait3A_763 : memref<1x1x80xi32, #tpu.memory_space<vmem>> -> memref<80xi32, #tpu.memory_space<vmem>>
    %dma_wait3A_765 = arith.constant 0 : i32
    %dma_wait3A_766 = arith.constant 0 : i32
    %dma_wait3A_767 = tpu.memref_slice %arg13[%dma_wait3A_765, %dma_wait3A_766] : memref<10240x64xf32, #tpu.memory_space<vmem_shared>> -> memref<10240x64xf32, #tpu.memory_space<vmem_shared>>
    tpu.wait_indirect_dma semaphore(%arg17 : memref<!tpu.dma_semaphore, #tpu.memory_space<semaphore_mem>>) src(%dma_wait3A_761 : memref<80x64xf32, #tpu.memory_space<vmem>>) dst(%dma_wait3A_767 : memref<10240x64xf32, #tpu.memory_space<vmem_shared>>)
    %barrier3A_768 = arith.constant 0 : index
    tpu.barrier barrier_id(%barrier3A_768)
    %mul3A_769 = arith.constant 64 : i32
    %mul3A_770 = arith.muli %arg0, %mul3A_769 : i32
    "tpu.region"() ({
      %run_scoped3A = tpu.sem_alloc : memref<!tpu.dma_semaphore, #tpu.memory_space<semaphore_mem>>
      %dma_start3A_773 = tpu.memref_slice %arg6[%mul3A_0, %mul3A_770] : memref<10240x128xf32, #tpu.memory_space<hbm>> -> memref<640x64xf32, #tpu.memory_space<hbm>>
      %dma_start3A_774 = arith.constant 0 : i32
      %dma_start3A_775 = tpu.memref_slice %arg13[%mul3A_0, %dma_start3A_774] : memref<10240x64xf32, #tpu.memory_space<vmem_shared>> -> memref<640x64xf32, #tpu.memory_space<vmem_shared>>
      tpu.enqueue_dma source(%dma_start3A_775 : memref<640x64xf32, #tpu.memory_space<vmem_shared>>) target(%dma_start3A_773 : memref<640x64xf32, #tpu.memory_space<hbm>>) target_semaphore(%run_scoped3A : memref<!tpu.dma_semaphore, #tpu.memory_space<semaphore_mem>>)
      %dma_wait3A_776 = tpu.memref_slice %arg6[%mul3A_0, %mul3A_770] : memref<10240x128xf32, #tpu.memory_space<hbm>> -> memref<640x64xf32, #tpu.memory_space<hbm>>
      %dma_wait3A_777 = arith.constant 0 : i32
      %dma_wait3A_778 = tpu.memref_slice %arg13[%mul3A_0, %dma_wait3A_777] : memref<10240x64xf32, #tpu.memory_space<vmem_shared>> -> memref<640x64xf32, #tpu.memory_space<vmem_shared>>
      tpu.wait_dma2 semaphore(%run_scoped3A : memref<!tpu.dma_semaphore, #tpu.memory_space<semaphore_mem>>) src(%dma_wait3A_778 : memref<640x64xf32, #tpu.memory_space<vmem_shared>>) dst(%dma_wait3A_776 : memref<640x64xf32, #tpu.memory_space<hbm>>)
      tpu.yield
    }) : () -> ()
    %mul3A_771 = arith.constant 16 : i32
    %mul3A_772 = arith.muli %arg0, %mul3A_771 : i32
    "tpu.region"() ({
      %run_scoped3A = tpu.sem_alloc : memref<!tpu.dma_semaphore, #tpu.memory_space<semaphore_mem>>
      %dma_start3A_773 = tpu.memref_slice %arg7[%mul3A_0, %mul3A_772] : memref<10240x32xf32, #tpu.memory_space<hbm>> -> memref<640x16xf32, #tpu.memory_space<hbm>>
      %dma_start3A_774 = arith.constant 0 : i32
      %dma_start3A_775 = tpu.memref_slice %arg14[%mul3A_0, %dma_start3A_774] : memref<10240x16xf32, #tpu.memory_space<vmem_shared>> -> memref<640x16xf32, #tpu.memory_space<vmem_shared>>
      tpu.enqueue_dma source(%dma_start3A_775 : memref<640x16xf32, #tpu.memory_space<vmem_shared>>) target(%dma_start3A_773 : memref<640x16xf32, #tpu.memory_space<hbm>>) target_semaphore(%run_scoped3A : memref<!tpu.dma_semaphore, #tpu.memory_space<semaphore_mem>>)
      %dma_wait3A_776 = tpu.memref_slice %arg7[%mul3A_0, %mul3A_772] : memref<10240x32xf32, #tpu.memory_space<hbm>> -> memref<640x16xf32, #tpu.memory_space<hbm>>
      %dma_wait3A_777 = arith.constant 0 : i32
      %dma_wait3A_778 = tpu.memref_slice %arg14[%mul3A_0, %dma_wait3A_777] : memref<10240x16xf32, #tpu.memory_space<vmem_shared>> -> memref<640x16xf32, #tpu.memory_space<vmem_shared>>
      tpu.wait_dma2 semaphore(%run_scoped3A : memref<!tpu.dma_semaphore, #tpu.memory_space<semaphore_mem>>) src(%dma_wait3A_778 : memref<640x16xf32, #tpu.memory_space<vmem_shared>>) dst(%dma_wait3A_776 : memref<640x16xf32, #tpu.memory_space<hbm>>)
      tpu.yield
    }) : () -> ()
    return
  }
}

module attributes {stable_mosaic.version = 14 : i64} {
  func.func @_dense_body(%arg0: memref<10240x128xf32, #tpu.memory_space<vmem>>, %arg1: memref<10240x32xf32, #tpu.memory_space<vmem>>, %arg2: memref<10000x128xf32, #tpu.memory_space<vmem>>, %arg3: memref<128x128xf32, #tpu.memory_space<vmem>>, %arg4: memref<128x128xf32, #tpu.memory_space<vmem>>, %arg5: memref<1x128xf32, #tpu.memory_space<vmem>>, %arg6: memref<1x128xf32, #tpu.memory_space<vmem>>, %arg7: memref<1x128xf32, #tpu.memory_space<vmem>>, %arg8: memref<10000x128xf32, #tpu.memory_space<vmem>>) attributes {dimension_semantics = [], scalar_prefetch = 0 : i64, scratch_operands = 0 : i64, tpu.core_type = #tpu.core_type<tc>} {
    %get3A = arith.constant 0 : index
    %get3A_0 = arith.constant 0 : index
    %get3A_1 = vector.load %arg0[%get3A, %get3A_0] : memref<10240x128xf32, #tpu.memory_space<vmem>>, vector<10000x128xf32>
    %get3A_2 = arith.constant 0 : index
    %get3A_3 = arith.constant 0 : index
    %get3A_4 = vector.load %arg1[%get3A_2, %get3A_3] : memref<10240x32xf32, #tpu.memory_space<vmem>>, vector<10000x1xf32>
    %get3A_5 = arith.constant 0 : index
    %get3A_6 = arith.constant 16 : index
    %get3A_7 = vector.load %arg1[%get3A_5, %get3A_6] : memref<10240x32xf32, #tpu.memory_space<vmem>>, vector<10000x1xf32>
    %add3A = arith.addf %get3A_4, %get3A_7 : vector<10000x1xf32>
    %max3A = arith.constant 1.000000e+00 : f32
    %max3A_8 = vector.broadcast %max3A : f32 to vector<10000x1xf32>
    %max3A_9 = arith.maximumf %add3A, %max3A_8 : vector<10000x1xf32>
    %div3A = vector.broadcast %max3A_9 : vector<10000x1xf32> to vector<10000x128xf32>
    %div3A_10 = arith.divf %get3A_1, %div3A : vector<10000x128xf32>
    %get3A_11 = arith.constant 0 : index
    %get3A_12 = arith.constant 0 : index
    %get3A_13 = vector.load %arg3[%get3A_11, %get3A_12] : memref<128x128xf32, #tpu.memory_space<vmem>>, vector<128x128xf32>
    %dot_general3A = arith.constant dense<0.000000e+00> : vector<10000x128xf32>
    %dot_general3A_14 = tpu.matmul %div3A_10, %get3A_13, %dot_general3A {dimension_numbers = #tpu.dot_dimension_numbers<[1], [0], [0], [1], [0, 0, 1, 1], [], []>, transpose_lhs_hint = false} : vector<10000x128xf32>, vector<128x128xf32>, vector<10000x128xf32> -> vector<10000x128xf32>
    %get3A_15 = arith.constant 0 : index
    %get3A_16 = arith.constant 0 : index
    %get3A_17 = vector.load %arg2[%get3A_15, %get3A_16] : memref<10000x128xf32, #tpu.memory_space<vmem>>, vector<10000x128xf32>
    %get3A_18 = arith.constant 0 : index
    %get3A_19 = arith.constant 0 : index
    %get3A_20 = vector.load %arg4[%get3A_18, %get3A_19] : memref<128x128xf32, #tpu.memory_space<vmem>>, vector<128x128xf32>
    %dot_general3A_21 = arith.constant dense<0.000000e+00> : vector<10000x128xf32>
    %dot_general3A_22 = tpu.matmul %get3A_17, %get3A_20, %dot_general3A_21 {dimension_numbers = #tpu.dot_dimension_numbers<[1], [0], [0], [1], [0, 0, 1, 1], [], []>, transpose_lhs_hint = false} : vector<10000x128xf32>, vector<128x128xf32>, vector<10000x128xf32> -> vector<10000x128xf32>
    %add3A_23 = arith.addf %dot_general3A_14, %dot_general3A_22 : vector<10000x128xf32>
    %get3A_24 = arith.constant 0 : index
    %get3A_25 = arith.constant 0 : index
    %get3A_26 = vector.load %arg5[%get3A_24, %get3A_25] : memref<1x128xf32, #tpu.memory_space<vmem>>, vector<1x128xf32>
    %add3A_27 = vector.broadcast %get3A_26 : vector<1x128xf32> to vector<10000x128xf32>
    %add3A_28 = arith.addf %add3A_23, %add3A_27 : vector<10000x128xf32>
    %max3A_29 = arith.constant 0.000000e+00 : f32
    %max3A_30 = vector.broadcast %max3A_29 : f32 to vector<10000x128xf32>
    %max3A_31 = arith.maximumf %add3A_28, %max3A_30 : vector<10000x128xf32>
    %reduce_sum3A = arith.constant dense<0.000000e+00> : vector<128xf32>
    %reduce_sum3A_32 = vector.multi_reduction <add>, %max3A_31, %reduce_sum3A [0] : vector<10000x128xf32> to vector<128xf32>
    %broadcast_in_dim3A = vector.shape_cast %reduce_sum3A_32 : vector<128xf32> to vector<1x128xf32>
    %div3A_33 = arith.constant 1.000000e+04 : f32
    %div3A_34 = vector.broadcast %div3A_33 : f32 to vector<1x128xf32>
    %div3A_35 = arith.divf %broadcast_in_dim3A, %div3A_34 : vector<1x128xf32>
    %sub3A = vector.broadcast %div3A_35 : vector<1x128xf32> to vector<10000x128xf32>
    %sub3A_36 = arith.subf %max3A_31, %sub3A : vector<10000x128xf32>
    %integer_pow3A = arith.mulf %sub3A_36, %sub3A_36 : vector<10000x128xf32>
    %reduce_sum3A_37 = arith.constant dense<0.000000e+00> : vector<128xf32>
    %reduce_sum3A_38 = vector.multi_reduction <add>, %integer_pow3A, %reduce_sum3A_37 [0] : vector<10000x128xf32> to vector<128xf32>
    %broadcast_in_dim3A_39 = vector.shape_cast %reduce_sum3A_38 : vector<128xf32> to vector<1x128xf32>
    %div3A_40 = arith.constant 1.000000e+04 : f32
    %div3A_41 = vector.broadcast %div3A_40 : f32 to vector<1x128xf32>
    %div3A_42 = arith.divf %broadcast_in_dim3A_39, %div3A_41 : vector<1x128xf32>
    %sub3A_43 = vector.broadcast %div3A_35 : vector<1x128xf32> to vector<10000x128xf32>
    %sub3A_44 = arith.subf %max3A_31, %sub3A_43 : vector<10000x128xf32>
    %add3A_45 = arith.constant 9.99999974E-6 : f32
    %add3A_46 = vector.broadcast %add3A_45 : f32 to vector<1x128xf32>
    %add3A_47 = arith.addf %div3A_42, %add3A_46 : vector<1x128xf32>
    %rsqrt3A = math.rsqrt %add3A_47 : vector<1x128xf32>
    %mul3A = vector.broadcast %rsqrt3A : vector<1x128xf32> to vector<10000x128xf32>
    %mul3A_48 = arith.mulf %sub3A_44, %mul3A : vector<10000x128xf32>
    %get3A_49 = arith.constant 0 : index
    %get3A_50 = arith.constant 0 : index
    %get3A_51 = vector.load %arg6[%get3A_49, %get3A_50] : memref<1x128xf32, #tpu.memory_space<vmem>>, vector<1x128xf32>
    %mul3A_52 = vector.broadcast %get3A_51 : vector<1x128xf32> to vector<10000x128xf32>
    %mul3A_53 = arith.mulf %mul3A_48, %mul3A_52 : vector<10000x128xf32>
    %get3A_54 = arith.constant 0 : index
    %get3A_55 = arith.constant 0 : index
    %get3A_56 = vector.load %arg7[%get3A_54, %get3A_55] : memref<1x128xf32, #tpu.memory_space<vmem>>, vector<1x128xf32>
    %add3A_57 = vector.broadcast %get3A_56 : vector<1x128xf32> to vector<10000x128xf32>
    %add3A_58 = arith.addf %mul3A_53, %add3A_57 : vector<10000x128xf32>
    %swap3A = arith.constant 0 : index
    %swap3A_59 = arith.constant 0 : index
    %swap3A_60 = vector.load %arg8[%swap3A, %swap3A_59] : memref<10000x128xf32, #tpu.memory_space<vmem>>, vector<10000x128xf32>
    tpu.vector_store %arg8[%swap3A, %swap3A_59], %add3A_58 {strides = array<i32>} : memref<10000x128xf32, #tpu.memory_space<vmem>>, vector<10000x128xf32>,
    return
  }
}

</mosaic_0001>

<sc_bundles>
// kernel: kernel.4.cloned.1.call-start
scs
__scs_entry_jumppad:
0x0: {  	(pc) =	sbr.rel $0x88, $3  }
0x1: {  	(tag) =	ssettag $0x0;
	lr =	simm.s32 $0x1  }
0x2: {  	[smem:$0x3F9A] =	sst lr;
	_ =	strace $0xD0000000  }
0x3: {  	_ = 	snop  }
0x4: {  	_ = 	snop  }
0x5: {  	_ = 	snop  }
0x6: {  	_ = 	snop  }
0x7: {  	_ = 	snop  }
__scs_overlays_trampoline_lowered:
0x8: {  	[smem:$0x3FA9] =	sst s0  }
0x9: {  	[smem:$0x3FAA] =	sst s1  }
0xa: {  	[smem:$0x3FAB] =	sst s2  }
0xb: {  	[smem:$0x3FAC] =	sst s3  }
0xc: {  	[smem:$0x3FAD] =	sst s4  }
0xd: {  	[smem:$0x3FAE] =	sst s5  }
0xe: {  	[smem:$0x3FAF] =	sst s6  }
0xf: {  	[smem:$0x3FB0] =	sst s7  }
0x10: {  	[smem:$0x3FB1] =	sst s8  }
0x11: {  	[smem:$0x3FB2] =	sst s9;
	s0 =	simm.s32 @!p0 $0x0  }
0x12: {  	s1 =	sld [smem:$0x3F98];
	s0 =	simm.s32 @p0 $0x1  }
0x13: {  	[smem:$0x3FB3] =	sst s0;
	s0 =	simm.s32 @!p1 $0x0  }
0x14: {  	s2 =	sld [smem:$0x3F97];
	s0 =	simm.s32 @p1 $0x1  }
0x15: {  	[smem:$0x3FB4] =	sst s0;
	s0 =	simm.s32 @!p2 $0x0  }
0x16: {  	s3 =	sld [smem:$0x3FDB];
	s0 =	simm.s32 @p2 $0x1  }
0x17: {  	s4 =	simm.s32 $0x1BF5;
	[smem:$0x3FB6] =	sst s0  }
0x18: {  	s0 =	sld [smem:$0x3F99];
	_ =	swait.ge [sflag:s4], $0x0  }
0x19: {  	s7 =	sld [smem:$0x3F9A]  }
0x1a: {  	s8 =	sadd.s32 $0xFFFFE003, lr  }
0x1b: {  	s9 =	sadd.s32 $0xFFFFFEF7, lr;
	s5 =	simm.s32 $0xFFFFFFFF;
	p2 =	slt.u32 s8, $0xFFFFF086  }
0x1c: {  	p1 =	slt.u32 s9, $0xF7A;
	s5 =	simm.s32 @!p2 $0x0  }
0x1d: {  	s5 =	simm.s32 @p1 $0x1;
	p0 =	seq.s32 s7, s2  }
0x1e: {  	s7 =	smul.u32 @!p0 $0xF7A, s2;
	p2 =	seq.s32 @!p0 s5, $0x0  }
0x1f: {  	s9 =	smul.u32 $0xF7A, s1;
	s8 =	simm.s32 @!p0 $0x1BF5;
	p2 =	por !p2, p0  }
0x20: {  	[sflag:s8] =	ssyncset.s32 @!p0 $0xFFFFF086;
	s6 =	sadd.s32 @!p0 s3, s7;
	s7 =	simm.s32 @!p0 $0x108  }
0x21: {  	s3 =	sadd.s32 s3, s9;
	s6 =	sadd.s32 @!p0 $0x88, s6;
	s7 =	simm.s32 @p2 $0x1082  }
0x22: {  	[simem:s7], [sflag:s8] =	dma.local @!p0 [hbm:s6], $0xF7A  }
0x23: {  	s9 =	sor.u32 $0xD0000000, s2;
	s6 =	simm.s32 $0x108;
	_ =	swait.ge @!p0 [sflag:s8], $0x0  }
0x24: {  	s3 =	sadd.s32 $0x88, s3;
	s6 =	simm.s32 @!p1 $0x1082;
	[sflag:s4] =	ssyncset.s32 $0xFFFFF086  }
0x25: {  	[simem:s6], [sflag:s4] =	dma.local [hbm:s3], $0xF7A  }
0x26: {  	[smem:$0x3F9A] =	sst s1;
	(tag) =	ssettag s2;
	_ =	strace s9  }
0x27: {  	s1 =	sld [smem:$0x3FAA]  }
0x28: {  	s2 =	sld [smem:$0x3FAB]  }
0x29: {  	s4 =	sld [smem:$0x3FAD]  }
0x2a: {  	p0 =	seq.s32 s5, $0x0;
	s5 =	sld [smem:$0x3FAE]  }
0x2b: {  	s6 =	sld [smem:$0x3FAF]  }
0x2c: {  	s7 =	sld [smem:$0x3FB0]  }
0x2d: {  	s3 =	simm.s32 $0x108;
	s8 =	sld [smem:$0x3FB1]  }
0x2e: {  	s3 =	simm.s32 @!p0 $0x1082;
	s9 =	sld [smem:$0x3FB2]  }
0x2f: {  	lr =	sadd.s32 s0, s3;
	s0 =	sld [smem:$0x3FA9]  }
0x30: {  	s3 =	sld [smem:$0x3FAC]  }
0x31: {  	[smem:$0x3FB5] =	sst s10  }
0x32: {  	s10 =	sld [smem:$0x3FB3];
	_ =	sdelay $0x3  }
0x33: {  	p0 =	seq.s32 s10, $0x1;
	s10 =	sld [smem:$0x3FB5];
	_ =	sdelay $0x3  }
0x34: {  	[smem:$0x3FB5] =	sst s10  }
0x35: {  	s10 =	sld [smem:$0x3FB4];
	_ =	sdelay $0x3  }
0x36: {  	p1 =	seq.s32 s10, $0x1;
	s10 =	sld [smem:$0x3FB5];
	_ =	sdelay $0x3  }
0x37: {  	[smem:$0x3FB5] =	sst s10  }
0x38: {  	s10 =	sld [smem:$0x3FB6]  }
0x39: {  	_ = 	snop;
	(pc) =	sbr.ind lr, $3  }
0x3a: {  	_ = 	snop  }
0x3b: {  	_ = 	snop  }
0x3c: {  	p2 =	seq.s32 s10, $0x1;
	s10 =	sld [smem:$0x3FB5]  }
0x3d: {  	_ =	shalt  }
0x3e: {  	_ =	shalt  }
0x3f: {  	_ =	shalt  }
0x40: {  	_ =	shalt  }
0x41: {  	_ =	shalt  }
0x42: {  	_ =	shalt  }
0x43: {  	_ =	shalt  }
0x44: {  	_ =	shalt  }
0x45: {  	_ =	shalt  }
0x46: {  	_ =	shalt  }
0x47: {  	_ =	shalt  }
0x48: {  	_ =	shalt  }
0x49: {  	_ =	shalt  }
0x4a: {  	_ =	shalt  }
0x4b: {  	_ =	shalt  }
0x4c: {  	_ =	shalt  }
0x4d: {  	_ =	shalt  }
0x4e: {  	_ =	shalt  }
0x4f: {  	_ =	shalt  }
0x50: {  	_ =	shalt  }
0x51: {  	_ =	shalt  }
0x52: {  	_ =	shalt  }
0x53: {  	_ =	shalt  }
0x54: {  	_ =	shalt  }
0x55: {  	_ =	shalt  }
0x56: {  	_ =	shalt  }
0x57: {  	_ =	shalt  }
0x58: {  	_ =	shalt  }
0x59: {  	_ =	shalt  }
0x5a: {  	_ =	shalt  }
0x5b: {  	_ =	shalt  }
0x5c: {  	_ =	shalt  }
0x5d: {  	_ =	shalt  }
0x5e: {  	_ =	shalt  }
0x5f: {  	_ =	shalt  }
0x60: {  	_ =	shalt  }
0x61: {  	_ =	shalt  }
0x62: {  	_ =	shalt  }
0x63: {  	_ =	shalt  }
0x64: {  	_ =	shalt  }
0x65: {  	_ =	shalt  }
0x66: {  	_ =	shalt  }
0x67: {  	_ =	shalt  }
0x68: {  	_ =	shalt  }
0x69: {  	_ =	shalt  }
0x6a: {  	_ =	shalt  }
0x6b: {  	_ =	shalt  }
0x6c: {  	_ =	shalt  }
0x6d: {  	_ =	shalt  }
0x6e: {  	_ =	shalt  }
0x6f: {  	_ =	shalt  }
0x70: {  	_ =	shalt  }
0x71: {  	_ =	shalt  }
0x72: {  	_ =	shalt  }
0x73: {  	_ =	shalt  }
0x74: {  	_ =	shalt  }
0x75: {  	_ =	shalt  }
0x76: {  	_ =	shalt  }
0x77: {  	_ =	shalt  }
0x78: {  	_ =	shalt  }
0x79: {  	_ =	shalt  }
0x7a: {  	_ =	shalt  }
0x7b: {  	_ =	shalt  }
0x7c: {  	_ =	shalt  }
0x7d: {  	_ =	shalt  }
0x7e: {  	_ =	shalt  }
0x7f: {  	_ =	shalt  }
0x80: {  	_ =	shalt  }
0x81: {  	_ =	shalt  }
0x82: {  	_ =	shalt  }
0x83: {  	_ =	shalt  }
0x84: {  	_ =	shalt  }
0x85: {  	_ =	shalt  }
0x86: {  	_ =	shalt  }
0x87: {  	_ =	shalt  }
.Lfunc_end0:
.L_simem_size_0:
called_computation_lowered:
.L_overlay_start_0:
0x88: {  	s2 =	sld [smem:$0x3FD9]  }
0x89: {  	s3 =	sld [smem:$0x3FFE];
	_ =	sdelay $0x1  }
0x8a: {  	s1 =	srdreg.scid  }
0x8b: {  	s0 =	sand.u32 $0x1, s1  }
0x8c: {  	s17 =	sshll.u32 s0, $0xA;
	s2 =	sadd.s32 s3, s2  }
0x8d: {  	s2 =	sadd.s32 s2, s17  }
0x8e: {  	[smem:$0x3FC1] =	sst s2  }
0x8f: {  	_ = 	snop  }
0x90: {  	s2 =	sld [smem:$0x3FC9]  }
0x91: {  	s18 =	sld [smem:$0x3FD0];
	(tm) =	ssettm $0x1  }
0x92: {  	s4 =	sld [smem:$0x3FFB];
	_ =	sdelay $0x3  }
0x93: {  	_ =	strace s4  }
0x94: {  	s4 =	sld [smem:$0x3FFC];
	_ =	sdelay $0x3  }
0x95: {  	_ =	strace s4  }
0x96: {  	s4 =	sld [smem:$0x3FFD];
	_ =	sdelay $0x3  }
0x97: {  	_ =	strace s4  }
0x98: {  	_ =	strace $0x8FFFFFFF  }
0x99: {  	s19 =	sld [smem:$0x3FDB];
	_ =	sdelay $0x1  }
0x9a: {  	s5 =	simm.s32 $_scs_section_size  }
0x9b: {  	s6 =	simm.s32 $_size__tile_overlayer_lowered;
	s7 =	simm.s32 $_tile_overlayer_lowered  }
0x9c: {  	s22 =	simm.s32 $0x1BFF;
	s21 =	sshll.u32 s7, $0x1;
	s4 =	sadd.s32 s5, s19  }
0x9d: {  	s8 =	simm.s32 $0x0;
	s20 =	sshll.u32 s6, $0x1;
	s6 =	sadd.s32 s21, s4  }
0x9e: {  	[timem:s8], [sflag:s22] =	dma.local [hbm:s6], s20  }
0x9f: {  	_ =	swait.ge [sflag:s22], s20  }
0xa0: {  	s5 =	ssub.s32 $0x0, s20;
	[sflag:s22] =	ssyncset.done $0x0  }
0xa1: {  	[sflag:s22] =	ssyncadd.s32 s5;
	_ =	sdelay $0x1  }
0xa2: {  	s23 =	simm.s32 $0x1B8B  }
0xa3: {  	_ =	swait.ge [sflag:s23], $0x1  }
0xa4: {  	[sflag:s23] =	ssyncset.done $0x0  }
0xa5: {  	s25 =	simm.s32 $0x1B8E;
	s24 =	sld [smem:$0x3FFE];
	[sflag:s23] =	ssyncadd.s32 $0xFFFFFFFF  }
0xa6: {  	s26 =	simm.s32 $execute0_lowered;
	[smem:$0x3FD2] =	sst s25  }
0xa7: {  	s6 =	sshll.u32 s26, $0x1;
	_ =	strace $0x80000046;
	[dreg:$0x1] =	wrdreg $0xFFFFFFFF  }
0xa8: {  	s28 =	simm.s32 $_size_execute0_lowered;
	s4 =	sadd.s32 s4, s6;
	[dreg:$0x0] =	wrdreg $0x0  }
0xa9: {  	s6 =	sshll.u32 s28, $0x1;
	[dreg:$0x2] =	wrdreg s4  }
0xaa: {  	[dreg:$0x3] =	wrdreg s6  }
0xab: {  	[dreg:$0x4] =	wrdreg $0xC0  }
0xac: {  	_ =	task [dreg:s8], $0x5FFFF  }
0xad: {  	[dreg:$0x1] =	wrdreg $0xFFFFFFFF  }
0xae: {  	[dreg:$0x0] =	wrdreg $0x60  }
0xaf: {  	[dreg:$0x2] =	wrdreg s2  }
0xb0: {  	[dreg:$0x3] =	wrdreg s24  }
0xb1: {  	[dreg:$0x4] =	wrdreg s18  }
0xb2: {  	[dreg:$0x5] =	wrdreg $0xDB600  }
0xb3: {  	[dreg:$0x6] =	wrdreg $0x17B600  }
0xb4: {  	[dreg:$0x7] =	wrdreg $0x9  }
0xb5: {  	_ =	task.clear_ibuf [dreg:s8], $0x8FFFF;
	_ =	strace $0x90000046  }
0xb6: {  	s29 =	simm.s32 $0x9;
	_ =	strace $0x80000048  }
0xb7: {  	_ =	swait.ge [sflag:s29], $0x1  }
0xb8: {  	[sflag:s29] =	ssyncadd.s32 $0xFFFFFFFF  }
0xb9: {  	_ =	strace $0x90000048  }
0xba: {  	_ =	sfence  }
0xbb: {  	s30 =	sld [smem:$0x0];
	_ =	sdelay $0x2  }
0xbc: {  	s31 =	sshll.u32 s1, $0xD;
	s1 =	sshrl.u32 s1, $0x2  }
0xbd: {  	s3 =	sand.u32 $0x4000, s31;
	s1 =	sadd.s32 s1, s30  }
0xbe: {  	s0 =	sor.u32 s3, s0;
	s1 =	sshll.u32 s1, $0x11  }
0xbf: {  	s0 =	sor.u32 s1, s0  }
0xc0: {  	s0 =	sadd.s32 $0x8F2B, s0  }
0xc1: {  	[sflag:s0] =	ssyncadd.remote.s32 $0x1  }
0xc2: {  	_ =	sfence.sel $0xFFFF  }
0xc3: {  	[dreg:$0x0] =	wrdreg $0xFFFFFFFF;
	(pc) =	sbr.abs _section_cstart, $3  }
0xc4: {  	[dreg:$0x1] =	wrdreg $0xFFFFFFFF  }
0xc5: {  	_ =	task.clear_ibuf [dreg:s8], $0x2FFFF;
	_ =	strace $0x9FFFFFFF  }
0xc6: {  	(tm) =	ssettm $0x7FFFFFFF  }
0xc7: {  	_ =	shalt  }
tec
execute0_lowered:
.L_overlay_start_1:
0x0: {  	(tag) =	ssettag $0x1  }
0x1: {  	s1 =	rddreg [dreg:$0x0]  }
0x2: {  	s4 =	rddreg [dreg:$0x1]  }
0x3: {  	s6 =	rddreg [dreg:$0x2];
	s14 =	stileid.u32  }
0x4: {  	s2 =	rddreg [dreg:$0x3];
	s8 =	smul.u32 $0x14000, s14  }
0x5: {  	s3 =	rddreg [dreg:$0x4];
	s11 =	smul.u32 $0x4E20, s14  }
0x6: {  	s5 =	simm.s32 $0x0;
	s0 =	srdreg.scid;
	s13 =	smul.u32 $0x9C4, s14  }
0x7: {  	[smem:$0x7FF] =	sst s5;
	s7 =	sadd.s32 $0xB200, s4;
	s17 =	smul.u32 $0x5000, s14  }
0x8: {  	s0 =	sand.u32 $0x1, s0;
	s9 =	sadd.s32 $0x1400, s4;
	s18 =	smul.u32 $0x28000, s14  }
0x9: {  	s10 =	sadd.s32 $0x15000, s4;
	s20 =	smul.u32 $0xA000, s14;
	_ =	strace $0x80000047  }
0xa: {  	[dreg:$0x6] =	wrdreg s10;
	s25 =	sshll.u32 s0, $0x6;
	s26 =	ssub.s32 $0x2, s0  }
0xb: {  	s19 =	sshll.u32 s0, $0x4;
	p0 =	seq.s32 s0, $0x1;
	s8 =	sor.u32 s25, s8  }
0xc: {  	s12 =	sshrl.u32 s26, $0x1;
	s16 =	sshrl.u32 s11, $0x3;
	s11 =	smul.u32 $0x280, s14  }
0xd: {  	s15 =	sadd.s32 s7, s13;
	s13 =	sadd.s32 s9, s13;
	s21 =	sshrl.u32 s18, $0x2  }
0xe: {  	s23 =	sshrl.u32 s20, $0x2;
	s8 =	sshrl.u32 s8, $0x3;
	s31 =	ssub.s32 s26, s12  }
0xf: {  	s10 =	sadd.s32 $0x32, s16;
	s12 =	sadd.s32 s21, s2;
	s14 =	sadd.s32 s23, s3  }
0x10: {  	s29 =	smov.u32 s13;
	s28 =	smov.u32 s15;
	s4 =	sadd.s32 s8, s4  }
0x11: {  	s7 =	sadd.s32 s7, s10;
	s9 =	sadd.s32 s9, s10;
	s24 =	smax.u32 s31, $0x1  }
0x12: {  	s25 =	sor.u32 $0x50, s11;
	s31 =	sadd.s32 $0xA0, s11;
	s10 =	sadd.s32 $0xF0, s11  }
0x13: {  	s18 =	sadd.s32 $0x140, s11;
	s20 =	sadd.s32 $0x190, s11;
	[dreg:$0x7] =	wrdreg s7  }
0x14: {  	s23 =	sadd.s32 $0x1E0, s11;
	[dreg:$0x8] =	wrdreg s9;
	s7 =	sor.u32 s19, s17  }
0x15: {  	s4 =	sadd.s32 $0x15200, s4;
	[dreg:$0xb] =	wrdreg s24;
	s26 =	sshll.u32 s25, $0x6  }
0x16: {  	s8 =	sshll.u32 s31, $0x6;
	s9 =	sshll.u32 s31, $0x4;
	s16 =	sshll.u32 s10, $0x6  }
0x17: {  	s19 =	sshll.u32 s18, $0x6;
	s21 =	sshll.u32 s20, $0x6;
	s7 =	sshrl.u32 s7, $0x3  }
0x18: {  	s24 =	sadd.s32 $0x230, s11;
	[dreg:$0x9] =	wrdreg s4;
	s22 =	sadd.s32 s6, s7  }
0x19: {  	s4 =	sshll.u32 s25, $0x4;
	s6 =	sadd.s32 s26, s2;
	[dreg:$0xa] =	wrdreg s22  }
0x1a: {  	s25 =	sshll.u32 s23, $0x6;
	s4 =	sadd.s32 s4, s3;
	[dreg:$0xc] =	wrdreg s6  }
0x1b: {  	s11 =	simm.s32 $0x1;
	s7 =	sadd.s32 s25, s2;
	[dreg:$0xd] =	wrdreg s4  }
0x1c: {  	s26 =	sshll.u32 s24, $0x6;
	s4 =	sadd.s32 s8, s2;
	[dreg:$0x16] =	wrdreg s7  }
0x1d: {  	s6 =	sshll.u32 s10, $0x4;
	s31 =	sadd.s32 s26, s2;
	[dreg:$0xe] =	wrdreg s4  }
0x1e: {  	s22 =	sshll.u32 s20, $0x4;
	s4 =	sadd.s32 s9, s3;
	[dreg:$0x18] =	wrdreg s31  }
0x1f: {  	s8 =	sadd.s32 $0x64, s15;
	s17 =	sadd.s32 s6, s3;
	[dreg:$0xf] =	wrdreg s4  }
0x20: {  	s10 =	simm.s32 $0x3;
	s6 =	sadd.s32 s19, s2;
	[dreg:$0x11] =	wrdreg s17  }
0x21: {  	s4 =	sadd.s32 s16, s2;
	[dreg:$0x12] =	wrdreg s6;
	s6 =	sshll.u32 s23, $0x4  }
0x22: {  	[dreg:$0x10] =	wrdreg s4;
	s4 =	sshll.u32 s18, $0x4;
	s6 =	sadd.s32 s6, s3  }
0x23: {  	s15 =	simm.s32 $0x6;
	s4 =	sadd.s32 s4, s3;
	[dreg:$0x17] =	wrdreg s6  }
0x24: {  	s9 =	simm.s32 $0x2;
	[dreg:$0x13] =	wrdreg s4;
	s4 =	sadd.s32 s21, s2  }
0x25: {  	s16 =	sadd.s32 $0x64, s13;
	[dreg:$0x14] =	wrdreg s4;
	s4 =	sadd.s32 s22, s3  }
0x26: {  	s13 =	simm.s32 $0x50;
	[dreg:$0x15] =	wrdreg s4;
	s4 =	sshll.u32 s24, $0x4  }
0x27: {  	v1 =	vimm.f32 $0.0e+00;
	v0 =	vmov s0;
	s6 =	simm.s32 $0xD660;
	s30 =	sadd.s32 s4, s3;
	s4 =	simm.s32 $0x960  }
.LBB2_1:
0x28: {  	s0 =	simm.s32 $0x980  }
0x29: {  	[tilespmem:s0+$0x0] =	vst v1  }
0x2a: {  	[tilespmem:s0+$0xFFFFFFE0] =	vst v1  }
0x2b: {  	[tilespmem:s0+$0x10] =	vst v1  }
0x2c: {  	s7 =	simm.s32 $0x40;
	s17 =	simm.s32 $0x0;
	[tilespmem:s0+$0xFFFFFFF0] =	vst v1  }
.LBB2_2:
0x2d: {  	p1 =	sne.s32 s7, $0x13C0  }
0x2e: {  	[tilespmem:s17+$0xD660] =	vst v1;
	s0 =	sadd.s32 $0x40, s0;
	s17 =	smov.u32 s7;
	s7 =	sadd.s32 $0x40, s7  }
.Ltmp0:
0x2f: {  	[tilespmem:s0+$0x0] =	vst v1;
	(pc) =	sbr.rel @p1 .LBB2_2-.Ltmp0, $4  }
0x30: {  	_ = 	snop  }
0x31: {  	[tilespmem:s0+$0xFFFFFFE0] =	vst v1  }
0x32: {  	[tilespmem:s0+$0x10] =	vst v1  }
0x33: {  	s17 =	sshra.s32 s17, $0x2;
	[tilespmem:s0+$0xFFFFFFF0] =	vst v1  }
0x34: {  	[tilespmem:s17+$0xD660] =	vst v1;
	s7 =	simm.s32 $0x0  }
0x35: {  	[tilespmem:s7], [sflag:$0x1] =	stream.linear.gather [hbm4b:s28+s7], $0x190, $0x38;
	[tilespmem:$0x1A360] =	vst v63  }
0x36: {  	s0 =	simm.s32 $0x4B0  }
0x37: {  	[tilespmem:s0], [sflag:$0x1] =	stream.linear.gather [hbm4b:s29+s7], $0x190, $0x38;
	[tilespmem:$0x1A360] =	vst v63  }
0x38: {  	s20 =	rddreg [dreg:$0x6];
	s21 =	simm.s32 $0xD160  }
0x39: {  	[tilespmem:s21], [sflag:$0x1] =	stream.linear.gather [hbm4b:s20+s7], $0x500, $0x38;
	[tilespmem:$0x1A360] =	vst v63  }
0x3a: {  	_ = 	snop  }
0x3b: {  	[spmem:s12] =	stream.linear.scatter [tilespmem:s4], [sflag:$0x2], $0x1400, $0x38;
	[tilespmem:$0x1A360] =	vst v63  }
0x3c: {  	_ = 	snop  }
0x3d: {  	[spmem:s14] =	stream.linear.scatter [tilespmem:s6], [sflag:$0x3], $0x500, $0x38;
	[tilespmem:$0x1A360] =	vst v63  }
0x3e: {  	s22 =	rddreg [dreg:$0xc]  }
0x3f: {  	[spmem:s22] =	stream.linear.scatter [tilespmem:s4], [sflag:$0x2], $0x1400, $0x38;
	[tilespmem:$0x1A360] =	vst v63  }
0x40: {  	s23 =	rddreg [dreg:$0xd]  }
0x41: {  	[spmem:s23] =	stream.linear.scatter [tilespmem:s6], [sflag:$0x3], $0x500, $0x38;
	[tilespmem:$0x1A360] =	vst v63  }
0x42: {  	s24 =	rddreg [dreg:$0xe]  }
0x43: {  	[spmem:s24] =	stream.linear.scatter [tilespmem:s4], [sflag:$0x2], $0x1400, $0x38;
	[tilespmem:$0x1A360] =	vst v63  }
0x44: {  	s25 =	rddreg [dreg:$0xf]  }
0x45: {  	[spmem:s25] =	stream.linear.scatter [tilespmem:s6], [sflag:$0x3], $0x500, $0x38;
	[tilespmem:$0x1A360] =	vst v63  }
0x46: {  	s26 =	rddreg [dreg:$0x10]  }
0x47: {  	[spmem:s26] =	stream.linear.scatter [tilespmem:s4], [sflag:$0x2], $0x1400, $0x38;
	[tilespmem:$0x1A360] =	vst v63  }
0x48: {  	s17 =	rddreg [dreg:$0x11]  }
0x49: {  	[spmem:s17] =	stream.linear.scatter [tilespmem:s6], [sflag:$0x3], $0x500, $0x38;
	[tilespmem:$0x1A360] =	vst v63  }
0x4a: {  	s18 =	rddreg [dreg:$0x12]  }
0x4b: {  	[spmem:s18] =	stream.linear.scatter [tilespmem:s4], [sflag:$0x2], $0x1400, $0x38;
	[tilespmem:$0x1A360] =	vst v63  }
0x4c: {  	s19 =	rddreg [dreg:$0x13]  }
0x4d: {  	[spmem:s19] =	stream.linear.scatter [tilespmem:s6], [sflag:$0x3], $0x500, $0x38;
	[tilespmem:$0x1A360] =	vst v63  }
0x4e: {  	s20 =	rddreg [dreg:$0x14]  }
0x4f: {  	[spmem:s20] =	stream.linear.scatter [tilespmem:s4], [sflag:$0x2], $0x1400, $0x38;
	[tilespmem:$0x1A360] =	vst v63  }
0x50: {  	s21 =	rddreg [dreg:$0x15]  }
0x51: {  	[spmem:s21] =	stream.linear.scatter [tilespmem:s6], [sflag:$0x3], $0x500, $0x38;
	[tilespmem:$0x1A360] =	vst v63  }
0x52: {  	s22 =	rddreg [dreg:$0x16]  }
0x53: {  	[spmem:s22] =	stream.linear.scatter [tilespmem:s4], [sflag:$0x2], $0x1400, $0x38;
	[tilespmem:$0x1A360] =	vst v63  }
0x54: {  	s23 =	rddreg [dreg:$0x17]  }
0x55: {  	[spmem:s23] =	stream.linear.scatter [tilespmem:s6], [sflag:$0x3], $0x500, $0x38;
	[tilespmem:$0x1A360] =	vst v63  }
0x56: {  	s24 =	rddreg [dreg:$0x18]  }
0x57: {  	[spmem:s24] =	stream.linear.scatter [tilespmem:s4], [sflag:$0x2], $0x1400, $0x38;
	[tilespmem:$0x1A360] =	vst v63  }
0x58: {  	_ = 	snop  }
0x59: {  	[spmem:s30] =	stream.linear.scatter [tilespmem:s6], [sflag:$0x3], $0x500, $0x38;
	[tilespmem:$0x1A360] =	vst v63  }
0x5a: {  	s25 =	rddreg [dreg:$0x7];
	s26 =	simm.s32 $0x190  }
0x5b: {  	[tilespmem:s26], [sflag:$0x5] =	stream.linear.gather [hbm4b:s25+s7], $0x190, $0x38;
	[tilespmem:$0x1A360] =	vst v63  }
0x5c: {  	s18 =	rddreg [dreg:$0x8];
	s19 =	simm.s32 $0x640  }
0x5d: {  	[tilespmem:s19], [sflag:$0x5] =	stream.linear.gather [hbm4b:s18+s7], $0x190, $0x38;
	[tilespmem:$0x1A360] =	vst v63  }
0x5e: {  	_ =	swait.ge [sflag:s9], $0x1400  }
0x5f: {  	[sflag:s9] =	ssyncset.done $0x0  }
0x60: {  	[sflag:s9] =	ssyncadd.s32 $0xFFFFEC00  }
0x61: {  	_ =	swait.ge [sflag:s10], $0x500  }
0x62: {  	[sflag:s10] =	ssyncset.done $0x0  }
0x63: {  	[sflag:s10] =	ssyncadd.s32 $0xFFFFFB00  }
0x64: {  	_ =	swait.ge [sflag:s9], $0x1400  }
0x65: {  	[sflag:s9] =	ssyncset.done $0x0  }
0x66: {  	[sflag:s9] =	ssyncadd.s32 $0xFFFFEC00  }
0x67: {  	_ =	swait.ge [sflag:s10], $0x500  }
0x68: {  	[sflag:s10] =	ssyncset.done $0x0  }
0x69: {  	[sflag:s10] =	ssyncadd.s32 $0xFFFFFB00  }
0x6a: {  	_ =	swait.ge [sflag:s9], $0x1400  }
0x6b: {  	[sflag:s9] =	ssyncset.done $0x0  }
0x6c: {  	[sflag:s9] =	ssyncadd.s32 $0xFFFFEC00  }
0x6d: {  	_ =	swait.ge [sflag:s10], $0x500  }
0x6e: {  	[sflag:s10] =	ssyncset.done $0x0  }
0x6f: {  	[sflag:s10] =	ssyncadd.s32 $0xFFFFFB00  }
0x70: {  	_ =	swait.ge [sflag:s9], $0x1400  }
0x71: {  	[sflag:s9] =	ssyncset.done $0x0  }
0x72: {  	[sflag:s9] =	ssyncadd.s32 $0xFFFFEC00  }
0x73: {  	_ =	swait.ge [sflag:s10], $0x500  }
0x74: {  	[sflag:s10] =	ssyncset.done $0x0  }
0x75: {  	[sflag:s10] =	ssyncadd.s32 $0xFFFFFB00  }
0x76: {  	_ =	swait.ge [sflag:s9], $0x1400  }
0x77: {  	[sflag:s9] =	ssyncset.done $0x0  }
0x78: {  	[sflag:s9] =	ssyncadd.s32 $0xFFFFEC00  }
0x79: {  	_ =	swait.ge [sflag:s10], $0x500  }
0x7a: {  	[sflag:s10] =	ssyncset.done $0x0  }
0x7b: {  	[sflag:s10] =	ssyncadd.s32 $0xFFFFFB00  }
0x7c: {  	_ =	swait.ge [sflag:s9], $0x1400  }
0x7d: {  	[sflag:s9] =	ssyncset.done $0x0  }
0x7e: {  	[sflag:s9] =	ssyncadd.s32 $0xFFFFEC00  }
0x7f: {  	_ =	swait.ge [sflag:s10], $0x500  }
0x80: {  	[sflag:s10] =	ssyncset.done $0x0  }
0x81: {  	[sflag:s10] =	ssyncadd.s32 $0xFFFFFB00  }
0x82: {  	_ =	swait.ge [sflag:s9], $0x1400  }
0x83: {  	[sflag:s9] =	ssyncset.done $0x0  }
0x84: {  	[sflag:s9] =	ssyncadd.s32 $0xFFFFEC00  }
0x85: {  	_ =	swait.ge [sflag:s10], $0x500  }
0x86: {  	[sflag:s10] =	ssyncset.done $0x0  }
0x87: {  	[sflag:s10] =	ssyncadd.s32 $0xFFFFFB00  }
0x88: {  	_ =	swait.ge [sflag:s9], $0x1400  }
0x89: {  	[sflag:s9] =	ssyncset.done $0x0  }
0x8a: {  	[sflag:s9] =	ssyncadd.s32 $0xFFFFEC00  }
0x8b: {  	_ =	swait.ge [sflag:s10], $0x500  }
0x8c: {  	[sflag:s10] =	ssyncset.done $0x0  }
0x8d: {  	[sflag:s10] =	ssyncadd.s32 $0xFFFFFB00  }
0x8e: {  	_ =	swait.ge [sflag:s11], $0x190  }
0x8f: {  	[sflag:s11] =	ssyncset.done $0x0  }
0x90: {  	[sflag:s11] =	ssyncadd.s32 $0xFFFFFE70  }
0x91: {  	_ =	swait.ge [sflag:s11], $0x190  }
0x92: {  	[sflag:s11] =	ssyncset.done $0x0  }
0x93: {  	[sflag:s11] =	ssyncadd.s32 $0xFFFFFE70  }
0x94: {  	_ =	swait.ge [sflag:s11], $0x500  }
0x95: {  	[sflag:s11] =	ssyncset.done $0x0  }
0x96: {  	[sflag:s11] =	ssyncadd.s32 $0xFFFFFB00  }
0x97: {  	[bflag:$0x0] =	sbarrier.arrive $0xFFFF  }
0x98: {  	v2 =	vld [tilespmem:$0x0]  }
0x99: {  	v3 =	vld [tilespmem:$0x10]  }
0x9a: {  	v4 =	vld [tilespmem:$0x20]  }
0x9b: {  	v5 =	vld [tilespmem:$0x30]  }
0x9c: {  	v6 =	vld [tilespmem:$0x40]  }
0x9d: {  	v7 =	vld [tilespmem:$0x50];
	v2 =	vshll.u32 v2, $0x1  }
0x9e: {  	v8 =	vld [tilespmem:$0x60];
	v3 =	vshll.u32 v3, $0x1;
	v2 =	vor.u32 v0, v2  }
0x9f: {  	v46 =	vld [tilespmem:$0x70];
	[tilespmem:$0x0] =	vst v2;
	v2 =	vor.u32 v0, v3;
	v3 =	vshll.u32 v4, $0x1  }
0xa0: {  	v47 =	vld [tilespmem:$0x80];
	[tilespmem:$0x10] =	vst v2;
	v2 =	vor.u32 v0, v3;
	v3 =	vshll.u32 v5, $0x1  }
0xa1: {  	v48 =	vld [tilespmem:$0x90];
	[tilespmem:$0x20] =	vst v2;
	v2 =	vor.u32 v0, v3;
	v3 =	vshll.u32 v6, $0x1  }
0xa2: {  	v49 =	vld [tilespmem:$0xA0];
	[tilespmem:$0x30] =	vst v2;
	v2 =	vor.u32 v0, v3;
	v3 =	vshll.u32 v7, $0x1  }
0xa3: {  	v50 =	vld [tilespmem:$0xB0];
	[tilespmem:$0x40] =	vst v2;
	v2 =	vor.u32 v0, v3;
	v3 =	vshll.u32 v8, $0x1  }
0xa4: {  	v51 =	vld [tilespmem:$0xC0];
	[tilespmem:$0x50] =	vst v2;
	v2 =	vor.u32 v0, v3;
	v3 =	vshll.u32 v46, $0x1  }
0xa5: {  	v52 =	vld [tilespmem:$0xD0];
	[tilespmem:$0x60] =	vst v2;
	v2 =	vor.u32 v0, v3;
	v3 =	vshll.u32 v47, $0x1  }
0xa6: {  	v53 =	vld [tilespmem:$0xE0];
	[tilespmem:$0x70] =	vst v2;
	v2 =	vor.u32 v0, v3;
	v3 =	vshll.u32 v48, $0x1  }
0xa7: {  	v54 =	vld [tilespmem:$0xF0];
	[tilespmem:$0x80] =	vst v2;
	v2 =	vor.u32 v0, v3;
	v3 =	vshll.u32 v49, $0x1  }
0xa8: {  	v55 =	vld [tilespmem:$0x100];
	[tilespmem:$0x90] =	vst v2;
	v2 =	vor.u32 v0, v3;
	v3 =	vshll.u32 v50, $0x1  }
0xa9: {  	v56 =	vld [tilespmem:$0x110];
	[tilespmem:$0xA0] =	vst v2;
	v2 =	vor.u32 v0, v3;
	v3 =	vshll.u32 v51, $0x1  }
0xaa: {  	v57 =	vld [tilespmem:$0x120];
	[tilespmem:$0xB0] =	vst v2;
	v2 =	vor.u32 v0, v3;
	v3 =	vshll.u32 v52, $0x1  }
0xab: {  	v58 =	vld [tilespmem:$0x130];
	[tilespmem:$0xC0] =	vst v2;
	v2 =	vor.u32 v0, v3;
	v3 =	vshll.u32 v53, $0x1  }
0xac: {  	v59 =	vld [tilespmem:$0x140];
	[tilespmem:$0xD0] =	vst v2;
	v2 =	vor.u32 v0, v3;
	v3 =	vshll.u32 v54, $0x1  }
0xad: {  	v60 =	vld [tilespmem:$0x150];
	[tilespmem:$0xE0] =	vst v2;
	v2 =	vor.u32 v0, v3;
	v3 =	vshll.u32 v55, $0x1  }
0xae: {  	v61 =	vld [tilespmem:$0x160];
	[tilespmem:$0xF0] =	vst v2;
	v2 =	vor.u32 v0, v3;
	v3 =	vshll.u32 v56, $0x1  }
0xaf: {  	v62 =	vld [tilespmem:$0x170];
	[tilespmem:$0x100] =	vst v2;
	v2 =	vor.u32 v0, v3;
	v3 =	vshll.u32 v57, $0x1  }
0xb0: {  	v63 =	vld [tilespmem:$0x180];
	[tilespmem:$0x110] =	vst v2;
	v2 =	vor.u32 v0, v3;
	v3 =	vshll.u32 v58, $0x1  }
0xb1: {  	[tilespmem:$0x120] =	vst v2;
	v2 =	vor.u32 v0, v3;
	v3 =	vshll.u32 v59, $0x1  }
0xb2: {  	[tilespmem:$0x130] =	vst v2;
	v2 =	vor.u32 v0, v3;
	v3 =	vshll.u32 v60, $0x1  }
0xb3: {  	[tilespmem:$0x140] =	vst v2;
	v2 =	vor.u32 v0, v3;
	v3 =	vshll.u32 v61, $0x1  }
0xb4: {  	[tilespmem:$0x150] =	vst v2;
	v2 =	vor.u32 v0, v3;
	v3 =	vshll.u32 v62, $0x1  }
0xb5: {  	[tilespmem:$0x160] =	vst v2;
	v2 =	vor.u32 v0, v3;
	v3 =	vshll.u32 v63, $0x1  }
0xb6: {  	[tilespmem:$0x170] =	vst v2;
	v2 =	vor.u32 v0, v3  }
0xb7: {  	[tilespmem:$0x180] =	vst v2  }
0xb8: {  	[tilespmem:s4], [sflag:$0x1] =	stream.indirect.gather [hbm4b:s1+s13], $0x40, s7, s13, $0xb8;
	[tilespmem:$0x1A360] =	vst v63  }
0xb9: {  	s20 =	simm.s32 $0x1D60  }
0xba: {  	[tilespmem:s20], [sflag:$0x1] =	stream.indirect.gather [hbm4b:s1+s13], $0x40, s13, s13, $0xb8;
	[tilespmem:$0x1A360] =	vst v63  }
0xbb: {  	s21 =	simm.s32 $0xA0;
	s22 =	simm.s32 $0x3160  }
0xbc: {  	[tilespmem:s22], [sflag:$0x1] =	stream.indirect.gather [hbm4b:s1+s13], $0x40, s21, s13, $0xb8;
	[tilespmem:$0x1A360] =	vst v63  }
0xbd: {  	s31 =	smov.u32 s16;
	s23 =	simm.s32 $0xF0;
	s24 =	simm.s32 $0x4560  }
0xbe: {  	[tilespmem:s24], [sflag:$0x1] =	stream.indirect.gather [hbm4b:s1+s13], $0x40, s23, s13, $0xb8;
	[tilespmem:$0x1A360] =	vst v63  }
0xbf: {  	s0 =	smov.u32 s8;
	s25 =	simm.s32 $0x140;
	s26 =	simm.s32 $0x5960  }
0xc0: {  	[tilespmem:s26], [sflag:$0x1] =	stream.indirect.gather [hbm4b:s1+s13], $0x40, s25, s13, $0xb8;
	[tilespmem:$0x1A360] =	vst v63  }
.LBB2_4:
0xc1: {  	_ =	swait.ge [sflag:s11], $0x1400  }
0xc2: {  	[sflag:s11] =	ssyncset.done $0x0  }
0xc3: {  	s17 =	smul.u32 $0xAB, s7;
	[sflag:s11] =	ssyncadd.s32 $0xFFFFEC00  }
0xc4: {  	_ =	swait.ge [sflag:s11], $0x1400  }
0xc5: {  	s17 =	sshrl.u32 s17, $0x9;
	[sflag:s11] =	ssyncset.done $0x0  }
0xc6: {  	s17 =	sand.u32 $0x7F, s17;
	[sflag:s11] =	ssyncadd.s32 $0xFFFFEC00  }
0xc7: {  	s17 =	smul.u32 $0x3, s17;
	_ =	swait.ge [sflag:s11], $0x1400  }
0xc8: {  	[sflag:s11] =	ssyncset.done $0x0  }
0xc9: {  	s18 =	ssub.s32 s7, s17;
	[sflag:s11] =	ssyncadd.s32 $0xFFFFEC00  }
0xca: {  	s17 =	sand.u32 $0x1, s7;
	s18 =	sand.u32 $0xFF, s18;
	_ =	swait.ge [sflag:s11], $0x1400  }
0xcb: {  	s19 =	smul.u32 $0x19000, s17;
	p1 =	seq.s32 s17, $0x1;
	[sflag:s11] =	ssyncset.done $0x0  }
0xcc: {  	s20 =	smul.u32 @!p1 $0x640, s18;
	[sflag:s11] =	ssyncadd.s32 $0xFFFFEC00  }
0xcd: {  	s23 =	simm.s32 @!p1 $0x50;
	_ =	swait.ge [sflag:s11], $0x1400  }
0xce: {  	s19 =	sshrl.u32 s19, $0x2;
	s20 =	sshrl.u32 @!p1 s20, $0x2;
	[sflag:s11] =	ssyncset.done $0x0  }
0xcf: {  	s21 =	sadd.s32 $0x960, s19;
	s22 =	sadd.s32 @!p1 $0x4B0, s20;
	[sflag:s11] =	ssyncadd.s32 $0xFFFFEC00  }
0xd0: {  	[spmem:s2] =	stream.indirect.scatter.add.f32 @!p1 [tilespmem:s21], [sflag:$0x2], $0x40, s22, s23, $0xb8;
	[tilespmem:$0x1A360] =	vst v63  }
0xd1: {  	s24 =	sadd.s32 @!p1 $0x500, s20;
	s22 =	sadd.s32 $0x1D60, s19  }
0xd2: {  	[spmem:s2] =	stream.indirect.scatter.add.f32 @!p1 [tilespmem:s22], [sflag:$0x2], $0x40, s24, s23, $0xb8;
	[tilespmem:$0x1A360] =	vst v63  }
0xd3: {  	s25 =	sadd.s32 @!p1 $0x550, s20;
	s24 =	sadd.s32 $0x3160, s19  }
0xd4: {  	[spmem:s2] =	stream.indirect.scatter.add.f32 @!p1 [tilespmem:s24], [sflag:$0x2], $0x40, s25, s23, $0xb8;
	[tilespmem:$0x1A360] =	vst v63  }
0xd5: {  	p3 =	seq.s32 s17, $0x0;
	s26 =	sadd.s32 @!p1 $0x5A0, s20;
	s25 =	sadd.s32 $0x4560, s19  }
0xd6: {  	[spmem:s2] =	stream.indirect.scatter.add.f32 @!p1 [tilespmem:s25], [sflag:$0x2], $0x40, s26, s23, $0xb8;
	[tilespmem:$0x1A360] =	vst v63  }
0xd7: {  	s20 =	sadd.s32 @!p1 $0x5F0, s20;
	s19 =	sadd.s32 $0x5960, s19;
	s26 =	smul.u32 @!p3 $0x640, s18  }
0xd8: {  	[spmem:s2] =	stream.indirect.scatter.add.f32 @!p1 [tilespmem:s19], [sflag:$0x2], $0x40, s20, s23, $0xb8;
	[tilespmem:$0x1A360] =	vst v63  }
0xd9: {  	s20 =	sshrl.u32 @!p3 s26, $0x2  }
0xda: {  	s26 =	simm.s32 @!p3 $0x50;
	s23 =	sadd.s32 @!p3 $0x4B0, s20  }
0xdb: {  	[spmem:s2] =	stream.indirect.scatter.add.f32 @!p3 [tilespmem:s21], [sflag:$0x3], $0x40, s23, s26, $0xb8;
	[tilespmem:$0x1A360] =	vst v63  }
0xdc: {  	s21 =	sadd.s32 @!p3 $0x500, s20  }
0xdd: {  	[spmem:s2] =	stream.indirect.scatter.add.f32 @!p3 [tilespmem:s22], [sflag:$0x3], $0x40, s21, s26, $0xb8;
	[tilespmem:$0x1A360] =	vst v63  }
0xde: {  	s21 =	sadd.s32 @!p3 $0x550, s20  }
0xdf: {  	[spmem:s2] =	stream.indirect.scatter.add.f32 @!p3 [tilespmem:s24], [sflag:$0x3], $0x40, s21, s26, $0xb8;
	[tilespmem:$0x1A360] =	vst v63  }
0xe0: {  	s21 =	sadd.s32 @!p3 $0x5A0, s20  }
0xe1: {  	[spmem:s2] =	stream.indirect.scatter.add.f32 @!p3 [tilespmem:s25], [sflag:$0x3], $0x40, s21, s26, $0xb8;
	[tilespmem:$0x1A360] =	vst v63  }
0xe2: {  	p2 =	slt.u32 s7, $0x19;
	s22 =	simm.s32 $0x1;
	s21 =	simm.s32 $0x1  }
0xe3: {  	s22 =	simm.s32 @!p2 $0x0;
	s21 =	simm.s32 @!p0 $0x0  }
0xe4: {  	p2 =	seq.s32 s22, s21  }
0xe5: {  	s20 =	sadd.s32 @!p3 $0x5F0, s20;
	s18 =	smul.u32 @!p2 $0x640, s18  }
0xe6: {  	[spmem:s2] =	stream.indirect.scatter.add.f32 @!p3 [tilespmem:s19], [sflag:$0x3], $0x40, s20, s26, $0xb8;
	[tilespmem:$0x1A360] =	vst v63  }
0xe7: {  	s18 =	sshrl.u32 @!p2 s18, $0x2  }
0xe8: {  	s20 =	simm.s32 @!p2 $0x50;
	s21 =	simm.s32 @!p2 $0xD160;
	s19 =	sadd.s32 @!p2 $0x4B0, s18  }
0xe9: {  	[spmem:s3] =	stream.indirect.scatter.add.f32 @!p2 [tilespmem:s21], [sflag:$0x4], $0x10, s19, s20, $0xb8;
	[tilespmem:$0x1A360] =	vst v63  }
0xea: {  	s19 =	sadd.s32 @!p2 $0x500, s18  }
0xeb: {  	[spmem:s3] =	stream.indirect.scatter.add.f32 @!p2 [tilespmem:s21], [sflag:$0x4], $0x10, s19, s20, $0xb8;
	[tilespmem:$0x1A360] =	vst v63  }
0xec: {  	s19 =	sadd.s32 @!p2 $0x550, s18  }
0xed: {  	[spmem:s3] =	stream.indirect.scatter.add.f32 @!p2 [tilespmem:s21], [sflag:$0x4], $0x10, s19, s20, $0xb8;
	[tilespmem:$0x1A360] =	vst v63  }
0xee: {  	s19 =	sadd.s32 @!p2 $0x5A0, s18  }
0xef: {  	[spmem:s3] =	stream.indirect.scatter.add.f32 @!p2 [tilespmem:s21], [sflag:$0x4], $0x10, s19, s20, $0xb8;
	[tilespmem:$0x1A360] =	vst v63  }
0xf0: {  	s18 =	sadd.s32 @!p2 $0x5F0, s18  }
0xf1: {  	[spmem:s3] =	stream.indirect.scatter.add.f32 @!p2 [tilespmem:s21], [sflag:$0x4], $0x10, s18, s20, $0xb8;
	[tilespmem:$0x1A360] =	vst v63  }
0xf2: {  	s18 =	simm.s32 @!p2 $0x4  }
0xf3: {  	_ =	swait.ge @!p2 [sflag:s18], $0x500  }
0xf4: {  	[sflag:s18] =	ssyncset.done @!p2 $0x0  }
0xf5: {  	[sflag:s18] =	ssyncadd.s32 @!p2 $0xFFFFFB00  }
0xf6: {  	_ =	swait.ge @!p2 [sflag:s18], $0x500  }
0xf7: {  	[sflag:s18] =	ssyncset.done @!p2 $0x0  }
0xf8: {  	[sflag:s18] =	ssyncadd.s32 @!p2 $0xFFFFFB00  }
0xf9: {  	_ =	swait.ge @!p2 [sflag:s18], $0x500  }
0xfa: {  	[sflag:s18] =	ssyncset.done @!p2 $0x0  }
0xfb: {  	[sflag:s18] =	ssyncadd.s32 @!p2 $0xFFFFFB00  }
0xfc: {  	_ =	swait.ge @!p2 [sflag:s18], $0x500  }
0xfd: {  	[sflag:s18] =	ssyncset.done @!p2 $0x0  }
0xfe: {  	[sflag:s18] =	ssyncadd.s32 @!p2 $0xFFFFFB00  }
0xff: {  	_ =	swait.ge @!p2 [sflag:s18], $0x500  }
0x100: {  	[sflag:s18] =	ssyncset.done @!p2 $0x0  }
0x101: {  	[sflag:s18] =	ssyncadd.s32 @!p2 $0xFFFFFB00;
	s18 =	simm.s32 @p1 $0x2  }
0x102: {  	_ =	swait.ge @p1 [sflag:s18], $0x1400  }
0x103: {  	[sflag:s18] =	ssyncset.done @p1 $0x0  }
0x104: {  	[sflag:s18] =	ssyncadd.s32 @p1 $0xFFFFEC00  }
0x105: {  	_ =	swait.ge @p1 [sflag:s18], $0x1400  }
0x106: {  	[sflag:s18] =	ssyncset.done @p1 $0x0  }
0x107: {  	[sflag:s18] =	ssyncadd.s32 @p1 $0xFFFFEC00  }
0x108: {  	_ =	swait.ge @p1 [sflag:s18], $0x1400  }
0x109: {  	[sflag:s18] =	ssyncset.done @p1 $0x0  }
0x10a: {  	[sflag:s18] =	ssyncadd.s32 @p1 $0xFFFFEC00  }
0x10b: {  	_ =	swait.ge @p1 [sflag:s18], $0x1400  }
0x10c: {  	[sflag:s18] =	ssyncset.done @p1 $0x0  }
0x10d: {  	p2 =	seq.s32 s7, $0x0;
	[sflag:s18] =	ssyncadd.s32 @p1 $0xFFFFEC00  }
0x10e: {  	p3 =	sne.s32 @!p2 s17, $0x0;
	_ =	swait.ge @p1 [sflag:s18], $0x1400  }
0x10f: {  	p2 =	por p3, p2;
	[sflag:s18] =	ssyncset.done @p1 $0x0  }
0x110: {  	s19 =	simm.s32 @!p2 $0x3;
	[sflag:s18] =	ssyncadd.s32 @p1 $0xFFFFEC00  }
0x111: {  	_ =	swait.ge @!p2 [sflag:s19], $0x1400  }
0x112: {  	[sflag:s19] =	ssyncset.done @!p2 $0x0  }
0x113: {  	[sflag:s19] =	ssyncadd.s32 @!p2 $0xFFFFEC00  }
0x114: {  	_ =	swait.ge @!p2 [sflag:s19], $0x1400  }
0x115: {  	[sflag:s19] =	ssyncset.done @!p2 $0x0  }
0x116: {  	[sflag:s19] =	ssyncadd.s32 @!p2 $0xFFFFEC00  }
0x117: {  	_ =	swait.ge @!p2 [sflag:s19], $0x1400  }
0x118: {  	[sflag:s19] =	ssyncset.done @!p2 $0x0  }
0x119: {  	[sflag:s19] =	ssyncadd.s32 @!p2 $0xFFFFEC00  }
0x11a: {  	s18 =	sadd.s32 $0x1, s7;
	p1 =	seq.s32 s7, $0x31;
	_ =	swait.ge @!p2 [sflag:s19], $0x1400  }
0x11b: {  	s20 =	smul.u32 @!p1 $0xAB, s18;
	[sflag:s19] =	ssyncset.done @!p2 $0x0  }
0x11c: {  	[sflag:s19] =	ssyncadd.s32 @!p2 $0xFFFFEC00  }
0x11d: {  	s20 =	sshrl.u32 @!p1 s20, $0x9;
	_ =	swait.ge @!p2 [sflag:s19], $0x1400  }
0x11e: {  	s20 =	sand.u32 @!p1 $0x7F, s20;
	[sflag:s19] =	ssyncset.done @!p2 $0x0  }
0x11f: {  	[sflag:s19] =	ssyncadd.s32 @!p2 $0xFFFFEC00;
	s19 =	smul.u32 @!p1 $0x3, s20;
	s20 =	simm.s32 @!p1 $0x5  }
0x120: {  	_ =	swait.ge @!p1 [sflag:s20], $0x190  }
0x121: {  	s19 =	ssub.s32 @!p1 s18, s19;
	[sflag:s20] =	ssyncset.done @!p1 $0x0  }
0x122: {  	s19 =	sand.u32 @!p1 $0xFF, s19;
	[sflag:s20] =	ssyncadd.s32 @!p1 $0xFFFFFE70  }
0x123: {  	_ =	swait.ge @!p1 [sflag:s20], $0x190;
	s19 =	smul.u32 @!p1 $0x640, s19  }
0x124: {  	[sflag:s20] =	ssyncset.done @!p1 $0x0  }
0x125: {  	[sflag:s20] =	ssyncadd.s32 @!p1 $0xFFFFFE70;
	s19 =	sshrl.u32 @!p1 s19, $0x2  }
0x126: {  	v2 =	vld @!p1 [tilespmem:s19+$0x0]  }
0x127: {  	v3 =	vld @!p1 [tilespmem:s19+$0x10]  }
0x128: {  	v4 =	vld @!p1 [tilespmem:s19+$0x20]  }
0x129: {  	v5 =	vld @!p1 [tilespmem:s19+$0x30]  }
0x12a: {  	v6 =	vld @!p1 [tilespmem:s19+$0x40]  }
0x12b: {  	v7 =	vld @!p1 [tilespmem:s19+$0x50];
	v2 =	vshll.u32 @!p1 v2, $0x1  }
0x12c: {  	v8 =	vld @!p1 [tilespmem:s19+$0x60];
	v3 =	vshll.u32 @!p1 v3, $0x1;
	v2 =	vor.u32 @!p1 v0, v2  }
0x12d: {  	[tilespmem:s19+$0x0] =	vst @!p1 v2;
	v2 =	vor.u32 @!p1 v0, v3;
	v3 =	vshll.u32 @!p1 v4, $0x1;
	v4 =	vld @!p1 [tilespmem:s19+$0x70]  }
0x12e: {  	[tilespmem:s19+$0x10] =	vst @!p1 v2;
	v2 =	vor.u32 @!p1 v0, v3;
	v3 =	vshll.u32 @!p1 v5, $0x1;
	v5 =	vld @!p1 [tilespmem:s19+$0x80]  }
0x12f: {  	[tilespmem:s19+$0x20] =	vst @!p1 v2;
	v2 =	vor.u32 @!p1 v0, v3;
	v3 =	vshll.u32 @!p1 v6, $0x1;
	v6 =	vld @!p1 [tilespmem:s19+$0x90]  }
0x130: {  	[tilespmem:s19+$0x30] =	vst @!p1 v2;
	v2 =	vor.u32 @!p1 v0, v3;
	v3 =	vshll.u32 @!p1 v7, $0x1;
	v7 =	vld @!p1 [tilespmem:s19+$0xA0]  }
0x131: {  	[tilespmem:s19+$0x40] =	vst @!p1 v2;
	v2 =	vor.u32 @!p1 v0, v3;
	v3 =	vshll.u32 @!p1 v8, $0x1;
	v8 =	vld @!p1 [tilespmem:s19+$0xB0]  }
0x132: {  	[tilespmem:s19+$0x50] =	vst @!p1 v2;
	v2 =	vor.u32 @!p1 v0, v3;
	v3 =	vshll.u32 @!p1 v4, $0x1;
	v4 =	vld @!p1 [tilespmem:s19+$0xC0]  }
0x133: {  	[tilespmem:s19+$0x60] =	vst @!p1 v2;
	v2 =	vor.u32 @!p1 v0, v3;
	v3 =	vshll.u32 @!p1 v5, $0x1;
	v5 =	vld @!p1 [tilespmem:s19+$0xD0]  }
0x134: {  	[tilespmem:s19+$0x70] =	vst @!p1 v2;
	v2 =	vor.u32 @!p1 v0, v3;
	v3 =	vshll.u32 @!p1 v6, $0x1;
	v6 =	vld @!p1 [tilespmem:s19+$0xE0]  }
0x135: {  	[tilespmem:s19+$0x80] =	vst @!p1 v2;
	v2 =	vor.u32 @!p1 v0, v3;
	v3 =	vshll.u32 @!p1 v7, $0x1;
	v7 =	vld @!p1 [tilespmem:s19+$0xF0]  }
0x136: {  	[tilespmem:s19+$0x90] =	vst @!p1 v2;
	v2 =	vor.u32 @!p1 v0, v3;
	v3 =	vshll.u32 @!p1 v8, $0x1;
	v8 =	vld @!p1 [tilespmem:s19+$0x100]  }
0x137: {  	[tilespmem:s19+$0xA0] =	vst @!p1 v2;
	v2 =	vor.u32 @!p1 v0, v3;
	v3 =	vshll.u32 @!p1 v4, $0x1;
	v4 =	vld @!p1 [tilespmem:s19+$0x110]  }
0x138: {  	[tilespmem:s19+$0xB0] =	vst @!p1 v2;
	v2 =	vor.u32 @!p1 v0, v3;
	v3 =	vshll.u32 @!p1 v5, $0x1;
	v5 =	vld @!p1 [tilespmem:s19+$0x120]  }
0x139: {  	p2 =	sgt.u32 @!p1 s7, $0x2F;
	[tilespmem:s19+$0xC0] =	vst @!p1 v2;
	v2 =	vor.u32 @!p1 v0, v3;
	v3 =	vshll.u32 @!p1 v6, $0x1;
	v6 =	vld @!p1 [tilespmem:s19+$0x130]  }
0x13a: {  	p2 =	por p2, p1;
	[tilespmem:s19+$0xD0] =	vst @!p1 v2;
	v2 =	vor.u32 @!p1 v0, v3;
	v3 =	vshll.u32 @!p1 v7, $0x1;
	v7 =	vld @!p1 [tilespmem:s19+$0x140]  }
0x13b: {  	s7 =	sadd.s32 @!p2 $0x2, s7;
	[tilespmem:s19+$0xE0] =	vst @!p1 v2;
	v2 =	vor.u32 @!p1 v0, v3;
	v3 =	vshll.u32 @!p1 v8, $0x1;
	v8 =	vld @!p1 [tilespmem:s19+$0x150]  }
0x13c: {  	s20 =	sand.u32 @!p2 $0xFF, s7;
	[tilespmem:s19+$0xF0] =	vst @!p1 v2;
	v2 =	vor.u32 @!p1 v0, v3;
	v3 =	vshll.u32 @!p1 v4, $0x1;
	v4 =	vld @!p1 [tilespmem:s19+$0x160]  }
0x13d: {  	s20 =	smul.u32 @!p2 $0xAB, s20;
	[tilespmem:s19+$0x100] =	vst @!p1 v2;
	v2 =	vor.u32 @!p1 v0, v3;
	v3 =	vshll.u32 @!p1 v5, $0x1;
	v5 =	vld @!p1 [tilespmem:s19+$0x170]  }
0x13e: {  	[tilespmem:s19+$0x110] =	vst @!p1 v2;
	v2 =	vor.u32 @!p1 v0, v3;
	v3 =	vshll.u32 @!p1 v6, $0x1;
	v6 =	vld @!p1 [tilespmem:s19+$0x180]  }
0x13f: {  	s20 =	sshrl.u32 @!p2 s20, $0x9;
	[tilespmem:s19+$0x120] =	vst @!p1 v2;
	v2 =	vor.u32 @!p1 v0, v3;
	v3 =	vshll.u32 @!p1 v7, $0x1  }
0x140: {  	s20 =	smul.u32 @!p2 $0x3, s20;
	[tilespmem:s19+$0x130] =	vst @!p1 v2;
	v2 =	vor.u32 @!p1 v0, v3;
	v3 =	vshll.u32 @!p1 v8, $0x1  }
0x141: {  	[tilespmem:s19+$0x140] =	vst @!p1 v2;
	v2 =	vor.u32 @!p1 v0, v3;
	v3 =	vshll.u32 @!p1 v4, $0x1  }
0x142: {  	s7 =	ssub.s32 @!p2 s7, s20;
	[tilespmem:s19+$0x150] =	vst @!p1 v2;
	v2 =	vor.u32 @!p1 v0, v3;
	v3 =	vshll.u32 @!p1 v5, $0x1  }
0x143: {  	s7 =	sand.u32 @!p2 $0xFF, s7;
	[tilespmem:s19+$0x160] =	vst @!p1 v2;
	v2 =	vor.u32 @!p1 v0, v3;
	v3 =	vshll.u32 @!p1 v6, $0x1  }
0x144: {  	s7 =	smul.u32 @!p2 $0x190, s7;
	[tilespmem:s19+$0x170] =	vst @!p1 v2;
	v2 =	vor.u32 @!p1 v0, v3  }
0x145: {  	s17 =	sxor.u32 @!p1 $0x1, s17;
	s20 =	simm.s32 @!p2 $0x0;
	[tilespmem:s19+$0x180] =	vst @!p1 v2  }
0x146: {  	[tilespmem:s7], [sflag:$0x5] =	stream.linear.gather @!p2 [hbm4b:s0+s20], $0x190, $0x38;
	[tilespmem:$0x1A360] =	vst v63  }
0x147: {  	s17 =	smul.u32 @!p1 $0x19000, s17;
	s7 =	sadd.s32 @!p2 $0x4B0, s7  }
0x148: {  	[tilespmem:s7], [sflag:$0x5] =	stream.linear.gather @!p2 [hbm4b:s31+s20], $0x190, $0x38;
	[tilespmem:$0x1A360] =	vst v63  }
0x149: {  	s7 =	sshrl.u32 @!p1 s17, $0x2  }
0x14a: {  	s20 =	simm.s32 @!p1 $0x50;
	s17 =	sadd.s32 @!p1 $0x960, s7  }
0x14b: {  	[tilespmem:s17], [sflag:$0x1] =	stream.indirect.gather @!p1 [hbm4b:s1+s20], $0x40, s19, s20, $0xb8;
	[tilespmem:$0x1A360] =	vst v63  }
0x14c: {  	p2 =	sne.s32 @!p1 s18, $0x32;
	s21 =	sadd.s32 @!p1 $0x1D60, s7;
	s17 =	sadd.s32 @!p1 $0x50, s19  }
0x14d: {  	[tilespmem:s21], [sflag:$0x1] =	stream.indirect.gather @!p1 [hbm4b:s1+s20], $0x40, s17, s20, $0xb8;
	[tilespmem:$0x1A360] =	vst v63  }
0x14e: {  	p2 =	por p1, !p2;
	s17 =	sadd.s32 @!p1 $0xA0, s19;
	s21 =	sadd.s32 @!p1 $0x3160, s7  }
0x14f: {  	[tilespmem:s21], [sflag:$0x1] =	stream.indirect.gather @!p1 [hbm4b:s1+s20], $0x40, s17, s20, $0xb8;
	[tilespmem:$0x1A360] =	vst v63  }
.Ltmp1:
0x150: {  	s17 =	sadd.s32 @!p1 $0xF0, s19;
	s21 =	sadd.s32 @!p1 $0x4560, s7;
	(pc) =	sbr.rel @!p2 .LBB2_4-.Ltmp1, $4  }
0x151: {  	[tilespmem:s21], [sflag:$0x1] =	stream.indirect.gather @!p1 [hbm4b:s1+s20], $0x40, s17, s20, $0xb8;
	[tilespmem:$0x1A360] =	vst v63  }
0x152: {  	s7 =	sadd.s32 @!p1 $0x5960, s7;
	s17 =	sadd.s32 @!p1 $0x140, s19  }
0x153: {  	[tilespmem:s7], [sflag:$0x1] =	stream.indirect.gather @!p1 [hbm4b:s1+s20], $0x40, s17, s20, $0xb8;
	[tilespmem:$0x1A360] =	vst v63  }
0x154: {  	s0 =	sadd.s32 @!p1 $0x32, s0;
	s31 =	sadd.s32 @!p1 $0x32, s31;
	s7 =	smov.u32 s18  }
0x155: {  	_ =	swait.ge [sflag:s10], $0x1400  }
0x156: {  	[sflag:s10] =	ssyncset.done $0x0  }
0x157: {  	[sflag:s10] =	ssyncadd.s32 $0xFFFFEC00  }
0x158: {  	_ =	swait.ge [sflag:s10], $0x1400  }
0x159: {  	[sflag:s10] =	ssyncset.done $0x0  }
0x15a: {  	[sflag:s10] =	ssyncadd.s32 $0xFFFFEC00  }
0x15b: {  	_ =	swait.ge [sflag:s10], $0x1400  }
0x15c: {  	[sflag:s10] =	ssyncset.done $0x0  }
0x15d: {  	[sflag:s10] =	ssyncadd.s32 $0xFFFFEC00  }
0x15e: {  	_ =	swait.ge [sflag:s10], $0x1400  }
0x15f: {  	[sflag:s10] =	ssyncset.done $0x0  }
0x160: {  	[sflag:s10] =	ssyncadd.s32 $0xFFFFEC00  }
0x161: {  	_ =	swait.ge [sflag:s10], $0x1400  }
0x162: {  	[sflag:s10] =	ssyncset.done $0x0  }
0x163: {  	s0 =	stileid.u32;
	s7 =	sshrl.u32 s12, $0x3;
	[sflag:s10] =	ssyncadd.s32 $0xFFFFEC00  }
0x164: {  	s18 =	simm.s32 $0x10;
	s0 =	sshll.u32 s0, $0x6;
	[bflag:$0x0] =	sbarrier.arrive $0xFFFF  }
0x165: {  	s19 =	simm.s32 $0x8;
	s0 =	sor.u32 $0x1C06, s0;
	s17 =	rddreg [dreg:$0x9]  }
0x166: {  	[hbm:s17@s18], [sflag:s0] =	dma.strided [spmem:s7@s19], $0x1400, s11, $0x8   }
0x167: {  	_ =	swait.ge [sflag:s15], $0x1400  }
0x168: {  	s24 =	sshrl.u32 s14, $0x3;
	[sflag:s15] =	ssyncset.done $0x0  }
0x169: {  	s26 =	simm.s32 $0x4;
	s25 =	rddreg [dreg:$0xa];
	[sflag:s15] =	ssyncadd.s32 $0xFFFFEC00  }
0x16a: {  	[hbm:s25@s26], [sflag:s0] =	dma.strided [spmem:s24@s9], $0x500, s11, $0x2   }
0x16b: {  	_ =	swait.ge [sflag:s15], $0x500  }
0x16c: {  	s5 =	sadd.s32 $0x1, s5;
	s31 =	rddreg [dreg:$0xb]  }
0x16d: {  	p1 =	sne.s32 s5, s31  }
.Ltmp2:
0x16e: {  	_ = 	snop;
	(pc) =	sbr.rel @p1 .LBB2_1-.Ltmp2, $3  }
0x16f: {  	_ =	sdelay $0x1  }
0x170: {  	[sflag:s15] =	ssyncset.done $0x0  }
0x171: {  	[sflag:s15] =	ssyncadd.s32 $0xFFFFFB00  }
0x172: {  	_ =	sfence.sel $0x180000  }
0x173: {  	[bflag:$0x0] =	sbarrier.arrive $0xFFFF  }
0x174: {  	_ =	strace $0x90000047  }
0x175: {  	s0 =	stileid.u32;
	[bflag:$0x2] =	sbarrier.arrive $0xFFFF  }
0x176: {  	p0 =	sne.s32 s0, $0x0;
	s0 =	rddreg [dreg:$0x5]  }
0x177: {  	s0 =	sadd.s32 @!p0 $0x100000, s0  }
0x178: {  	[sflag:s0] =	ssyncadd.tile.s32 @!p0 $0x1;
	_ =	shalt  }
.Lfunc_end2:
_tile_overlayer_lowered:
.L_overlay_start_2:
0x179: {  	(tag) =	ssettag $0x2  }
0x17a: {  	s0 =	rddreg [dreg:$0x0];
	s2 =	stileid.u32  }
0x17b: {  	s1 =	rddreg [dreg:$0x1];
	p0 =	sne.s32 s2, $0x0  }
0x17c: {  	s3 =	rddreg [dreg:$0x2];
	[bflag:$0x3] =	sbarrier.arrive $0xFFFF;
	s2 =	simm.s32 @!p0 $0x1C06  }
0x17d: {  	[timem:s3], [sflag:s2] =	dma.local @!p0 [hbm:s0], s1  }
0x17e: {  	s0 =	simm.s32 @!p0 $0x6  }
0x17f: {  	_ =	swait.ge @!p0 [sflag:s0], s1  }
0x180: {  	s1 =	ssub.s32 @!p0 $0x0, s1;
	[sflag:s0] =	ssyncset.done @!p0 $0x0  }
0x181: {  	[sflag:s0] =	ssyncadd.s32 @!p0 s1  }
0x182: {  	[bflag:$0x3] =	sbarrier.arrive $0xFFFF  }
0x183: {  	_ =	shalt  }

</sc_bundles>
